<compile_context>
chip_gen: v7x
topology: tpu7x:2x2x1
jax: 0.10.2.dev20260603
libtpu: 0.0.44.dev20260713+nightly
codegen_flags: <defaults>
</compile_context>

<pallas_src>
import functools

import jax
import jax.numpy as jnp
from jax import lax
from jax.experimental import pallas as pl
from jax.experimental.pallas import tpu as pltpu
from jax.experimental.pallas import tpu_sc as plsc

N_NODES = 10000
N_EDGES = 2048
DIM = 128

_SC_CORES = 2
_SC_SUBCORES = 16
_NW = _SC_CORES * _SC_SUBCORES

_GB = 2 * N_EDGES
_GPW = _GB // _NW


@functools.cache
def _sc_gather_kernel(dt):
    dt = jnp.dtype(dt)
    mesh = plsc.VectorSubcoreMesh(core_axis_name="c", subcore_axis_name="s")

    @functools.partial(
        pl.kernel,
        mesh=mesh,
        out_type=jax.ShapeDtypeStruct((_GB, DIM), dt),
        scratch_types=[
            pltpu.VMEM((_GPW,), jnp.int32),
            pltpu.VMEM((_GPW, DIM), dt),
            pltpu.SemaphoreType.DMA,
        ],
    )
    def _sc_gather(table_hbm, src_hbm, tgt_hbm, out_hbm, idx_v, rows_v, sem):
        wid = lax.axis_index("s") * _SC_CORES + lax.axis_index("c")
        base = wid * _GPW
        half = _GB // 2

        @pl.when(base < half)
        def _():
            pltpu.sync_copy(src_hbm.at[pl.ds(base, _GPW)], idx_v)

        @pl.when(base >= half)
        def _():
            pltpu.sync_copy(tgt_hbm.at[pl.ds(base - half, _GPW)], idx_v)

        pltpu.async_copy(table_hbm.at[idx_v], rows_v, sem).wait()
        pltpu.sync_copy(rows_v, out_hbm.at[pl.ds(base, _GPW)])

    return _sc_gather


_HALF = N_NODES // _SC_CORES
_ACC_ROWS = _HALF + 8
_EPT = N_EDGES // _SC_SUBCORES
_ZPT = _ACC_ROWS // _SC_SUBCORES
_CPT = _HALF // _SC_SUBCORES


_ZCH = 64


@functools.cache
def _sc_scatter_kernel():
    mesh = plsc.VectorSubcoreMesh(core_axis_name="c", subcore_axis_name="s")

    @functools.partial(
        pl.kernel,
        mesh=mesh,
        out_type=jax.ShapeDtypeStruct((N_NODES, DIM), jnp.float32),
        scratch_types=[
            pltpu.VMEM((_EPT,), jnp.int32),
            pltpu.VMEM((_EPT,), jnp.int32),
            pltpu.VMEM((_EPT, DIM), jnp.float32),
            pltpu.VMEM((_ZCH, DIM), jnp.float32),
            pltpu.VMEM_SHARED((_ACC_ROWS, DIM), jnp.float32),
            pltpu.SemaphoreType.DMA,
            pltpu.SemaphoreType.DMA,
            pltpu.SemaphoreType.DMA,
        ],
    )
    def _sc_scatter(msg_hbm, tgt_hbm, out_hbm, idx_v, idx2_v, rows_v, zbuf_v,
                    acc_sh, sem_i, sem_m, sem_z):
        c = lax.axis_index("c")
        s = lax.axis_index("s")

        base = s * _EPT
        cp_i = pltpu.async_copy(tgt_hbm.at[pl.ds(base, _EPT)], idx_v, sem_i)
        cp_m = pltpu.async_copy(msg_hbm.at[pl.ds(base, _EPT)], rows_v, sem_m)

        def _zrow(i, carry):
            for j in range(DIM // 16):
                zbuf_v[i, pl.ds(j * 16, 16)] = jnp.zeros((16,), jnp.float32)
            return carry
        lax.fori_loop(0, _ZCH, _zrow, 0)
        zc = []
        for kk in range(_ZPT // _ZCH):
            zc.append(pltpu.async_copy(
                zbuf_v, acc_sh.at[pl.ds(s * _ZPT + kk * _ZCH, _ZCH)], sem_z))
        rem = _ZPT % _ZCH
        zc.append(pltpu.async_copy(
            zbuf_v.at[pl.ds(0, rem)],
            acc_sh.at[pl.ds(s * _ZPT + _ZPT - rem, rem)], sem_z))

        cp_i.wait()
        lo = c * _HALF
        for j in range(_EPT // 16):
            v = idx_v[pl.ds(j * 16, 16)] - lo
            inr = (v >= 0) & (v < _HALF)
            idx2_v[pl.ds(j * 16, 16)] = jnp.where(inr, v, _HALF)

        for z in zc:
            z.wait()
        cp_m.wait()
        plsc.subcore_barrier()
        pltpu.sync_copy(rows_v, acc_sh.at[idx2_v], add=True)
        plsc.subcore_barrier()

        pltpu.sync_copy(acc_sh.at[pl.ds(s * _CPT, _CPT)],
                        out_hbm.at[pl.ds(lo + s * _CPT, _CPT)])

        @pl.when(s == _SC_SUBCORES - 1)
        def _():
            rem = _HALF - _SC_SUBCORES * _CPT
            pltpu.sync_copy(acc_sh.at[pl.ds(_SC_SUBCORES * _CPT, rem)],
                            out_hbm.at[pl.ds(lo + _SC_SUBCORES * _CPT, rem)])

    return _sc_scatter


_EB = N_EDGES // 2


def _edge_mlp_blk_body(xs_ref, xt_ref, rel_ref, w1a, w1b, b1, w2, b2, out_ref):
    xs = xs_ref[...].astype(jnp.bfloat16)
    xt = xt_ref[...].astype(jnp.bfloat16)
    h = jnp.dot(xs, w1a[...].astype(jnp.bfloat16),
                preferred_element_type=jnp.float32)
    h = h + jnp.dot(xt, w1b[...].astype(jnp.bfloat16),
                    preferred_element_type=jnp.float32)
    h = jnp.maximum(h + b1[...], 0.0).astype(jnp.bfloat16)
    msg = jnp.dot(h, w2[...].astype(jnp.bfloat16),
                  preferred_element_type=jnp.float32) + b2[...]
    src = rel_ref[:, 0:1]
    tgt = rel_ref[:, 2:3]
    valid = ((src < N_NODES) & (tgt < N_NODES)).astype(jnp.float32)
    out_ref[...] = msg * valid


def _edge_mlp(rows, relations, W1, b1, W2, b2):
    full = lambda j: (0, 0)
    nb = N_EDGES // _EB
    return pl.pallas_call(
        _edge_mlp_blk_body,
        grid=(nb,),
        in_specs=[
            pl.BlockSpec((_EB, DIM), lambda j: (j, 0)),
            pl.BlockSpec((_EB, DIM), lambda j: (j + nb, 0)),
            pl.BlockSpec((_EB, 3), lambda j: (j, 0)),
            pl.BlockSpec((DIM, DIM), full),
            pl.BlockSpec((DIM, DIM), full),
            pl.BlockSpec((1, DIM), full),
            pl.BlockSpec((DIM, DIM), full),
            pl.BlockSpec((1, DIM), full),
        ],
        out_specs=pl.BlockSpec((_EB, DIM), lambda j: (j, 0)),
        out_shape=jax.ShapeDtypeStruct((N_EDGES, DIM), jnp.float32),
    )(rows, rows, relations, W1[:DIM], W1[DIM:], b1.reshape(1, DIM), W2,
      b2.reshape(1, DIM))


def _gru_body(agg_ref, x_ref, wih, bih, whh, bhh, out_ref):
    gi = jnp.dot(agg_ref[...].astype(jnp.bfloat16),
                 wih[...].astype(jnp.bfloat16),
                 preferred_element_type=jnp.float32) + bih[...]
    gh = jnp.dot(x_ref[...].astype(jnp.bfloat16),
                 whh[...].astype(jnp.bfloat16),
                 preferred_element_type=jnp.float32) + bhh[...]
    r = jax.nn.sigmoid(gi[:, :DIM] + gh[:, :DIM])
    z = jax.nn.sigmoid(gi[:, DIM:2 * DIM] + gh[:, DIM:2 * DIM])
    n = jnp.tanh(gi[:, 2 * DIM:] + r * gh[:, 2 * DIM:])
    x32 = x_ref[...].astype(jnp.float32)
    out_ref[...] = ((1.0 - z) * n + z * x32).astype(out_ref.dtype)


def _gru(agg, x, Wih, bih, Whh, bhh, out_dtype=jnp.float32):
    R = 2000
    full = lambda i: (0, 0)
    return pl.pallas_call(
        _gru_body,
        grid=(N_NODES // R,),
        in_specs=[
            pl.BlockSpec((R, DIM), lambda i: (i, 0)),
            pl.BlockSpec((R, DIM), lambda i: (i, 0)),
            pl.BlockSpec((DIM, 3 * DIM), full),
            pl.BlockSpec((1, 3 * DIM), full),
            pl.BlockSpec((DIM, 3 * DIM), full),
            pl.BlockSpec((1, 3 * DIM), full),
        ],
        out_specs=pl.BlockSpec((R, DIM), lambda i: (i, 0)),
        out_shape=jax.ShapeDtypeStruct((N_NODES, DIM), out_dtype),
    )(agg, x, Wih, bih.reshape(1, -1), Whh, bhh.reshape(1, -1))


def _layer_norm(h, g, b):
    mu = jnp.mean(h, axis=-1, keepdims=True)
    var = jnp.mean((h - mu) ** 2, axis=-1, keepdims=True)
    return (h - mu) * jax.lax.rsqrt(var + 1e-5) * g + b


def _readout_body(sym_ref, x_ref, d1, db1, g1, c1, d2, db2, g2, c2, d3, db3,
                  out_ref):
    agg = jnp.dot(sym_ref[...].astype(jnp.bfloat16),
                  x_ref[...].astype(jnp.bfloat16),
                  preferred_element_type=jnp.float32)
    h = jnp.dot(agg.astype(jnp.bfloat16), d1[...].astype(jnp.bfloat16),
                preferred_element_type=jnp.float32) + db1[...]
    h = jnp.maximum(_layer_norm(h, g1[...], c1[...]), 0.0)
    h = jnp.dot(h.astype(jnp.bfloat16), d2[...].astype(jnp.bfloat16),
                preferred_element_type=jnp.float32) + db2[...]
    h = jnp.maximum(_layer_norm(h, g2[...], c2[...]), 0.0)
    out_ref[...] = jnp.dot(h.astype(jnp.bfloat16),
                           d3[...].astype(jnp.bfloat16),
                           preferred_element_type=jnp.float32) + db3[...]


def _readout(symbols, x, p):
    B = symbols.shape[0]
    return pl.pallas_call(
        _readout_body,
        out_shape=jax.ShapeDtypeStruct((B, DIM), jnp.float32),
    )(symbols, x,
      p["D1"], p["db1"].reshape(1, -1), p["ln1_g"].reshape(1, -1),
      p["ln1_b"].reshape(1, -1),
      p["D2"], p["db2"].reshape(1, -1), p["ln2_g"].reshape(1, -1),
      p["ln2_b"].reshape(1, -1),
      p["D3"], p["db3"].reshape(1, -1))


def kernel(symbols, relations, params):
    p = params
    x = p["emb"]
    src = relations[:, 0]
    tgt = relations[:, 2]
    for i in range(3):
        rows = _sc_gather_kernel(jnp.dtype(x.dtype).name)(x, src, tgt)
        msg = _edge_mlp(rows, relations, p[f"g{i}_W1"], p[f"g{i}_b1"],
                        p[f"g{i}_W2"], p[f"g{i}_b2"])
        agg = _sc_scatter_kernel()(msg, tgt)
        odt = jnp.bfloat16 if i == 2 else jnp.float32
        x = _gru(agg, x, p[f"g{i}_Wih"], p[f"g{i}_bih"], p[f"g{i}_Whh"],
                 p[f"g{i}_bhh"], out_dtype=odt)
    return _readout(symbols, x, p)

# --- scband reference (transcript-rebuilt; emitter-appended) ---
"""Pipeline reference for scband-symbolic-to-neural-translator-7275674599836 (READ-ONLY COPY).

The authoritative reference and input builder live on the scoring server;
editing this copy changes nothing except your own understanding.
"""

import jax, jax.numpy as jnp
import numpy as np

NUM_SYMBOLS = 10000
NUM_RELATIONS = 64
EMBED_DIM = 128
OUTPUT_DIM = 128
BATCH = 16
NUM_EDGES = 2048


def _glorot(key, shape):
    return jax.random.normal(key, shape, dtype=jnp.float32) * (1.0 / np.sqrt(shape[0]))


def _ln(x, g, b):
    mu = jnp.mean(x, axis=-1, keepdims=True)
    var = jnp.var(x, axis=-1, keepdims=True)
    return (x - mu) / jnp.sqrt(var + 1e-5) * g + b


def _gru_cell(inp, h, Wih, bih, Whh, bhh):
    gi = inp @ Wih + bih
    gh = h @ Whh + bhh
    i_r, i_z, i_n = jnp.split(gi, 3, axis=-1)
    h_r, h_z, h_n = jnp.split(gh, 3, axis=-1)
    r = jax.nn.sigmoid(i_r + h_r)
    z = jax.nn.sigmoid(i_z + h_z)
    n = jnp.tanh(i_n + r * h_n)
    return (1.0 - z) * n + z * h


def _gnn_layer(x, edges, p, i):
    N = x.shape[0]
    src = edges[:, 0]
    tgt = edges[:, 2]
    valid = ((src < N) & (tgt < N)).astype(x.dtype)
    mi = jnp.concatenate([x[src], x[tgt]], axis=-1)
    h = jax.nn.relu(mi @ p[f"g{i}_W1"] + p[f"g{i}_b1"])
    msg = (h @ p[f"g{i}_W2"] + p[f"g{i}_b2"]) * valid[:, None]
    agg = jnp.zeros((N, msg.shape[-1]), dtype=x.dtype).at[tgt].add(msg)
    return _gru_cell(agg, x, p[f"g{i}_Wih"], p[f"g{i}_bih"], p[f"g{i}_Whh"], p[f"g{i}_bhh"])


def _forward(symbols, params, relations):
    x = params["emb"]
    for i in range(3):
        x = _gnn_layer(x, relations, params, i)
    weighted = symbols[:, :, None] * x[None, :, :]
    agg = jnp.sum(weighted, axis=1)
    h = agg @ params["D1"] + params["db1"]
    h = jax.nn.relu(_ln(h, params["ln1_g"], params["ln1_b"]))
    h = h @ params["D2"] + params["db2"]
    h = jax.nn.relu(_ln(h, params["ln2_g"], params["ln2_b"]))
    return h @ params["D3"] + params["db3"]


def setup_inputs(seed: int = 0):
    key = jax.random.key(seed)
    ks = jax.random.split(key, 32)
    d = EMBED_DIM
    params = {}
    params["emb"] = jax.random.normal(ks[0], (NUM_SYMBOLS, d), dtype=jnp.float32) * 0.02
    k = 1
    for i in range(3):
        params[f"g{i}_W1"] = _glorot(ks[k], (2 * d, d)); k += 1
        params[f"g{i}_b1"] = jnp.zeros((d,), jnp.float32)
        params[f"g{i}_W2"] = _glorot(ks[k], (d, d)); k += 1
        params[f"g{i}_b2"] = jnp.zeros((d,), jnp.float32)
        params[f"g{i}_Wih"] = _glorot(ks[k], (d, 3 * d)); k += 1
        params[f"g{i}_bih"] = jnp.zeros((3 * d,), jnp.float32)
        params[f"g{i}_Whh"] = _glorot(ks[k], (d, 3 * d)); k += 1
        params[f"g{i}_bhh"] = jnp.zeros((3 * d,), jnp.float32)
    params["D1"] = _glorot(ks[k], (d, 512)); k += 1
    params["db1"] = jnp.zeros((512,), jnp.float32)
    params["ln1_g"] = jnp.ones((512,), jnp.float32)
    params["ln1_b"] = jnp.zeros((512,), jnp.float32)
    params["D2"] = _glorot(ks[k], (512, 256)); k += 1
    params["db2"] = jnp.zeros((256,), jnp.float32)
    params["ln2_g"] = jnp.ones((256,), jnp.float32)
    params["ln2_b"] = jnp.zeros((256,), jnp.float32)
    params["D3"] = _glorot(ks[k], (256, OUTPUT_DIM)); k += 1
    params["db3"] = jnp.zeros((OUTPUT_DIM,), jnp.float32)
    symbols = jax.random.uniform(ks[k], (BATCH, NUM_SYMBOLS), dtype=jnp.float32); k += 1
    relations = jax.random.randint(ks[k], (NUM_EDGES, 3), 0, NUM_SYMBOLS, dtype=jnp.int32)
    return {"symbols": symbols, "relations": relations, "params": params}


def reference(symbols, relations, params):
    return _forward(symbols, params, relations)

if __name__ == "__main__":
    import jax
    _d = setup_inputs()
    print(jax.jit(kernel)(*tuple(_d.values())))

</pallas_src>

<mosaic_0001>
#map = affine_map<(d0, d1) -> (0, 0)>
#map1 = affine_map<(d0, d1) -> (0)>
module attributes {stable_mosaic.version = 14 : i64} {
  func.func @_sc_scatter(%arg0: i32, %arg1: i32, %arg2: memref<2048x128xf32, #tpu.memory_space<hbm>>, %arg3: memref<2048xi32, #tpu.memory_space<hbm>>, %arg4: memref<10000x128xf32, #tpu.memory_space<hbm>>, %arg5: memref<128xi32, #tpu.memory_space<vmem>>, %arg6: memref<128xi32, #tpu.memory_space<vmem>>, %arg7: memref<128x128xf32, #tpu.memory_space<vmem>>, %arg8: memref<64x128xf32, #tpu.memory_space<vmem>>, %arg9: memref<5008x128xf32, #tpu.memory_space<vmem_shared>>, %arg10: memref<!tpu.dma_semaphore, #tpu.memory_space<semaphore_mem>>, %arg11: memref<!tpu.dma_semaphore, #tpu.memory_space<semaphore_mem>>, %arg12: memref<!tpu.dma_semaphore, #tpu.memory_space<semaphore_mem>>) attributes {dimension_semantics = [#tpu.dimension_semantics<core_parallel>, #tpu.dimension_semantics<subcore_parallel>], iteration_bounds = array<i64: 2, 16>, scalar_prefetch = 0 : i64, scratch_operands = 8 : i64, tpu.core_type = #tpu.core_type<sc_vector_subcore>, window_params = [{transform_indices = #map}, {transform_indices = #map1}, {transform_indices = #map}]} {
    %mul3A = arith.constant 128 : i32
    %mul3A_0 = arith.muli %arg1, %mul3A : i32
    %dma_start3A = tpu.memref_slice %arg3[%mul3A_0] : memref<2048xi32, #tpu.memory_space<hbm>> -> memref<128xi32, #tpu.memory_space<hbm>>
    %dma_start3A_1 = tpu.memref_slice %arg3[%mul3A_0] : memref<2048xi32, #tpu.memory_space<hbm>> -> memref<128xi32, #tpu.memory_space<hbm>>
    tpu.enqueue_dma source(%dma_start3A_1 : memref<128xi32, #tpu.memory_space<hbm>>) target(%arg5 : memref<128xi32, #tpu.memory_space<vmem>>) target_semaphore(%arg10 : memref<!tpu.dma_semaphore, #tpu.memory_space<semaphore_mem>>)
    %dma_start3A_2 = arith.constant 0 : i32
    %dma_start3A_3 = tpu.memref_slice %arg2[%mul3A_0, %dma_start3A_2] : memref<2048x128xf32, #tpu.memory_space<hbm>> -> memref<128x128xf32, #tpu.memory_space<hbm>>
    %dma_start3A_4 = arith.constant 0 : i32
    %dma_start3A_5 = tpu.memref_slice %arg2[%mul3A_0, %dma_start3A_4] : memref<2048x128xf32, #tpu.memory_space<hbm>> -> memref<128x128xf32, #tpu.memory_space<hbm>>
    tpu.enqueue_dma source(%dma_start3A_5 : memref<128x128xf32, #tpu.memory_space<hbm>>) target(%arg7 : memref<128x128xf32, #tpu.memory_space<vmem>>) target_semaphore(%arg11 : memref<!tpu.dma_semaphore, #tpu.memory_space<semaphore_mem>>)
    %scan3A = arith.constant 0 : i32
    %scan3A_6 = arith.constant 0 : i32
    %scan3A_7 = arith.constant 64 : i32
    %scan3A_8 = arith.addi %scan3A_6, %scan3A_7 : i32
    %scan3A_9 = arith.constant 1 : i32
    scf.for %scan3A_242 = %scan3A_6 to %scan3A_8 step %scan3A_9  : i32 {
      %broadcast_in_dim3A_243 = arith.constant 0.000000e+00 : f32
      %broadcast_in_dim3A_244 = vector.broadcast %broadcast_in_dim3A_243 : f32 to vector<16xf32>
      %swap3A_245 = arith.index_cast %scan3A_242 : i32 to index
      %swap3A_246 = arith.constant 0 : index
      %swap3A_247 = tpu.vector_load %arg8[%swap3A_245, %swap3A_246] {strides = array<i32>} : memref<64x128xf32, #tpu.memory_space<vmem>>, vector<1x16xf32>,
      %swap3A_248 = vector.shape_cast %swap3A_247 : vector<1x16xf32> to vector<16xf32>
      %swap3A_249 = vector.shape_cast %broadcast_in_dim3A_244 : vector<16xf32> to vector<1x16xf32>
      tpu.vector_store %arg8[%swap3A_245, %swap3A_246], %swap3A_249 {strides = array<i32>} : memref<64x128xf32, #tpu.memory_space<vmem>>, vector<1x16xf32>,
      %broadcast_in_dim3A_250 = arith.constant 0.000000e+00 : f32
      %broadcast_in_dim3A_251 = vector.broadcast %broadcast_in_dim3A_250 : f32 to vector<16xf32>
      %swap3A_252 = arith.index_cast %scan3A_242 : i32 to index
      %swap3A_253 = arith.constant 16 : index
      %swap3A_254 = tpu.vector_load %arg8[%swap3A_252, %swap3A_253] {strides = array<i32>} : memref<64x128xf32, #tpu.memory_space<vmem>>, vector<1x16xf32>,
      %swap3A_255 = vector.shape_cast %swap3A_254 : vector<1x16xf32> to vector<16xf32>
      %swap3A_256 = vector.shape_cast %broadcast_in_dim3A_251 : vector<16xf32> to vector<1x16xf32>
      tpu.vector_store %arg8[%swap3A_252, %swap3A_253], %swap3A_256 {strides = array<i32>} : memref<64x128xf32, #tpu.memory_space<vmem>>, vector<1x16xf32>,
      %broadcast_in_dim3A_257 = arith.constant 0.000000e+00 : f32
      %broadcast_in_dim3A_258 = vector.broadcast %broadcast_in_dim3A_257 : f32 to vector<16xf32>
      %swap3A_259 = arith.index_cast %scan3A_242 : i32 to index
      %swap3A_260 = arith.constant 32 : index
      %swap3A_261 = tpu.vector_load %arg8[%swap3A_259, %swap3A_260] {strides = array<i32>} : memref<64x128xf32, #tpu.memory_space<vmem>>, vector<1x16xf32>,
      %swap3A_262 = vector.shape_cast %swap3A_261 : vector<1x16xf32> to vector<16xf32>
      %swap3A_263 = vector.shape_cast %broadcast_in_dim3A_258 : vector<16xf32> to vector<1x16xf32>
      tpu.vector_store %arg8[%swap3A_259, %swap3A_260], %swap3A_263 {strides = array<i32>} : memref<64x128xf32, #tpu.memory_space<vmem>>, vector<1x16xf32>,
      %broadcast_in_dim3A_264 = arith.constant 0.000000e+00 : f32
      %broadcast_in_dim3A_265 = vector.broadcast %broadcast_in_dim3A_264 : f32 to vector<16xf32>
      %swap3A_266 = arith.index_cast %scan3A_242 : i32 to index
      %swap3A_267 = arith.constant 48 : index
      %swap3A_268 = tpu.vector_load %arg8[%swap3A_266, %swap3A_267] {strides = array<i32>} : memref<64x128xf32, #tpu.memory_space<vmem>>, vector<1x16xf32>,
      %swap3A_269 = vector.shape_cast %swap3A_268 : vector<1x16xf32> to vector<16xf32>
      %swap3A_270 = vector.shape_cast %broadcast_in_dim3A_265 : vector<16xf32> to vector<1x16xf32>
      tpu.vector_store %arg8[%swap3A_266, %swap3A_267], %swap3A_270 {strides = array<i32>} : memref<64x128xf32, #tpu.memory_space<vmem>>, vector<1x16xf32>,
      %broadcast_in_dim3A_271 = arith.constant 0.000000e+00 : f32
      %broadcast_in_dim3A_272 = vector.broadcast %broadcast_in_dim3A_271 : f32 to vector<16xf32>
      %swap3A_273 = arith.index_cast %scan3A_242 : i32 to index
      %swap3A_274 = arith.constant 64 : index
      %swap3A_275 = tpu.vector_load %arg8[%swap3A_273, %swap3A_274] {strides = array<i32>} : memref<64x128xf32, #tpu.memory_space<vmem>>, vector<1x16xf32>,
      %swap3A_276 = vector.shape_cast %swap3A_275 : vector<1x16xf32> to vector<16xf32>
      %swap3A_277 = vector.shape_cast %broadcast_in_dim3A_272 : vector<16xf32> to vector<1x16xf32>
      tpu.vector_store %arg8[%swap3A_273, %swap3A_274], %swap3A_277 {strides = array<i32>} : memref<64x128xf32, #tpu.memory_space<vmem>>, vector<1x16xf32>,
      %broadcast_in_dim3A_278 = arith.constant 0.000000e+00 : f32
      %broadcast_in_dim3A_279 = vector.broadcast %broadcast_in_dim3A_278 : f32 to vector<16xf32>
      %swap3A_280 = arith.index_cast %scan3A_242 : i32 to index
      %swap3A_281 = arith.constant 80 : index
      %swap3A_282 = tpu.vector_load %arg8[%swap3A_280, %swap3A_281] {strides = array<i32>} : memref<64x128xf32, #tpu.memory_space<vmem>>, vector<1x16xf32>,
      %swap3A_283 = vector.shape_cast %swap3A_282 : vector<1x16xf32> to vector<16xf32>
      %swap3A_284 = vector.shape_cast %broadcast_in_dim3A_279 : vector<16xf32> to vector<1x16xf32>
      tpu.vector_store %arg8[%swap3A_280, %swap3A_281], %swap3A_284 {strides = array<i32>} : memref<64x128xf32, #tpu.memory_space<vmem>>, vector<1x16xf32>,
      %broadcast_in_dim3A_285 = arith.constant 0.000000e+00 : f32
      %broadcast_in_dim3A_286 = vector.broadcast %broadcast_in_dim3A_285 : f32 to vector<16xf32>
      %swap3A_287 = arith.index_cast %scan3A_242 : i32 to index
      %swap3A_288 = arith.constant 96 : index
      %swap3A_289 = tpu.vector_load %arg8[%swap3A_287, %swap3A_288] {strides = array<i32>} : memref<64x128xf32, #tpu.memory_space<vmem>>, vector<1x16xf32>,
      %swap3A_290 = vector.shape_cast %swap3A_289 : vector<1x16xf32> to vector<16xf32>
      %swap3A_291 = vector.shape_cast %broadcast_in_dim3A_286 : vector<16xf32> to vector<1x16xf32>
      tpu.vector_store %arg8[%swap3A_287, %swap3A_288], %swap3A_291 {strides = array<i32>} : memref<64x128xf32, #tpu.memory_space<vmem>>, vector<1x16xf32>,
      %broadcast_in_dim3A_292 = arith.constant 0.000000e+00 : f32
      %broadcast_in_dim3A_293 = vector.broadcast %broadcast_in_dim3A_292 : f32 to vector<16xf32>
      %swap3A_294 = arith.index_cast %scan3A_242 : i32 to index
      %swap3A_295 = arith.constant 112 : index
      %swap3A_296 = tpu.vector_load %arg8[%swap3A_294, %swap3A_295] {strides = array<i32>} : memref<64x128xf32, #tpu.memory_space<vmem>>, vector<1x16xf32>,
      %swap3A_297 = vector.shape_cast %swap3A_296 : vector<1x16xf32> to vector<16xf32>
      %swap3A_298 = vector.shape_cast %broadcast_in_dim3A_293 : vector<16xf32> to vector<1x16xf32>
      tpu.vector_store %arg8[%swap3A_294, %swap3A_295], %swap3A_298 {strides = array<i32>} : memref<64x128xf32, #tpu.memory_space<vmem>>, vector<1x16xf32>,
    }
    %scan3A_10 = arith.constant 64 : i32
    %mul3A_11 = arith.constant 313 : i32
    %mul3A_12 = arith.muli %arg1, %mul3A_11 : i32
    %add3A = arith.constant 0 : i32
    %add3A_13 = arith.addi %mul3A_12, %add3A : i32
    %dma_start3A_14 = arith.constant 0 : i32
    %dma_start3A_15 = tpu.memref_slice %arg9[%add3A_13, %dma_start3A_14] : memref<5008x128xf32, #tpu.memory_space<vmem_shared>> -> memref<64x128xf32, #tpu.memory_space<vmem_shared>>
    %dma_start3A_16 = arith.constant 0 : i32
    %dma_start3A_17 = tpu.memref_slice %arg9[%add3A_13, %dma_start3A_16] : memref<5008x128xf32, #tpu.memory_space<vmem_shared>> -> memref<64x128xf32, #tpu.memory_space<vmem_shared>>
    tpu.enqueue_dma source(%arg8 : memref<64x128xf32, #tpu.memory_space<vmem>>) target(%dma_start3A_17 : memref<64x128xf32, #tpu.memory_space<vmem_shared>>) target_semaphore(%arg12 : memref<!tpu.dma_semaphore, #tpu.memory_space<semaphore_mem>>)
    %mul3A_18 = arith.constant 313 : i32
    %mul3A_19 = arith.muli %arg1, %mul3A_18 : i32
    %add3A_20 = arith.constant 64 : i32
    %add3A_21 = arith.addi %mul3A_19, %add3A_20 : i32
    %dma_start3A_22 = arith.constant 0 : i32
    %dma_start3A_23 = tpu.memref_slice %arg9[%add3A_21, %dma_start3A_22] : memref<5008x128xf32, #tpu.memory_space<vmem_shared>> -> memref<64x128xf32, #tpu.memory_space<vmem_shared>>
    %dma_start3A_24 = arith.constant 0 : i32
    %dma_start3A_25 = tpu.memref_slice %arg9[%add3A_21, %dma_start3A_24] : memref<5008x128xf32, #tpu.memory_space<vmem_shared>> -> memref<64x128xf32, #tpu.memory_space<vmem_shared>>
    tpu.enqueue_dma source(%arg8 : memref<64x128xf32, #tpu.memory_space<vmem>>) target(%dma_start3A_25 : memref<64x128xf32, #tpu.memory_space<vmem_shared>>) target_semaphore(%arg12 : memref<!tpu.dma_semaphore, #tpu.memory_space<semaphore_mem>>)
    %mul3A_26 = arith.constant 313 : i32
    %mul3A_27 = arith.muli %arg1, %mul3A_26 : i32
    %add3A_28 = arith.constant 128 : i32
    %add3A_29 = arith.addi %mul3A_27, %add3A_28 : i32
    %dma_start3A_30 = arith.constant 0 : i32
    %dma_start3A_31 = tpu.memref_slice %arg9[%add3A_29, %dma_start3A_30] : memref<5008x128xf32, #tpu.memory_space<vmem_shared>> -> memref<64x128xf32, #tpu.memory_space<vmem_shared>>
    %dma_start3A_32 = arith.constant 0 : i32
    %dma_start3A_33 = tpu.memref_slice %arg9[%add3A_29, %dma_start3A_32] : memref<5008x128xf32, #tpu.memory_space<vmem_shared>> -> memref<64x128xf32, #tpu.memory_space<vmem_shared>>
    tpu.enqueue_dma source(%arg8 : memref<64x128xf32, #tpu.memory_space<vmem>>) target(%dma_start3A_33 : memref<64x128xf32, #tpu.memory_space<vmem_shared>>) target_semaphore(%arg12 : memref<!tpu.dma_semaphore, #tpu.memory_space<semaphore_mem>>)
    %mul3A_34 = arith.constant 313 : i32
    %mul3A_35 = arith.muli %arg1, %mul3A_34 : i32
    %add3A_36 = arith.constant 192 : i32
    %add3A_37 = arith.addi %mul3A_35, %add3A_36 : i32
    %dma_start3A_38 = arith.constant 0 : i32
    %dma_start3A_39 = tpu.memref_slice %arg9[%add3A_37, %dma_start3A_38] : memref<5008x128xf32, #tpu.memory_space<vmem_shared>> -> memref<64x128xf32, #tpu.memory_space<vmem_shared>>
    %dma_start3A_40 = arith.constant 0 : i32
    %dma_start3A_41 = tpu.memref_slice %arg9[%add3A_37, %dma_start3A_40] : memref<5008x128xf32, #tpu.memory_space<vmem_shared>> -> memref<64x128xf32, #tpu.memory_space<vmem_shared>>
    tpu.enqueue_dma source(%arg8 : memref<64x128xf32, #tpu.memory_space<vmem>>) target(%dma_start3A_41 : memref<64x128xf32, #tpu.memory_space<vmem_shared>>) target_semaphore(%arg12 : memref<!tpu.dma_semaphore, #tpu.memory_space<semaphore_mem>>)
    %mul3A_42 = arith.constant 313 : i32
    %mul3A_43 = arith.muli %arg1, %mul3A_42 : i32
    %add3A_44 = arith.constant 313 : i32
    %add3A_45 = arith.addi %mul3A_43, %add3A_44 : i32
    %sub3A = arith.constant 57 : i32
    %sub3A_46 = arith.subi %add3A_45, %sub3A : i32
    %dma_start3A_47 = arith.constant 0 : i32
    %dma_start3A_48 = arith.constant 0 : i32
    %dma_start3A_49 = tpu.memref_slice %arg8[%dma_start3A_47, %dma_start3A_48] : memref<64x128xf32, #tpu.memory_space<vmem>> -> memref<57x128xf32, #tpu.memory_space<vmem>>
    %dma_start3A_50 = arith.constant 0 : i32
    %dma_start3A_51 = tpu.memref_slice %arg9[%sub3A_46, %dma_start3A_50] : memref<5008x128xf32, #tpu.memory_space<vmem_shared>> -> memref<57x128xf32, #tpu.memory_space<vmem_shared>>
    %dma_start3A_52 = arith.constant 0 : i32
    %dma_start3A_53 = tpu.memref_slice %arg9[%sub3A_46, %dma_start3A_52] : memref<5008x128xf32, #tpu.memory_space<vmem_shared>> -> memref<57x128xf32, #tpu.memory_space<vmem_shared>>
    %dma_start3A_54 = arith.constant 0 : i32
    %dma_start3A_55 = arith.constant 0 : i32
    %dma_start3A_56 = tpu.memref_slice %arg8[%dma_start3A_54, %dma_start3A_55] : memref<64x128xf32, #tpu.memory_space<vmem>> -> memref<57x128xf32, #tpu.memory_space<vmem>>
    tpu.enqueue_dma source(%dma_start3A_56 : memref<57x128xf32, #tpu.memory_space<vmem>>) target(%dma_start3A_53 : memref<57x128xf32, #tpu.memory_space<vmem_shared>>) target_semaphore(%arg12 : memref<!tpu.dma_semaphore, #tpu.memory_space<semaphore_mem>>)
    %dma_wait3A = tpu.memref_slice %arg3[%mul3A_0] : memref<2048xi32, #tpu.memory_space<hbm>> -> memref<128xi32, #tpu.memory_space<hbm>>
    %dma_wait3A_57 = tpu.memref_slice %arg3[%mul3A_0] : memref<2048xi32, #tpu.memory_space<hbm>> -> memref<128xi32, #tpu.memory_space<hbm>>
    tpu.wait_dma2 semaphore(%arg10 : memref<!tpu.dma_semaphore, #tpu.memory_space<semaphore_mem>>) src(%dma_wait3A_57 : memref<128xi32, #tpu.memory_space<hbm>>) dst(%arg5 : memref<128xi32, #tpu.memory_space<vmem>>)
    %mul3A_58 = arith.constant 5000 : i32
    %mul3A_59 = arith.muli %arg0, %mul3A_58 : i32
    %get3A = arith.constant 0 : index
    %get3A_60 = tpu.vector_load %arg5[%get3A] {strides = array<i32>} : memref<128xi32, #tpu.memory_space<vmem>>, vector<16xi32>,
    %get3A_61 = vector.shape_cast %get3A_60 : vector<16xi32> to vector<16xi32>
    %sub3A_62 = vector.broadcast %mul3A_59 : i32 to vector<16xi32>
    %sub3A_63 = arith.subi %get3A_61, %sub3A_62 : vector<16xi32>
    %ge3A = arith.constant 0 : i32
    %ge3A_64 = vector.broadcast %ge3A : i32 to vector<16xi32>
    %ge3A_65 = arith.cmpi sge, %sub3A_63, %ge3A_64 : vector<16xi32>
    %lt3A = arith.constant 5000 : i32
    %lt3A_66 = vector.broadcast %lt3A : i32 to vector<16xi32>
    %lt3A_67 = arith.cmpi slt, %sub3A_63, %lt3A_66 : vector<16xi32>
    %and3A = arith.andi %ge3A_65, %lt3A_67 : vector<16xi1>
    %jit3A = arith.constant 5000 : i32
    %broadcast_in_dim3A = vector.broadcast %jit3A : i32 to vector<16xi32>
    %select_n3A = arith.select %and3A, %sub3A_63, %broadcast_in_dim3A : vector<16xi1>, vector<16xi32>
    %swap3A = arith.constant 0 : index
    %swap3A_68 = tpu.vector_load %arg6[%swap3A] {strides = array<i32>} : memref<128xi32, #tpu.memory_space<vmem>>, vector<16xi32>,
    %swap3A_69 = vector.shape_cast %swap3A_68 : vector<16xi32> to vector<16xi32>
    %swap3A_70 = vector.shape_cast %select_n3A : vector<16xi32> to vector<16xi32>
    tpu.vector_store %arg6[%swap3A], %swap3A_70 {strides = array<i32>} : memref<128xi32, #tpu.memory_space<vmem>>, vector<16xi32>,
    %get3A_71 = arith.constant 16 : index
    %get3A_72 = tpu.vector_load %arg5[%get3A_71] {strides = array<i32>} : memref<128xi32, #tpu.memory_space<vmem>>, vector<16xi32>,
    %get3A_73 = vector.shape_cast %get3A_72 : vector<16xi32> to vector<16xi32>
    %sub3A_74 = vector.broadcast %mul3A_59 : i32 to vector<16xi32>
    %sub3A_75 = arith.subi %get3A_73, %sub3A_74 : vector<16xi32>
    %ge3A_76 = arith.constant 0 : i32
    %ge3A_77 = vector.broadcast %ge3A_76 : i32 to vector<16xi32>
    %ge3A_78 = arith.cmpi sge, %sub3A_75, %ge3A_77 : vector<16xi32>
    %lt3A_79 = arith.constant 5000 : i32
    %lt3A_80 = vector.broadcast %lt3A_79 : i32 to vector<16xi32>
    %lt3A_81 = arith.cmpi slt, %sub3A_75, %lt3A_80 : vector<16xi32>
    %and3A_82 = arith.andi %ge3A_78, %lt3A_81 : vector<16xi1>
    %jit3A_83 = arith.constant 5000 : i32
    %broadcast_in_dim3A_84 = vector.broadcast %jit3A_83 : i32 to vector<16xi32>
    %select_n3A_85 = arith.select %and3A_82, %sub3A_75, %broadcast_in_dim3A_84 : vector<16xi1>, vector<16xi32>
    %swap3A_86 = arith.constant 16 : index
    %swap3A_87 = tpu.vector_load %arg6[%swap3A_86] {strides = array<i32>} : memref<128xi32, #tpu.memory_space<vmem>>, vector<16xi32>,
    %swap3A_88 = vector.shape_cast %swap3A_87 : vector<16xi32> to vector<16xi32>
    %swap3A_89 = vector.shape_cast %select_n3A_85 : vector<16xi32> to vector<16xi32>
    tpu.vector_store %arg6[%swap3A_86], %swap3A_89 {strides = array<i32>} : memref<128xi32, #tpu.memory_space<vmem>>, vector<16xi32>,
    %get3A_90 = arith.constant 32 : index
    %get3A_91 = tpu.vector_load %arg5[%get3A_90] {strides = array<i32>} : memref<128xi32, #tpu.memory_space<vmem>>, vector<16xi32>,
    %get3A_92 = vector.shape_cast %get3A_91 : vector<16xi32> to vector<16xi32>
    %sub3A_93 = vector.broadcast %mul3A_59 : i32 to vector<16xi32>
    %sub3A_94 = arith.subi %get3A_92, %sub3A_93 : vector<16xi32>
    %ge3A_95 = arith.constant 0 : i32
    %ge3A_96 = vector.broadcast %ge3A_95 : i32 to vector<16xi32>
    %ge3A_97 = arith.cmpi sge, %sub3A_94, %ge3A_96 : vector<16xi32>
    %lt3A_98 = arith.constant 5000 : i32
    %lt3A_99 = vector.broadcast %lt3A_98 : i32 to vector<16xi32>
    %lt3A_100 = arith.cmpi slt, %sub3A_94, %lt3A_99 : vector<16xi32>
    %and3A_101 = arith.andi %ge3A_97, %lt3A_100 : vector<16xi1>
    %jit3A_102 = arith.constant 5000 : i32
    %broadcast_in_dim3A_103 = vector.broadcast %jit3A_102 : i32 to vector<16xi32>
    %select_n3A_104 = arith.select %and3A_101, %sub3A_94, %broadcast_in_dim3A_103 : vector<16xi1>, vector<16xi32>
    %swap3A_105 = arith.constant 32 : index
    %swap3A_106 = tpu.vector_load %arg6[%swap3A_105] {strides = array<i32>} : memref<128xi32, #tpu.memory_space<vmem>>, vector<16xi32>,
    %swap3A_107 = vector.shape_cast %swap3A_106 : vector<16xi32> to vector<16xi32>
    %swap3A_108 = vector.shape_cast %select_n3A_104 : vector<16xi32> to vector<16xi32>
    tpu.vector_store %arg6[%swap3A_105], %swap3A_108 {strides = array<i32>} : memref<128xi32, #tpu.memory_space<vmem>>, vector<16xi32>,
    %get3A_109 = arith.constant 48 : index
    %get3A_110 = tpu.vector_load %arg5[%get3A_109] {strides = array<i32>} : memref<128xi32, #tpu.memory_space<vmem>>, vector<16xi32>,
    %get3A_111 = vector.shape_cast %get3A_110 : vector<16xi32> to vector<16xi32>
    %sub3A_112 = vector.broadcast %mul3A_59 : i32 to vector<16xi32>
    %sub3A_113 = arith.subi %get3A_111, %sub3A_112 : vector<16xi32>
    %ge3A_114 = arith.constant 0 : i32
    %ge3A_115 = vector.broadcast %ge3A_114 : i32 to vector<16xi32>
    %ge3A_116 = arith.cmpi sge, %sub3A_113, %ge3A_115 : vector<16xi32>
    %lt3A_117 = arith.constant 5000 : i32
    %lt3A_118 = vector.broadcast %lt3A_117 : i32 to vector<16xi32>
    %lt3A_119 = arith.cmpi slt, %sub3A_113, %lt3A_118 : vector<16xi32>
    %and3A_120 = arith.andi %ge3A_116, %lt3A_119 : vector<16xi1>
    %jit3A_121 = arith.constant 5000 : i32
    %broadcast_in_dim3A_122 = vector.broadcast %jit3A_121 : i32 to vector<16xi32>
    %select_n3A_123 = arith.select %and3A_120, %sub3A_113, %broadcast_in_dim3A_122 : vector<16xi1>, vector<16xi32>
    %swap3A_124 = arith.constant 48 : index
    %swap3A_125 = tpu.vector_load %arg6[%swap3A_124] {strides = array<i32>} : memref<128xi32, #tpu.memory_space<vmem>>, vector<16xi32>,
    %swap3A_126 = vector.shape_cast %swap3A_125 : vector<16xi32> to vector<16xi32>
    %swap3A_127 = vector.shape_cast %select_n3A_123 : vector<16xi32> to vector<16xi32>
    tpu.vector_store %arg6[%swap3A_124], %swap3A_127 {strides = array<i32>} : memref<128xi32, #tpu.memory_space<vmem>>, vector<16xi32>,
    %get3A_128 = arith.constant 64 : index
    %get3A_129 = tpu.vector_load %arg5[%get3A_128] {strides = array<i32>} : memref<128xi32, #tpu.memory_space<vmem>>, vector<16xi32>,
    %get3A_130 = vector.shape_cast %get3A_129 : vector<16xi32> to vector<16xi32>
    %sub3A_131 = vector.broadcast %mul3A_59 : i32 to vector<16xi32>
    %sub3A_132 = arith.subi %get3A_130, %sub3A_131 : vector<16xi32>
    %ge3A_133 = arith.constant 0 : i32
    %ge3A_134 = vector.broadcast %ge3A_133 : i32 to vector<16xi32>
    %ge3A_135 = arith.cmpi sge, %sub3A_132, %ge3A_134 : vector<16xi32>
    %lt3A_136 = arith.constant 5000 : i32
    %lt3A_137 = vector.broadcast %lt3A_136 : i32 to vector<16xi32>
    %lt3A_138 = arith.cmpi slt, %sub3A_132, %lt3A_137 : vector<16xi32>
    %and3A_139 = arith.andi %ge3A_135, %lt3A_138 : vector<16xi1>
    %jit3A_140 = arith.constant 5000 : i32
    %broadcast_in_dim3A_141 = vector.broadcast %jit3A_140 : i32 to vector<16xi32>
    %select_n3A_142 = arith.select %and3A_139, %sub3A_132, %broadcast_in_dim3A_141 : vector<16xi1>, vector<16xi32>
    %swap3A_143 = arith.constant 64 : index
    %swap3A_144 = tpu.vector_load %arg6[%swap3A_143] {strides = array<i32>} : memref<128xi32, #tpu.memory_space<vmem>>, vector<16xi32>,
    %swap3A_145 = vector.shape_cast %swap3A_144 : vector<16xi32> to vector<16xi32>
    %swap3A_146 = vector.shape_cast %select_n3A_142 : vector<16xi32> to vector<16xi32>
    tpu.vector_store %arg6[%swap3A_143], %swap3A_146 {strides = array<i32>} : memref<128xi32, #tpu.memory_space<vmem>>, vector<16xi32>,
    %get3A_147 = arith.constant 80 : index
    %get3A_148 = tpu.vector_load %arg5[%get3A_147] {strides = array<i32>} : memref<128xi32, #tpu.memory_space<vmem>>, vector<16xi32>,
    %get3A_149 = vector.shape_cast %get3A_148 : vector<16xi32> to vector<16xi32>
    %sub3A_150 = vector.broadcast %mul3A_59 : i32 to vector<16xi32>
    %sub3A_151 = arith.subi %get3A_149, %sub3A_150 : vector<16xi32>
    %ge3A_152 = arith.constant 0 : i32
    %ge3A_153 = vector.broadcast %ge3A_152 : i32 to vector<16xi32>
    %ge3A_154 = arith.cmpi sge, %sub3A_151, %ge3A_153 : vector<16xi32>
    %lt3A_155 = arith.constant 5000 : i32
    %lt3A_156 = vector.broadcast %lt3A_155 : i32 to vector<16xi32>
    %lt3A_157 = arith.cmpi slt, %sub3A_151, %lt3A_156 : vector<16xi32>
    %and3A_158 = arith.andi %ge3A_154, %lt3A_157 : vector<16xi1>
    %jit3A_159 = arith.constant 5000 : i32
    %broadcast_in_dim3A_160 = vector.broadcast %jit3A_159 : i32 to vector<16xi32>
    %select_n3A_161 = arith.select %and3A_158, %sub3A_151, %broadcast_in_dim3A_160 : vector<16xi1>, vector<16xi32>
    %swap3A_162 = arith.constant 80 : index
    %swap3A_163 = tpu.vector_load %arg6[%swap3A_162] {strides = array<i32>} : memref<128xi32, #tpu.memory_space<vmem>>, vector<16xi32>,
    %swap3A_164 = vector.shape_cast %swap3A_163 : vector<16xi32> to vector<16xi32>
    %swap3A_165 = vector.shape_cast %select_n3A_161 : vector<16xi32> to vector<16xi32>
    tpu.vector_store %arg6[%swap3A_162], %swap3A_165 {strides = array<i32>} : memref<128xi32, #tpu.memory_space<vmem>>, vector<16xi32>,
    %get3A_166 = arith.constant 96 : index
    %get3A_167 = tpu.vector_load %arg5[%get3A_166] {strides = array<i32>} : memref<128xi32, #tpu.memory_space<vmem>>, vector<16xi32>,
    %get3A_168 = vector.shape_cast %get3A_167 : vector<16xi32> to vector<16xi32>
    %sub3A_169 = vector.broadcast %mul3A_59 : i32 to vector<16xi32>
    %sub3A_170 = arith.subi %get3A_168, %sub3A_169 : vector<16xi32>
    %ge3A_171 = arith.constant 0 : i32
    %ge3A_172 = vector.broadcast %ge3A_171 : i32 to vector<16xi32>
    %ge3A_173 = arith.cmpi sge, %sub3A_170, %ge3A_172 : vector<16xi32>
    %lt3A_174 = arith.constant 5000 : i32
    %lt3A_175 = vector.broadcast %lt3A_174 : i32 to vector<16xi32>
    %lt3A_176 = arith.cmpi slt, %sub3A_170, %lt3A_175 : vector<16xi32>
    %and3A_177 = arith.andi %ge3A_173, %lt3A_176 : vector<16xi1>
    %jit3A_178 = arith.constant 5000 : i32
    %broadcast_in_dim3A_179 = vector.broadcast %jit3A_178 : i32 to vector<16xi32>
    %select_n3A_180 = arith.select %and3A_177, %sub3A_170, %broadcast_in_dim3A_179 : vector<16xi1>, vector<16xi32>
    %swap3A_181 = arith.constant 96 : index
    %swap3A_182 = tpu.vector_load %arg6[%swap3A_181] {strides = array<i32>} : memref<128xi32, #tpu.memory_space<vmem>>, vector<16xi32>,
    %swap3A_183 = vector.shape_cast %swap3A_182 : vector<16xi32> to vector<16xi32>
    %swap3A_184 = vector.shape_cast %select_n3A_180 : vector<16xi32> to vector<16xi32>
    tpu.vector_store %arg6[%swap3A_181], %swap3A_184 {strides = array<i32>} : memref<128xi32, #tpu.memory_space<vmem>>, vector<16xi32>,
    %get3A_185 = arith.constant 112 : index
    %get3A_186 = tpu.vector_load %arg5[%get3A_185] {strides = array<i32>} : memref<128xi32, #tpu.memory_space<vmem>>, vector<16xi32>,
    %get3A_187 = vector.shape_cast %get3A_186 : vector<16xi32> to vector<16xi32>
    %sub3A_188 = vector.broadcast %mul3A_59 : i32 to vector<16xi32>
    %sub3A_189 = arith.subi %get3A_187, %sub3A_188 : vector<16xi32>
    %ge3A_190 = arith.constant 0 : i32
    %ge3A_191 = vector.broadcast %ge3A_190 : i32 to vector<16xi32>
    %ge3A_192 = arith.cmpi sge, %sub3A_189, %ge3A_191 : vector<16xi32>
    %lt3A_193 = arith.constant 5000 : i32
    %lt3A_194 = vector.broadcast %lt3A_193 : i32 to vector<16xi32>
    %lt3A_195 = arith.cmpi slt, %sub3A_189, %lt3A_194 : vector<16xi32>
    %and3A_196 = arith.andi %ge3A_192, %lt3A_195 : vector<16xi1>
    %jit3A_197 = arith.constant 5000 : i32
    %broadcast_in_dim3A_198 = vector.broadcast %jit3A_197 : i32 to vector<16xi32>
    %select_n3A_199 = arith.select %and3A_196, %sub3A_189, %broadcast_in_dim3A_198 : vector<16xi1>, vector<16xi32>
    %swap3A_200 = arith.constant 112 : index
    %swap3A_201 = tpu.vector_load %arg6[%swap3A_200] {strides = array<i32>} : memref<128xi32, #tpu.memory_space<vmem>>, vector<16xi32>,
    %swap3A_202 = vector.shape_cast %swap3A_201 : vector<16xi32> to vector<16xi32>
    %swap3A_203 = vector.shape_cast %select_n3A_199 : vector<16xi32> to vector<16xi32>
    tpu.vector_store %arg6[%swap3A_200], %swap3A_203 {strides = array<i32>} : memref<128xi32, #tpu.memory_space<vmem>>, vector<16xi32>,
    %dma_wait3A_204 = arith.constant 0 : i32
    %dma_wait3A_205 = tpu.memref_slice %arg9[%add3A_13, %dma_wait3A_204] : memref<5008x128xf32, #tpu.memory_space<vmem_shared>> -> memref<64x128xf32, #tpu.memory_space<vmem_shared>>
    %dma_wait3A_206 = arith.constant 0 : i32
    %dma_wait3A_207 = tpu.memref_slice %arg9[%add3A_13, %dma_wait3A_206] : memref<5008x128xf32, #tpu.memory_space<vmem_shared>> -> memref<64x128xf32, #tpu.memory_space<vmem_shared>>
    tpu.wait_dma2 semaphore(%arg12 : memref<!tpu.dma_semaphore, #tpu.memory_space<semaphore_mem>>) src(%arg8 : memref<64x128xf32, #tpu.memory_space<vmem>>) dst(%dma_wait3A_207 : memref<64x128xf32, #tpu.memory_space<vmem_shared>>)
    %dma_wait3A_208 = arith.constant 0 : i32
    %dma_wait3A_209 = tpu.memref_slice %arg9[%add3A_21, %dma_wait3A_208] : memref<5008x128xf32, #tpu.memory_space<vmem_shared>> -> memref<64x128xf32, #tpu.memory_space<vmem_shared>>
    %dma_wait3A_210 = arith.constant 0 : i32
    %dma_wait3A_211 = tpu.memref_slice %arg9[%add3A_21, %dma_wait3A_210] : memref<5008x128xf32, #tpu.memory_space<vmem_shared>> -> memref<64x128xf32, #tpu.memory_space<vmem_shared>>
    tpu.wait_dma2 semaphore(%arg12 : memref<!tpu.dma_semaphore, #tpu.memory_space<semaphore_mem>>) src(%arg8 : memref<64x128xf32, #tpu.memory_space<vmem>>) dst(%dma_wait3A_211 : memref<64x128xf32, #tpu.memory_space<vmem_shared>>)
    %dma_wait3A_212 = arith.constant 0 : i32
    %dma_wait3A_213 = tpu.memref_slice %arg9[%add3A_29, %dma_wait3A_212] : memref<5008x128xf32, #tpu.memory_space<vmem_shared>> -> memref<64x128xf32, #tpu.memory_space<vmem_shared>>
    %dma_wait3A_214 = arith.constant 0 : i32
    %dma_wait3A_215 = tpu.memref_slice %arg9[%add3A_29, %dma_wait3A_214] : memref<5008x128xf32, #tpu.memory_space<vmem_shared>> -> memref<64x128xf32, #tpu.memory_space<vmem_shared>>
    tpu.wait_dma2 semaphore(%arg12 : memref<!tpu.dma_semaphore, #tpu.memory_space<semaphore_mem>>) src(%arg8 : memref<64x128xf32, #tpu.memory_space<vmem>>) dst(%dma_wait3A_215 : memref<64x128xf32, #tpu.memory_space<vmem_shared>>)
    %dma_wait3A_216 = arith.constant 0 : i32
    %dma_wait3A_217 = tpu.memref_slice %arg9[%add3A_37, %dma_wait3A_216] : memref<5008x128xf32, #tpu.memory_space<vmem_shared>> -> memref<64x128xf32, #tpu.memory_space<vmem_shared>>
    %dma_wait3A_218 = arith.constant 0 : i32
    %dma_wait3A_219 = tpu.memref_slice %arg9[%add3A_37, %dma_wait3A_218] : memref<5008x128xf32, #tpu.memory_space<vmem_shared>> -> memref<64x128xf32, #tpu.memory_space<vmem_shared>>
    tpu.wait_dma2 semaphore(%arg12 : memref<!tpu.dma_semaphore, #tpu.memory_space<semaphore_mem>>) src(%arg8 : memref<64x128xf32, #tpu.memory_space<vmem>>) dst(%dma_wait3A_219 : memref<64x128xf32, #tpu.memory_space<vmem_shared>>)
    %dma_wait3A_220 = arith.constant 0 : i32
    %dma_wait3A_221 = arith.constant 0 : i32
    %dma_wait3A_222 = tpu.memref_slice %arg8[%dma_wait3A_220, %dma_wait3A_221] : memref<64x128xf32, #tpu.memory_space<vmem>> -> memref<57x128xf32, #tpu.memory_space<vmem>>
    %dma_wait3A_223 = arith.constant 0 : i32
    %dma_wait3A_224 = tpu.memref_slice %arg9[%sub3A_46, %dma_wait3A_223] : memref<5008x128xf32, #tpu.memory_space<vmem_shared>> -> memref<57x128xf32, #tpu.memory_space<vmem_shared>>
    %dma_wait3A_225 = arith.constant 0 : i32
    %dma_wait3A_226 = tpu.memref_slice %arg9[%sub3A_46, %dma_wait3A_225] : memref<5008x128xf32, #tpu.memory_space<vmem_shared>> -> memref<57x128xf32, #tpu.memory_space<vmem_shared>>
    %dma_wait3A_227 = arith.constant 0 : i32
    %dma_wait3A_228 = arith.constant 0 : i32
    %dma_wait3A_229 = tpu.memref_slice %arg8[%dma_wait3A_227, %dma_wait3A_228] : memref<64x128xf32, #tpu.memory_space<vmem>> -> memref<57x128xf32, #tpu.memory_space<vmem>>
    tpu.wait_dma2 semaphore(%arg12 : memref<!tpu.dma_semaphore, #tpu.memory_space<semaphore_mem>>) src(%dma_wait3A_229 : memref<57x128xf32, #tpu.memory_space<vmem>>) dst(%dma_wait3A_226 : memref<57x128xf32, #tpu.memory_space<vmem_shared>>)
    %dma_wait3A_230 = arith.constant 0 : i32
    %dma_wait3A_231 = tpu.memref_slice %arg2[%mul3A_0, %dma_wait3A_230] : memref<2048x128xf32, #tpu.memory_space<hbm>> -> memref<128x128xf32, #tpu.memory_space<hbm>>
    %dma_wait3A_232 = arith.constant 0 : i32
    %dma_wait3A_233 = tpu.memref_slice %arg2[%mul3A_0, %dma_wait3A_232] : memref<2048x128xf32, #tpu.memory_space<hbm>> -> memref<128x128xf32, #tpu.memory_space<hbm>>
    tpu.wait_dma2 semaphore(%arg11 : memref<!tpu.dma_semaphore, #tpu.memory_space<semaphore_mem>>) src(%dma_wait3A_233 : memref<128x128xf32, #tpu.memory_space<hbm>>) dst(%arg7 : memref<128x128xf32, #tpu.memory_space<vmem>>)
    %barrier3A = arith.constant 0 : index
    tpu.barrier barrier_id(%barrier3A)
    "tpu.region"() ({
      %run_scoped3A = tpu.sem_alloc : memref<!tpu.dma_semaphore, #tpu.memory_space<semaphore_mem>>
      %dma_start3A_242 = arith.constant 0 : i32
      %dma_start3A_243 = arith.constant 0 : i32
      %dma_start3A_244 = tpu.memref_slice %arg9[%dma_start3A_242, %dma_start3A_243] : memref<5008x128xf32, #tpu.memory_space<vmem_shared>> -> memref<5008x128xf32, #tpu.memory_space<vmem_shared>>
      tpu.enqueue_indirect_dma source(%arg7 : memref<128x128xf32, #tpu.memory_space<vmem>>) target(%dma_start3A_244 : memref<5008x128xf32, #tpu.memory_space<vmem_shared>>) offsets(%arg6 : memref<128xi32, #tpu.memory_space<vmem>>) semaphore(%run_scoped3A : memref<!tpu.dma_semaphore, #tpu.memory_space<semaphore_mem>>) {add = true}
      %dma_wait3A_245 = arith.constant 0 : i32
      %dma_wait3A_246 = arith.constant 0 : i32
      %dma_wait3A_247 = tpu.memref_slice %arg9[%dma_wait3A_245, %dma_wait3A_246] : memref<5008x128xf32, #tpu.memory_space<vmem_shared>> -> memref<5008x128xf32, #tpu.memory_space<vmem_shared>>
      tpu.wait_indirect_dma semaphore(%run_scoped3A : memref<!tpu.dma_semaphore, #tpu.memory_space<semaphore_mem>>) src(%arg7 : memref<128x128xf32, #tpu.memory_space<vmem>>) dst(%dma_wait3A_247 : memref<5008x128xf32, #tpu.memory_space<vmem_shared>>)
      tpu.yield
    }) : () -> ()
    %barrier3A_234 = arith.constant 0 : index
    tpu.barrier barrier_id(%barrier3A_234)
    %mul3A_235 = arith.constant 312 : i32
    %mul3A_236 = arith.muli %arg1, %mul3A_235 : i32
    %mul3A_237 = arith.constant 312 : i32
    %mul3A_238 = arith.muli %arg1, %mul3A_237 : i32
    %add3A_239 = arith.addi %mul3A_59, %mul3A_238 : i32
    "tpu.region"() ({
      %run_scoped3A = tpu.sem_alloc : memref<!tpu.dma_semaphore, #tpu.memory_space<semaphore_mem>>
      %dma_start3A_242 = arith.constant 0 : i32
      %dma_start3A_243 = tpu.memref_slice %arg4[%add3A_239, %dma_start3A_242] : memref<10000x128xf32, #tpu.memory_space<hbm>> -> memref<312x128xf32, #tpu.memory_space<hbm>>
      %dma_start3A_244 = arith.constant 0 : i32
      %dma_start3A_245 = tpu.memref_slice %arg9[%mul3A_236, %dma_start3A_244] : memref<5008x128xf32, #tpu.memory_space<vmem_shared>> -> memref<312x128xf32, #tpu.memory_space<vmem_shared>>
      tpu.enqueue_dma source(%dma_start3A_245 : memref<312x128xf32, #tpu.memory_space<vmem_shared>>) target(%dma_start3A_243 : memref<312x128xf32, #tpu.memory_space<hbm>>) target_semaphore(%run_scoped3A : memref<!tpu.dma_semaphore, #tpu.memory_space<semaphore_mem>>)
      %dma_wait3A_246 = arith.constant 0 : i32
      %dma_wait3A_247 = tpu.memref_slice %arg4[%add3A_239, %dma_wait3A_246] : memref<10000x128xf32, #tpu.memory_space<hbm>> -> memref<312x128xf32, #tpu.memory_space<hbm>>
      %dma_wait3A_248 = arith.constant 0 : i32
      %dma_wait3A_249 = tpu.memref_slice %arg9[%mul3A_236, %dma_wait3A_248] : memref<5008x128xf32, #tpu.memory_space<vmem_shared>> -> memref<312x128xf32, #tpu.memory_space<vmem_shared>>
      tpu.wait_dma2 semaphore(%run_scoped3A : memref<!tpu.dma_semaphore, #tpu.memory_space<semaphore_mem>>) src(%dma_wait3A_249 : memref<312x128xf32, #tpu.memory_space<vmem_shared>>) dst(%dma_wait3A_247 : memref<312x128xf32, #tpu.memory_space<hbm>>)
      tpu.yield
    }) : () -> ()
    %eq3A = arith.constant 15 : i32
    %eq3A_240 = arith.cmpi eq, %arg1, %eq3A : i32
    %convert_element_type3A = arith.extui %eq3A_240 : i1 to i32
    %cond3A = arith.constant 0 : i32
    %cond3A_241 = arith.cmpi ne, %convert_element_type3A, %cond3A : i32
    scf.if %cond3A_241 {
      %add3A_242 = arith.constant 4992 : i32
      %add3A_243 = arith.addi %mul3A_59, %add3A_242 : i32
      "tpu.region"() ({
        %run_scoped3A = tpu.sem_alloc : memref<!tpu.dma_semaphore, #tpu.memory_space<semaphore_mem>>
        %dma_start3A_244 = arith.constant 0 : i32
        %dma_start3A_245 = tpu.memref_slice %arg4[%add3A_243, %dma_start3A_244] : memref<10000x128xf32, #tpu.memory_space<hbm>> -> memref<8x128xf32, #tpu.memory_space<hbm>>
        %dma_start3A_246 = arith.constant 4992 : i32
        %dma_start3A_247 = arith.constant 0 : i32
        %dma_start3A_248 = tpu.memref_slice %arg9[%dma_start3A_246, %dma_start3A_247] : memref<5008x128xf32, #tpu.memory_space<vmem_shared>> -> memref<8x128xf32, #tpu.memory_space<vmem_shared>>
        tpu.enqueue_dma source(%dma_start3A_248 : memref<8x128xf32, #tpu.memory_space<vmem_shared>>) target(%dma_start3A_245 : memref<8x128xf32, #tpu.memory_space<hbm>>) target_semaphore(%run_scoped3A : memref<!tpu.dma_semaphore, #tpu.memory_space<semaphore_mem>>)
        %dma_wait3A_249 = arith.constant 0 : i32
        %dma_wait3A_250 = tpu.memref_slice %arg4[%add3A_243, %dma_wait3A_249] : memref<10000x128xf32, #tpu.memory_space<hbm>> -> memref<8x128xf32, #tpu.memory_space<hbm>>
        %dma_wait3A_251 = arith.constant 4992 : i32
        %dma_wait3A_252 = arith.constant 0 : i32
        %dma_wait3A_253 = tpu.memref_slice %arg9[%dma_wait3A_251, %dma_wait3A_252] : memref<5008x128xf32, #tpu.memory_space<vmem_shared>> -> memref<8x128xf32, #tpu.memory_space<vmem_shared>>
        tpu.wait_dma2 semaphore(%run_scoped3A : memref<!tpu.dma_semaphore, #tpu.memory_space<semaphore_mem>>) src(%dma_wait3A_253 : memref<8x128xf32, #tpu.memory_space<vmem_shared>>) dst(%dma_wait3A_250 : memref<8x128xf32, #tpu.memory_space<hbm>>)
        tpu.yield
      }) : () -> ()
    } else {
    }
    return
  }
}

#map = affine_map<(d0, d1) -> (0, 0)>
#map1 = affine_map<(d0, d1) -> (0)>
module attributes {stable_mosaic.version = 14 : i64} {
  func.func @_sc_scatter(%arg0: i32, %arg1: i32, %arg2: memref<2048x128xf32, #tpu.memory_space<hbm>>, %arg3: memref<2048xi32, #tpu.memory_space<hbm>>, %arg4: memref<10000x128xf32, #tpu.memory_space<hbm>>, %arg5: memref<128xi32, #tpu.memory_space<vmem>>, %arg6: memref<128xi32, #tpu.memory_space<vmem>>, %arg7: memref<128x128xf32, #tpu.memory_space<vmem>>, %arg8: memref<64x128xf32, #tpu.memory_space<vmem>>, %arg9: memref<5008x128xf32, #tpu.memory_space<vmem_shared>>, %arg10: memref<!tpu.dma_semaphore, #tpu.memory_space<semaphore_mem>>, %arg11: memref<!tpu.dma_semaphore, #tpu.memory_space<semaphore_mem>>, %arg12: memref<!tpu.dma_semaphore, #tpu.memory_space<semaphore_mem>>) attributes {dimension_semantics = [#tpu.dimension_semantics<core_parallel>, #tpu.dimension_semantics<subcore_parallel>], iteration_bounds = array<i64: 2, 16>, scalar_prefetch = 0 : i64, scratch_operands = 8 : i64, tpu.core_type = #tpu.core_type<sc_vector_subcore>, window_params = [{transform_indices = #map}, {transform_indices = #map1}, {transform_indices = #map}]} {
    %mul3A = arith.constant 128 : i32
    %mul3A_0 = arith.muli %arg1, %mul3A : i32
    %dma_start3A = tpu.memref_slice %arg3[%mul3A_0] : memref<2048xi32, #tpu.memory_space<hbm>> -> memref<128xi32, #tpu.memory_space<hbm>>
    %dma_start3A_1 = tpu.memref_slice %arg3[%mul3A_0] : memref<2048xi32, #tpu.memory_space<hbm>> -> memref<128xi32, #tpu.memory_space<hbm>>
    tpu.enqueue_dma source(%dma_start3A_1 : memref<128xi32, #tpu.memory_space<hbm>>) target(%arg5 : memref<128xi32, #tpu.memory_space<vmem>>) target_semaphore(%arg10 : memref<!tpu.dma_semaphore, #tpu.memory_space<semaphore_mem>>)
    %dma_start3A_2 = arith.constant 0 : i32
    %dma_start3A_3 = tpu.memref_slice %arg2[%mul3A_0, %dma_start3A_2] : memref<2048x128xf32, #tpu.memory_space<hbm>> -> memref<128x128xf32, #tpu.memory_space<hbm>>
    %dma_start3A_4 = arith.constant 0 : i32
    %dma_start3A_5 = tpu.memref_slice %arg2[%mul3A_0, %dma_start3A_4] : memref<2048x128xf32, #tpu.memory_space<hbm>> -> memref<128x128xf32, #tpu.memory_space<hbm>>
    tpu.enqueue_dma source(%dma_start3A_5 : memref<128x128xf32, #tpu.memory_space<hbm>>) target(%arg7 : memref<128x128xf32, #tpu.memory_space<vmem>>) target_semaphore(%arg11 : memref<!tpu.dma_semaphore, #tpu.memory_space<semaphore_mem>>)
    %scan3A = arith.constant 0 : i32
    %scan3A_6 = arith.constant 0 : i32
    %scan3A_7 = arith.constant 64 : i32
    %scan3A_8 = arith.addi %scan3A_6, %scan3A_7 : i32
    %scan3A_9 = arith.constant 1 : i32
    scf.for %scan3A_242 = %scan3A_6 to %scan3A_8 step %scan3A_9  : i32 {
      %broadcast_in_dim3A_243 = arith.constant 0.000000e+00 : f32
      %broadcast_in_dim3A_244 = vector.broadcast %broadcast_in_dim3A_243 : f32 to vector<16xf32>
      %swap3A_245 = arith.index_cast %scan3A_242 : i32 to index
      %swap3A_246 = arith.constant 0 : index
      %swap3A_247 = tpu.vector_load %arg8[%swap3A_245, %swap3A_246] {strides = array<i32>} : memref<64x128xf32, #tpu.memory_space<vmem>>, vector<1x16xf32>,
      %swap3A_248 = vector.shape_cast %swap3A_247 : vector<1x16xf32> to vector<16xf32>
      %swap3A_249 = vector.shape_cast %broadcast_in_dim3A_244 : vector<16xf32> to vector<1x16xf32>
      tpu.vector_store %arg8[%swap3A_245, %swap3A_246], %swap3A_249 {strides = array<i32>} : memref<64x128xf32, #tpu.memory_space<vmem>>, vector<1x16xf32>,
      %broadcast_in_dim3A_250 = arith.constant 0.000000e+00 : f32
      %broadcast_in_dim3A_251 = vector.broadcast %broadcast_in_dim3A_250 : f32 to vector<16xf32>
      %swap3A_252 = arith.index_cast %scan3A_242 : i32 to index
      %swap3A_253 = arith.constant 16 : index
      %swap3A_254 = tpu.vector_load %arg8[%swap3A_252, %swap3A_253] {strides = array<i32>} : memref<64x128xf32, #tpu.memory_space<vmem>>, vector<1x16xf32>,
      %swap3A_255 = vector.shape_cast %swap3A_254 : vector<1x16xf32> to vector<16xf32>
      %swap3A_256 = vector.shape_cast %broadcast_in_dim3A_251 : vector<16xf32> to vector<1x16xf32>
      tpu.vector_store %arg8[%swap3A_252, %swap3A_253], %swap3A_256 {strides = array<i32>} : memref<64x128xf32, #tpu.memory_space<vmem>>, vector<1x16xf32>,
      %broadcast_in_dim3A_257 = arith.constant 0.000000e+00 : f32
      %broadcast_in_dim3A_258 = vector.broadcast %broadcast_in_dim3A_257 : f32 to vector<16xf32>
      %swap3A_259 = arith.index_cast %scan3A_242 : i32 to index
      %swap3A_260 = arith.constant 32 : index
      %swap3A_261 = tpu.vector_load %arg8[%swap3A_259, %swap3A_260] {strides = array<i32>} : memref<64x128xf32, #tpu.memory_space<vmem>>, vector<1x16xf32>,
      %swap3A_262 = vector.shape_cast %swap3A_261 : vector<1x16xf32> to vector<16xf32>
      %swap3A_263 = vector.shape_cast %broadcast_in_dim3A_258 : vector<16xf32> to vector<1x16xf32>
      tpu.vector_store %arg8[%swap3A_259, %swap3A_260], %swap3A_263 {strides = array<i32>} : memref<64x128xf32, #tpu.memory_space<vmem>>, vector<1x16xf32>,
      %broadcast_in_dim3A_264 = arith.constant 0.000000e+00 : f32
      %broadcast_in_dim3A_265 = vector.broadcast %broadcast_in_dim3A_264 : f32 to vector<16xf32>
      %swap3A_266 = arith.index_cast %scan3A_242 : i32 to index
      %swap3A_267 = arith.constant 48 : index
      %swap3A_268 = tpu.vector_load %arg8[%swap3A_266, %swap3A_267] {strides = array<i32>} : memref<64x128xf32, #tpu.memory_space<vmem>>, vector<1x16xf32>,
      %swap3A_269 = vector.shape_cast %swap3A_268 : vector<1x16xf32> to vector<16xf32>
      %swap3A_270 = vector.shape_cast %broadcast_in_dim3A_265 : vector<16xf32> to vector<1x16xf32>
      tpu.vector_store %arg8[%swap3A_266, %swap3A_267], %swap3A_270 {strides = array<i32>} : memref<64x128xf32, #tpu.memory_space<vmem>>, vector<1x16xf32>,
      %broadcast_in_dim3A_271 = arith.constant 0.000000e+00 : f32
      %broadcast_in_dim3A_272 = vector.broadcast %broadcast_in_dim3A_271 : f32 to vector<16xf32>
      %swap3A_273 = arith.index_cast %scan3A_242 : i32 to index
      %swap3A_274 = arith.constant 64 : index
      %swap3A_275 = tpu.vector_load %arg8[%swap3A_273, %swap3A_274] {strides = array<i32>} : memref<64x128xf32, #tpu.memory_space<vmem>>, vector<1x16xf32>,
      %swap3A_276 = vector.shape_cast %swap3A_275 : vector<1x16xf32> to vector<16xf32>
      %swap3A_277 = vector.shape_cast %broadcast_in_dim3A_272 : vector<16xf32> to vector<1x16xf32>
      tpu.vector_store %arg8[%swap3A_273, %swap3A_274], %swap3A_277 {strides = array<i32>} : memref<64x128xf32, #tpu.memory_space<vmem>>, vector<1x16xf32>,
      %broadcast_in_dim3A_278 = arith.constant 0.000000e+00 : f32
      %broadcast_in_dim3A_279 = vector.broadcast %broadcast_in_dim3A_278 : f32 to vector<16xf32>
      %swap3A_280 = arith.index_cast %scan3A_242 : i32 to index
      %swap3A_281 = arith.constant 80 : index
      %swap3A_282 = tpu.vector_load %arg8[%swap3A_280, %swap3A_281] {strides = array<i32>} : memref<64x128xf32, #tpu.memory_space<vmem>>, vector<1x16xf32>,
      %swap3A_283 = vector.shape_cast %swap3A_282 : vector<1x16xf32> to vector<16xf32>
      %swap3A_284 = vector.shape_cast %broadcast_in_dim3A_279 : vector<16xf32> to vector<1x16xf32>
      tpu.vector_store %arg8[%swap3A_280, %swap3A_281], %swap3A_284 {strides = array<i32>} : memref<64x128xf32, #tpu.memory_space<vmem>>, vector<1x16xf32>,
      %broadcast_in_dim3A_285 = arith.constant 0.000000e+00 : f32
      %broadcast_in_dim3A_286 = vector.broadcast %broadcast_in_dim3A_285 : f32 to vector<16xf32>
      %swap3A_287 = arith.index_cast %scan3A_242 : i32 to index
      %swap3A_288 = arith.constant 96 : index
      %swap3A_289 = tpu.vector_load %arg8[%swap3A_287, %swap3A_288] {strides = array<i32>} : memref<64x128xf32, #tpu.memory_space<vmem>>, vector<1x16xf32>,
      %swap3A_290 = vector.shape_cast %swap3A_289 : vector<1x16xf32> to vector<16xf32>
      %swap3A_291 = vector.shape_cast %broadcast_in_dim3A_286 : vector<16xf32> to vector<1x16xf32>
      tpu.vector_store %arg8[%swap3A_287, %swap3A_288], %swap3A_291 {strides = array<i32>} : memref<64x128xf32, #tpu.memory_space<vmem>>, vector<1x16xf32>,
      %broadcast_in_dim3A_292 = arith.constant 0.000000e+00 : f32
      %broadcast_in_dim3A_293 = vector.broadcast %broadcast_in_dim3A_292 : f32 to vector<16xf32>
      %swap3A_294 = arith.index_cast %scan3A_242 : i32 to index
      %swap3A_295 = arith.constant 112 : index
      %swap3A_296 = tpu.vector_load %arg8[%swap3A_294, %swap3A_295] {strides = array<i32>} : memref<64x128xf32, #tpu.memory_space<vmem>>, vector<1x16xf32>,
      %swap3A_297 = vector.shape_cast %swap3A_296 : vector<1x16xf32> to vector<16xf32>
      %swap3A_298 = vector.shape_cast %broadcast_in_dim3A_293 : vector<16xf32> to vector<1x16xf32>
      tpu.vector_store %arg8[%swap3A_294, %swap3A_295], %swap3A_298 {strides = array<i32>} : memref<64x128xf32, #tpu.memory_space<vmem>>, vector<1x16xf32>,
    }
    %scan3A_10 = arith.constant 64 : i32
    %mul3A_11 = arith.constant 313 : i32
    %mul3A_12 = arith.muli %arg1, %mul3A_11 : i32
    %add3A = arith.constant 0 : i32
    %add3A_13 = arith.addi %mul3A_12, %add3A : i32
    %dma_start3A_14 = arith.constant 0 : i32
    %dma_start3A_15 = tpu.memref_slice %arg9[%add3A_13, %dma_start3A_14] : memref<5008x128xf32, #tpu.memory_space<vmem_shared>> -> memref<64x128xf32, #tpu.memory_space<vmem_shared>>
    %dma_start3A_16 = arith.constant 0 : i32
    %dma_start3A_17 = tpu.memref_slice %arg9[%add3A_13, %dma_start3A_16] : memref<5008x128xf32, #tpu.memory_space<vmem_shared>> -> memref<64x128xf32, #tpu.memory_space<vmem_shared>>
    tpu.enqueue_dma source(%arg8 : memref<64x128xf32, #tpu.memory_space<vmem>>) target(%dma_start3A_17 : memref<64x128xf32, #tpu.memory_space<vmem_shared>>) target_semaphore(%arg12 : memref<!tpu.dma_semaphore, #tpu.memory_space<semaphore_mem>>)
    %mul3A_18 = arith.constant 313 : i32
    %mul3A_19 = arith.muli %arg1, %mul3A_18 : i32
    %add3A_20 = arith.constant 64 : i32
    %add3A_21 = arith.addi %mul3A_19, %add3A_20 : i32
    %dma_start3A_22 = arith.constant 0 : i32
    %dma_start3A_23 = tpu.memref_slice %arg9[%add3A_21, %dma_start3A_22] : memref<5008x128xf32, #tpu.memory_space<vmem_shared>> -> memref<64x128xf32, #tpu.memory_space<vmem_shared>>
    %dma_start3A_24 = arith.constant 0 : i32
    %dma_start3A_25 = tpu.memref_slice %arg9[%add3A_21, %dma_start3A_24] : memref<5008x128xf32, #tpu.memory_space<vmem_shared>> -> memref<64x128xf32, #tpu.memory_space<vmem_shared>>
    tpu.enqueue_dma source(%arg8 : memref<64x128xf32, #tpu.memory_space<vmem>>) target(%dma_start3A_25 : memref<64x128xf32, #tpu.memory_space<vmem_shared>>) target_semaphore(%arg12 : memref<!tpu.dma_semaphore, #tpu.memory_space<semaphore_mem>>)
    %mul3A_26 = arith.constant 313 : i32
    %mul3A_27 = arith.muli %arg1, %mul3A_26 : i32
    %add3A_28 = arith.constant 128 : i32
    %add3A_29 = arith.addi %mul3A_27, %add3A_28 : i32
    %dma_start3A_30 = arith.constant 0 : i32
    %dma_start3A_31 = tpu.memref_slice %arg9[%add3A_29, %dma_start3A_30] : memref<5008x128xf32, #tpu.memory_space<vmem_shared>> -> memref<64x128xf32, #tpu.memory_space<vmem_shared>>
    %dma_start3A_32 = arith.constant 0 : i32
    %dma_start3A_33 = tpu.memref_slice %arg9[%add3A_29, %dma_start3A_32] : memref<5008x128xf32, #tpu.memory_space<vmem_shared>> -> memref<64x128xf32, #tpu.memory_space<vmem_shared>>
    tpu.enqueue_dma source(%arg8 : memref<64x128xf32, #tpu.memory_space<vmem>>) target(%dma_start3A_33 : memref<64x128xf32, #tpu.memory_space<vmem_shared>>) target_semaphore(%arg12 : memref<!tpu.dma_semaphore, #tpu.memory_space<semaphore_mem>>)
    %mul3A_34 = arith.constant 313 : i32
    %mul3A_35 = arith.muli %arg1, %mul3A_34 : i32
    %add3A_36 = arith.constant 192 : i32
    %add3A_37 = arith.addi %mul3A_35, %add3A_36 : i32
    %dma_start3A_38 = arith.constant 0 : i32
    %dma_start3A_39 = tpu.memref_slice %arg9[%add3A_37, %dma_start3A_38] : memref<5008x128xf32, #tpu.memory_space<vmem_shared>> -> memref<64x128xf32, #tpu.memory_space<vmem_shared>>
    %dma_start3A_40 = arith.constant 0 : i32
    %dma_start3A_41 = tpu.memref_slice %arg9[%add3A_37, %dma_start3A_40] : memref<5008x128xf32, #tpu.memory_space<vmem_shared>> -> memref<64x128xf32, #tpu.memory_space<vmem_shared>>
    tpu.enqueue_dma source(%arg8 : memref<64x128xf32, #tpu.memory_space<vmem>>) target(%dma_start3A_41 : memref<64x128xf32, #tpu.memory_space<vmem_shared>>) target_semaphore(%arg12 : memref<!tpu.dma_semaphore, #tpu.memory_space<semaphore_mem>>)
    %mul3A_42 = arith.constant 313 : i32
    %mul3A_43 = arith.muli %arg1, %mul3A_42 : i32
    %add3A_44 = arith.constant 313 : i32
    %add3A_45 = arith.addi %mul3A_43, %add3A_44 : i32
    %sub3A = arith.constant 57 : i32
    %sub3A_46 = arith.subi %add3A_45, %sub3A : i32
    %dma_start3A_47 = arith.constant 0 : i32
    %dma_start3A_48 = arith.constant 0 : i32
    %dma_start3A_49 = tpu.memref_slice %arg8[%dma_start3A_47, %dma_start3A_48] : memref<64x128xf32, #tpu.memory_space<vmem>> -> memref<57x128xf32, #tpu.memory_space<vmem>>
    %dma_start3A_50 = arith.constant 0 : i32
    %dma_start3A_51 = tpu.memref_slice %arg9[%sub3A_46, %dma_start3A_50] : memref<5008x128xf32, #tpu.memory_space<vmem_shared>> -> memref<57x128xf32, #tpu.memory_space<vmem_shared>>
    %dma_start3A_52 = arith.constant 0 : i32
    %dma_start3A_53 = tpu.memref_slice %arg9[%sub3A_46, %dma_start3A_52] : memref<5008x128xf32, #tpu.memory_space<vmem_shared>> -> memref<57x128xf32, #tpu.memory_space<vmem_shared>>
    %dma_start3A_54 = arith.constant 0 : i32
    %dma_start3A_55 = arith.constant 0 : i32
    %dma_start3A_56 = tpu.memref_slice %arg8[%dma_start3A_54, %dma_start3A_55] : memref<64x128xf32, #tpu.memory_space<vmem>> -> memref<57x128xf32, #tpu.memory_space<vmem>>
    tpu.enqueue_dma source(%dma_start3A_56 : memref<57x128xf32, #tpu.memory_space<vmem>>) target(%dma_start3A_53 : memref<57x128xf32, #tpu.memory_space<vmem_shared>>) target_semaphore(%arg12 : memref<!tpu.dma_semaphore, #tpu.memory_space<semaphore_mem>>)
    %dma_wait3A = tpu.memref_slice %arg3[%mul3A_0] : memref<2048xi32, #tpu.memory_space<hbm>> -> memref<128xi32, #tpu.memory_space<hbm>>
    %dma_wait3A_57 = tpu.memref_slice %arg3[%mul3A_0] : memref<2048xi32, #tpu.memory_space<hbm>> -> memref<128xi32, #tpu.memory_space<hbm>>
    tpu.wait_dma2 semaphore(%arg10 : memref<!tpu.dma_semaphore, #tpu.memory_space<semaphore_mem>>) src(%dma_wait3A_57 : memref<128xi32, #tpu.memory_space<hbm>>) dst(%arg5 : memref<128xi32, #tpu.memory_space<vmem>>)
    %mul3A_58 = arith.constant 5000 : i32
    %mul3A_59 = arith.muli %arg0, %mul3A_58 : i32
    %get3A = arith.constant 0 : index
    %get3A_60 = tpu.vector_load %arg5[%get3A] {strides = array<i32>} : memref<128xi32, #tpu.memory_space<vmem>>, vector<16xi32>,
    %get3A_61 = vector.shape_cast %get3A_60 : vector<16xi32> to vector<16xi32>
    %sub3A_62 = vector.broadcast %mul3A_59 : i32 to vector<16xi32>
    %sub3A_63 = arith.subi %get3A_61, %sub3A_62 : vector<16xi32>
    %ge3A = arith.constant 0 : i32
    %ge3A_64 = vector.broadcast %ge3A : i32 to vector<16xi32>
    %ge3A_65 = arith.cmpi sge, %sub3A_63, %ge3A_64 : vector<16xi32>
    %lt3A = arith.constant 5000 : i32
    %lt3A_66 = vector.broadcast %lt3A : i32 to vector<16xi32>
    %lt3A_67 = arith.cmpi slt, %sub3A_63, %lt3A_66 : vector<16xi32>
    %and3A = arith.andi %ge3A_65, %lt3A_67 : vector<16xi1>
    %jit3A = arith.constant 5000 : i32
    %broadcast_in_dim3A = vector.broadcast %jit3A : i32 to vector<16xi32>
    %select_n3A = arith.select %and3A, %sub3A_63, %broadcast_in_dim3A : vector<16xi1>, vector<16xi32>
    %swap3A = arith.constant 0 : index
    %swap3A_68 = tpu.vector_load %arg6[%swap3A] {strides = array<i32>} : memref<128xi32, #tpu.memory_space<vmem>>, vector<16xi32>,
    %swap3A_69 = vector.shape_cast %swap3A_68 : vector<16xi32> to vector<16xi32>
    %swap3A_70 = vector.shape_cast %select_n3A : vector<16xi32> to vector<16xi32>
    tpu.vector_store %arg6[%swap3A], %swap3A_70 {strides = array<i32>} : memref<128xi32, #tpu.memory_space<vmem>>, vector<16xi32>,
    %get3A_71 = arith.constant 16 : index
    %get3A_72 = tpu.vector_load %arg5[%get3A_71] {strides = array<i32>} : memref<128xi32, #tpu.memory_space<vmem>>, vector<16xi32>,
    %get3A_73 = vector.shape_cast %get3A_72 : vector<16xi32> to vector<16xi32>
    %sub3A_74 = vector.broadcast %mul3A_59 : i32 to vector<16xi32>
    %sub3A_75 = arith.subi %get3A_73, %sub3A_74 : vector<16xi32>
    %ge3A_76 = arith.constant 0 : i32
    %ge3A_77 = vector.broadcast %ge3A_76 : i32 to vector<16xi32>
    %ge3A_78 = arith.cmpi sge, %sub3A_75, %ge3A_77 : vector<16xi32>
    %lt3A_79 = arith.constant 5000 : i32
    %lt3A_80 = vector.broadcast %lt3A_79 : i32 to vector<16xi32>
    %lt3A_81 = arith.cmpi slt, %sub3A_75, %lt3A_80 : vector<16xi32>
    %and3A_82 = arith.andi %ge3A_78, %lt3A_81 : vector<16xi1>
    %jit3A_83 = arith.constant 5000 : i32
    %broadcast_in_dim3A_84 = vector.broadcast %jit3A_83 : i32 to vector<16xi32>
    %select_n3A_85 = arith.select %and3A_82, %sub3A_75, %broadcast_in_dim3A_84 : vector<16xi1>, vector<16xi32>
    %swap3A_86 = arith.constant 16 : index
    %swap3A_87 = tpu.vector_load %arg6[%swap3A_86] {strides = array<i32>} : memref<128xi32, #tpu.memory_space<vmem>>, vector<16xi32>,
    %swap3A_88 = vector.shape_cast %swap3A_87 : vector<16xi32> to vector<16xi32>
    %swap3A_89 = vector.shape_cast %select_n3A_85 : vector<16xi32> to vector<16xi32>
    tpu.vector_store %arg6[%swap3A_86], %swap3A_89 {strides = array<i32>} : memref<128xi32, #tpu.memory_space<vmem>>, vector<16xi32>,
    %get3A_90 = arith.constant 32 : index
    %get3A_91 = tpu.vector_load %arg5[%get3A_90] {strides = array<i32>} : memref<128xi32, #tpu.memory_space<vmem>>, vector<16xi32>,
    %get3A_92 = vector.shape_cast %get3A_91 : vector<16xi32> to vector<16xi32>
    %sub3A_93 = vector.broadcast %mul3A_59 : i32 to vector<16xi32>
    %sub3A_94 = arith.subi %get3A_92, %sub3A_93 : vector<16xi32>
    %ge3A_95 = arith.constant 0 : i32
    %ge3A_96 = vector.broadcast %ge3A_95 : i32 to vector<16xi32>
    %ge3A_97 = arith.cmpi sge, %sub3A_94, %ge3A_96 : vector<16xi32>
    %lt3A_98 = arith.constant 5000 : i32
    %lt3A_99 = vector.broadcast %lt3A_98 : i32 to vector<16xi32>
    %lt3A_100 = arith.cmpi slt, %sub3A_94, %lt3A_99 : vector<16xi32>
    %and3A_101 = arith.andi %ge3A_97, %lt3A_100 : vector<16xi1>
    %jit3A_102 = arith.constant 5000 : i32
    %broadcast_in_dim3A_103 = vector.broadcast %jit3A_102 : i32 to vector<16xi32>
    %select_n3A_104 = arith.select %and3A_101, %sub3A_94, %broadcast_in_dim3A_103 : vector<16xi1>, vector<16xi32>
    %swap3A_105 = arith.constant 32 : index
    %swap3A_106 = tpu.vector_load %arg6[%swap3A_105] {strides = array<i32>} : memref<128xi32, #tpu.memory_space<vmem>>, vector<16xi32>,
    %swap3A_107 = vector.shape_cast %swap3A_106 : vector<16xi32> to vector<16xi32>
    %swap3A_108 = vector.shape_cast %select_n3A_104 : vector<16xi32> to vector<16xi32>
    tpu.vector_store %arg6[%swap3A_105], %swap3A_108 {strides = array<i32>} : memref<128xi32, #tpu.memory_space<vmem>>, vector<16xi32>,
    %get3A_109 = arith.constant 48 : index
    %get3A_110 = tpu.vector_load %arg5[%get3A_109] {strides = array<i32>} : memref<128xi32, #tpu.memory_space<vmem>>, vector<16xi32>,
    %get3A_111 = vector.shape_cast %get3A_110 : vector<16xi32> to vector<16xi32>
    %sub3A_112 = vector.broadcast %mul3A_59 : i32 to vector<16xi32>
    %sub3A_113 = arith.subi %get3A_111, %sub3A_112 : vector<16xi32>
    %ge3A_114 = arith.constant 0 : i32
    %ge3A_115 = vector.broadcast %ge3A_114 : i32 to vector<16xi32>
    %ge3A_116 = arith.cmpi sge, %sub3A_113, %ge3A_115 : vector<16xi32>
    %lt3A_117 = arith.constant 5000 : i32
    %lt3A_118 = vector.broadcast %lt3A_117 : i32 to vector<16xi32>
    %lt3A_119 = arith.cmpi slt, %sub3A_113, %lt3A_118 : vector<16xi32>
    %and3A_120 = arith.andi %ge3A_116, %lt3A_119 : vector<16xi1>
    %jit3A_121 = arith.constant 5000 : i32
    %broadcast_in_dim3A_122 = vector.broadcast %jit3A_121 : i32 to vector<16xi32>
    %select_n3A_123 = arith.select %and3A_120, %sub3A_113, %broadcast_in_dim3A_122 : vector<16xi1>, vector<16xi32>
    %swap3A_124 = arith.constant 48 : index
    %swap3A_125 = tpu.vector_load %arg6[%swap3A_124] {strides = array<i32>} : memref<128xi32, #tpu.memory_space<vmem>>, vector<16xi32>,
    %swap3A_126 = vector.shape_cast %swap3A_125 : vector<16xi32> to vector<16xi32>
    %swap3A_127 = vector.shape_cast %select_n3A_123 : vector<16xi32> to vector<16xi32>
    tpu.vector_store %arg6[%swap3A_124], %swap3A_127 {strides = array<i32>} : memref<128xi32, #tpu.memory_space<vmem>>, vector<16xi32>,
    %get3A_128 = arith.constant 64 : index
    %get3A_129 = tpu.vector_load %arg5[%get3A_128] {strides = array<i32>} : memref<128xi32, #tpu.memory_space<vmem>>, vector<16xi32>,
    %get3A_130 = vector.shape_cast %get3A_129 : vector<16xi32> to vector<16xi32>
    %sub3A_131 = vector.broadcast %mul3A_59 : i32 to vector<16xi32>
    %sub3A_132 = arith.subi %get3A_130, %sub3A_131 : vector<16xi32>
    %ge3A_133 = arith.constant 0 : i32
    %ge3A_134 = vector.broadcast %ge3A_133 : i32 to vector<16xi32>
    %ge3A_135 = arith.cmpi sge, %sub3A_132, %ge3A_134 : vector<16xi32>
    %lt3A_136 = arith.constant 5000 : i32
    %lt3A_137 = vector.broadcast %lt3A_136 : i32 to vector<16xi32>
    %lt3A_138 = arith.cmpi slt, %sub3A_132, %lt3A_137 : vector<16xi32>
    %and3A_139 = arith.andi %ge3A_135, %lt3A_138 : vector<16xi1>
    %jit3A_140 = arith.constant 5000 : i32
    %broadcast_in_dim3A_141 = vector.broadcast %jit3A_140 : i32 to vector<16xi32>
    %select_n3A_142 = arith.select %and3A_139, %sub3A_132, %broadcast_in_dim3A_141 : vector<16xi1>, vector<16xi32>
    %swap3A_143 = arith.constant 64 : index
    %swap3A_144 = tpu.vector_load %arg6[%swap3A_143] {strides = array<i32>} : memref<128xi32, #tpu.memory_space<vmem>>, vector<16xi32>,
    %swap3A_145 = vector.shape_cast %swap3A_144 : vector<16xi32> to vector<16xi32>
    %swap3A_146 = vector.shape_cast %select_n3A_142 : vector<16xi32> to vector<16xi32>
    tpu.vector_store %arg6[%swap3A_143], %swap3A_146 {strides = array<i32>} : memref<128xi32, #tpu.memory_space<vmem>>, vector<16xi32>,
    %get3A_147 = arith.constant 80 : index
    %get3A_148 = tpu.vector_load %arg5[%get3A_147] {strides = array<i32>} : memref<128xi32, #tpu.memory_space<vmem>>, vector<16xi32>,
    %get3A_149 = vector.shape_cast %get3A_148 : vector<16xi32> to vector<16xi32>
    %sub3A_150 = vector.broadcast %mul3A_59 : i32 to vector<16xi32>
    %sub3A_151 = arith.subi %get3A_149, %sub3A_150 : vector<16xi32>
    %ge3A_152 = arith.constant 0 : i32
    %ge3A_153 = vector.broadcast %ge3A_152 : i32 to vector<16xi32>
    %ge3A_154 = arith.cmpi sge, %sub3A_151, %ge3A_153 : vector<16xi32>
    %lt3A_155 = arith.constant 5000 : i32
    %lt3A_156 = vector.broadcast %lt3A_155 : i32 to vector<16xi32>
    %lt3A_157 = arith.cmpi slt, %sub3A_151, %lt3A_156 : vector<16xi32>
    %and3A_158 = arith.andi %ge3A_154, %lt3A_157 : vector<16xi1>
    %jit3A_159 = arith.constant 5000 : i32
    %broadcast_in_dim3A_160 = vector.broadcast %jit3A_159 : i32 to vector<16xi32>
    %select_n3A_161 = arith.select %and3A_158, %sub3A_151, %broadcast_in_dim3A_160 : vector<16xi1>, vector<16xi32>
    %swap3A_162 = arith.constant 80 : index
    %swap3A_163 = tpu.vector_load %arg6[%swap3A_162] {strides = array<i32>} : memref<128xi32, #tpu.memory_space<vmem>>, vector<16xi32>,
    %swap3A_164 = vector.shape_cast %swap3A_163 : vector<16xi32> to vector<16xi32>
    %swap3A_165 = vector.shape_cast %select_n3A_161 : vector<16xi32> to vector<16xi32>
    tpu.vector_store %arg6[%swap3A_162], %swap3A_165 {strides = array<i32>} : memref<128xi32, #tpu.memory_space<vmem>>, vector<16xi32>,
    %get3A_166 = arith.constant 96 : index
    %get3A_167 = tpu.vector_load %arg5[%get3A_166] {strides = array<i32>} : memref<128xi32, #tpu.memory_space<vmem>>, vector<16xi32>,
    %get3A_168 = vector.shape_cast %get3A_167 : vector<16xi32> to vector<16xi32>
    %sub3A_169 = vector.broadcast %mul3A_59 : i32 to vector<16xi32>
    %sub3A_170 = arith.subi %get3A_168, %sub3A_169 : vector<16xi32>
    %ge3A_171 = arith.constant 0 : i32
    %ge3A_172 = vector.broadcast %ge3A_171 : i32 to vector<16xi32>
    %ge3A_173 = arith.cmpi sge, %sub3A_170, %ge3A_172 : vector<16xi32>
    %lt3A_174 = arith.constant 5000 : i32
    %lt3A_175 = vector.broadcast %lt3A_174 : i32 to vector<16xi32>
    %lt3A_176 = arith.cmpi slt, %sub3A_170, %lt3A_175 : vector<16xi32>
    %and3A_177 = arith.andi %ge3A_173, %lt3A_176 : vector<16xi1>
    %jit3A_178 = arith.constant 5000 : i32
    %broadcast_in_dim3A_179 = vector.broadcast %jit3A_178 : i32 to vector<16xi32>
    %select_n3A_180 = arith.select %and3A_177, %sub3A_170, %broadcast_in_dim3A_179 : vector<16xi1>, vector<16xi32>
    %swap3A_181 = arith.constant 96 : index
    %swap3A_182 = tpu.vector_load %arg6[%swap3A_181] {strides = array<i32>} : memref<128xi32, #tpu.memory_space<vmem>>, vector<16xi32>,
    %swap3A_183 = vector.shape_cast %swap3A_182 : vector<16xi32> to vector<16xi32>
    %swap3A_184 = vector.shape_cast %select_n3A_180 : vector<16xi32> to vector<16xi32>
    tpu.vector_store %arg6[%swap3A_181], %swap3A_184 {strides = array<i32>} : memref<128xi32, #tpu.memory_space<vmem>>, vector<16xi32>,
    %get3A_185 = arith.constant 112 : index
    %get3A_186 = tpu.vector_load %arg5[%get3A_185] {strides = array<i32>} : memref<128xi32, #tpu.memory_space<vmem>>, vector<16xi32>,
    %get3A_187 = vector.shape_cast %get3A_186 : vector<16xi32> to vector<16xi32>
    %sub3A_188 = vector.broadcast %mul3A_59 : i32 to vector<16xi32>
    %sub3A_189 = arith.subi %get3A_187, %sub3A_188 : vector<16xi32>
    %ge3A_190 = arith.constant 0 : i32
    %ge3A_191 = vector.broadcast %ge3A_190 : i32 to vector<16xi32>
    %ge3A_192 = arith.cmpi sge, %sub3A_189, %ge3A_191 : vector<16xi32>
    %lt3A_193 = arith.constant 5000 : i32
    %lt3A_194 = vector.broadcast %lt3A_193 : i32 to vector<16xi32>
    %lt3A_195 = arith.cmpi slt, %sub3A_189, %lt3A_194 : vector<16xi32>
    %and3A_196 = arith.andi %ge3A_192, %lt3A_195 : vector<16xi1>
    %jit3A_197 = arith.constant 5000 : i32
    %broadcast_in_dim3A_198 = vector.broadcast %jit3A_197 : i32 to vector<16xi32>
    %select_n3A_199 = arith.select %and3A_196, %sub3A_189, %broadcast_in_dim3A_198 : vector<16xi1>, vector<16xi32>
    %swap3A_200 = arith.constant 112 : index
    %swap3A_201 = tpu.vector_load %arg6[%swap3A_200] {strides = array<i32>} : memref<128xi32, #tpu.memory_space<vmem>>, vector<16xi32>,
    %swap3A_202 = vector.shape_cast %swap3A_201 : vector<16xi32> to vector<16xi32>
    %swap3A_203 = vector.shape_cast %select_n3A_199 : vector<16xi32> to vector<16xi32>
    tpu.vector_store %arg6[%swap3A_200], %swap3A_203 {strides = array<i32>} : memref<128xi32, #tpu.memory_space<vmem>>, vector<16xi32>,
    %dma_wait3A_204 = arith.constant 0 : i32
    %dma_wait3A_205 = tpu.memref_slice %arg9[%add3A_13, %dma_wait3A_204] : memref<5008x128xf32, #tpu.memory_space<vmem_shared>> -> memref<64x128xf32, #tpu.memory_space<vmem_shared>>
    %dma_wait3A_206 = arith.constant 0 : i32
    %dma_wait3A_207 = tpu.memref_slice %arg9[%add3A_13, %dma_wait3A_206] : memref<5008x128xf32, #tpu.memory_space<vmem_shared>> -> memref<64x128xf32, #tpu.memory_space<vmem_shared>>
    tpu.wait_dma2 semaphore(%arg12 : memref<!tpu.dma_semaphore, #tpu.memory_space<semaphore_mem>>) src(%arg8 : memref<64x128xf32, #tpu.memory_space<vmem>>) dst(%dma_wait3A_207 : memref<64x128xf32, #tpu.memory_space<vmem_shared>>)
    %dma_wait3A_208 = arith.constant 0 : i32
    %dma_wait3A_209 = tpu.memref_slice %arg9[%add3A_21, %dma_wait3A_208] : memref<5008x128xf32, #tpu.memory_space<vmem_shared>> -> memref<64x128xf32, #tpu.memory_space<vmem_shared>>
    %dma_wait3A_210 = arith.constant 0 : i32
    %dma_wait3A_211 = tpu.memref_slice %arg9[%add3A_21, %dma_wait3A_210] : memref<5008x128xf32, #tpu.memory_space<vmem_shared>> -> memref<64x128xf32, #tpu.memory_space<vmem_shared>>
    tpu.wait_dma2 semaphore(%arg12 : memref<!tpu.dma_semaphore, #tpu.memory_space<semaphore_mem>>) src(%arg8 : memref<64x128xf32, #tpu.memory_space<vmem>>) dst(%dma_wait3A_211 : memref<64x128xf32, #tpu.memory_space<vmem_shared>>)
    %dma_wait3A_212 = arith.constant 0 : i32
    %dma_wait3A_213 = tpu.memref_slice %arg9[%add3A_29, %dma_wait3A_212] : memref<5008x128xf32, #tpu.memory_space<vmem_shared>> -> memref<64x128xf32, #tpu.memory_space<vmem_shared>>
    %dma_wait3A_214 = arith.constant 0 : i32
    %dma_wait3A_215 = tpu.memref_slice %arg9[%add3A_29, %dma_wait3A_214] : memref<5008x128xf32, #tpu.memory_space<vmem_shared>> -> memref<64x128xf32, #tpu.memory_space<vmem_shared>>
    tpu.wait_dma2 semaphore(%arg12 : memref<!tpu.dma_semaphore, #tpu.memory_space<semaphore_mem>>) src(%arg8 : memref<64x128xf32, #tpu.memory_space<vmem>>) dst(%dma_wait3A_215 : memref<64x128xf32, #tpu.memory_space<vmem_shared>>)
    %dma_wait3A_216 = arith.constant 0 : i32
    %dma_wait3A_217 = tpu.memref_slice %arg9[%add3A_37, %dma_wait3A_216] : memref<5008x128xf32, #tpu.memory_space<vmem_shared>> -> memref<64x128xf32, #tpu.memory_space<vmem_shared>>
    %dma_wait3A_218 = arith.constant 0 : i32
    %dma_wait3A_219 = tpu.memref_slice %arg9[%add3A_37, %dma_wait3A_218] : memref<5008x128xf32, #tpu.memory_space<vmem_shared>> -> memref<64x128xf32, #tpu.memory_space<vmem_shared>>
    tpu.wait_dma2 semaphore(%arg12 : memref<!tpu.dma_semaphore, #tpu.memory_space<semaphore_mem>>) src(%arg8 : memref<64x128xf32, #tpu.memory_space<vmem>>) dst(%dma_wait3A_219 : memref<64x128xf32, #tpu.memory_space<vmem_shared>>)
    %dma_wait3A_220 = arith.constant 0 : i32
    %dma_wait3A_221 = arith.constant 0 : i32
    %dma_wait3A_222 = tpu.memref_slice %arg8[%dma_wait3A_220, %dma_wait3A_221] : memref<64x128xf32, #tpu.memory_space<vmem>> -> memref<57x128xf32, #tpu.memory_space<vmem>>
    %dma_wait3A_223 = arith.constant 0 : i32
    %dma_wait3A_224 = tpu.memref_slice %arg9[%sub3A_46, %dma_wait3A_223] : memref<5008x128xf32, #tpu.memory_space<vmem_shared>> -> memref<57x128xf32, #tpu.memory_space<vmem_shared>>
    %dma_wait3A_225 = arith.constant 0 : i32
    %dma_wait3A_226 = tpu.memref_slice %arg9[%sub3A_46, %dma_wait3A_225] : memref<5008x128xf32, #tpu.memory_space<vmem_shared>> -> memref<57x128xf32, #tpu.memory_space<vmem_shared>>
    %dma_wait3A_227 = arith.constant 0 : i32
    %dma_wait3A_228 = arith.constant 0 : i32
    %dma_wait3A_229 = tpu.memref_slice %arg8[%dma_wait3A_227, %dma_wait3A_228] : memref<64x128xf32, #tpu.memory_space<vmem>> -> memref<57x128xf32, #tpu.memory_space<vmem>>
    tpu.wait_dma2 semaphore(%arg12 : memref<!tpu.dma_semaphore, #tpu.memory_space<semaphore_mem>>) src(%dma_wait3A_229 : memref<57x128xf32, #tpu.memory_space<vmem>>) dst(%dma_wait3A_226 : memref<57x128xf32, #tpu.memory_space<vmem_shared>>)
    %dma_wait3A_230 = arith.constant 0 : i32
    %dma_wait3A_231 = tpu.memref_slice %arg2[%mul3A_0, %dma_wait3A_230] : memref<2048x128xf32, #tpu.memory_space<hbm>> -> memref<128x128xf32, #tpu.memory_space<hbm>>
    %dma_wait3A_232 = arith.constant 0 : i32
    %dma_wait3A_233 = tpu.memref_slice %arg2[%mul3A_0, %dma_wait3A_232] : memref<2048x128xf32, #tpu.memory_space<hbm>> -> memref<128x128xf32, #tpu.memory_space<hbm>>
    tpu.wait_dma2 semaphore(%arg11 : memref<!tpu.dma_semaphore, #tpu.memory_space<semaphore_mem>>) src(%dma_wait3A_233 : memref<128x128xf32, #tpu.memory_space<hbm>>) dst(%arg7 : memref<128x128xf32, #tpu.memory_space<vmem>>)
    %barrier3A = arith.constant 0 : index
    tpu.barrier barrier_id(%barrier3A)
    "tpu.region"() ({
      %run_scoped3A = tpu.sem_alloc : memref<!tpu.dma_semaphore, #tpu.memory_space<semaphore_mem>>
      %dma_start3A_242 = arith.constant 0 : i32
      %dma_start3A_243 = arith.constant 0 : i32
      %dma_start3A_244 = tpu.memref_slice %arg9[%dma_start3A_242, %dma_start3A_243] : memref<5008x128xf32, #tpu.memory_space<vmem_shared>> -> memref<5008x128xf32, #tpu.memory_space<vmem_shared>>
      tpu.enqueue_indirect_dma source(%arg7 : memref<128x128xf32, #tpu.memory_space<vmem>>) target(%dma_start3A_244 : memref<5008x128xf32, #tpu.memory_space<vmem_shared>>) offsets(%arg6 : memref<128xi32, #tpu.memory_space<vmem>>) semaphore(%run_scoped3A : memref<!tpu.dma_semaphore, #tpu.memory_space<semaphore_mem>>) {add = true}
      %dma_wait3A_245 = arith.constant 0 : i32
      %dma_wait3A_246 = arith.constant 0 : i32
      %dma_wait3A_247 = tpu.memref_slice %arg9[%dma_wait3A_245, %dma_wait3A_246] : memref<5008x128xf32, #tpu.memory_space<vmem_shared>> -> memref<5008x128xf32, #tpu.memory_space<vmem_shared>>
      tpu.wait_indirect_dma semaphore(%run_scoped3A : memref<!tpu.dma_semaphore, #tpu.memory_space<semaphore_mem>>) src(%arg7 : memref<128x128xf32, #tpu.memory_space<vmem>>) dst(%dma_wait3A_247 : memref<5008x128xf32, #tpu.memory_space<vmem_shared>>)
      tpu.yield
    }) : () -> ()
    %barrier3A_234 = arith.constant 0 : index
    tpu.barrier barrier_id(%barrier3A_234)
    %mul3A_235 = arith.constant 312 : i32
    %mul3A_236 = arith.muli %arg1, %mul3A_235 : i32
    %mul3A_237 = arith.constant 312 : i32
    %mul3A_238 = arith.muli %arg1, %mul3A_237 : i32
    %add3A_239 = arith.addi %mul3A_59, %mul3A_238 : i32
    "tpu.region"() ({
      %run_scoped3A = tpu.sem_alloc : memref<!tpu.dma_semaphore, #tpu.memory_space<semaphore_mem>>
      %dma_start3A_242 = arith.constant 0 : i32
      %dma_start3A_243 = tpu.memref_slice %arg4[%add3A_239, %dma_start3A_242] : memref<10000x128xf32, #tpu.memory_space<hbm>> -> memref<312x128xf32, #tpu.memory_space<hbm>>
      %dma_start3A_244 = arith.constant 0 : i32
      %dma_start3A_245 = tpu.memref_slice %arg9[%mul3A_236, %dma_start3A_244] : memref<5008x128xf32, #tpu.memory_space<vmem_shared>> -> memref<312x128xf32, #tpu.memory_space<vmem_shared>>
      tpu.enqueue_dma source(%dma_start3A_245 : memref<312x128xf32, #tpu.memory_space<vmem_shared>>) target(%dma_start3A_243 : memref<312x128xf32, #tpu.memory_space<hbm>>) target_semaphore(%run_scoped3A : memref<!tpu.dma_semaphore, #tpu.memory_space<semaphore_mem>>)
      %dma_wait3A_246 = arith.constant 0 : i32
      %dma_wait3A_247 = tpu.memref_slice %arg4[%add3A_239, %dma_wait3A_246] : memref<10000x128xf32, #tpu.memory_space<hbm>> -> memref<312x128xf32, #tpu.memory_space<hbm>>
      %dma_wait3A_248 = arith.constant 0 : i32
      %dma_wait3A_249 = tpu.memref_slice %arg9[%mul3A_236, %dma_wait3A_248] : memref<5008x128xf32, #tpu.memory_space<vmem_shared>> -> memref<312x128xf32, #tpu.memory_space<vmem_shared>>
      tpu.wait_dma2 semaphore(%run_scoped3A : memref<!tpu.dma_semaphore, #tpu.memory_space<semaphore_mem>>) src(%dma_wait3A_249 : memref<312x128xf32, #tpu.memory_space<vmem_shared>>) dst(%dma_wait3A_247 : memref<312x128xf32, #tpu.memory_space<hbm>>)
      tpu.yield
    }) : () -> ()
    %eq3A = arith.constant 15 : i32
    %eq3A_240 = arith.cmpi eq, %arg1, %eq3A : i32
    %convert_element_type3A = arith.extui %eq3A_240 : i1 to i32
    %cond3A = arith.constant 0 : i32
    %cond3A_241 = arith.cmpi ne, %convert_element_type3A, %cond3A : i32
    scf.if %cond3A_241 {
      %add3A_242 = arith.constant 4992 : i32
      %add3A_243 = arith.addi %mul3A_59, %add3A_242 : i32
      "tpu.region"() ({
        %run_scoped3A = tpu.sem_alloc : memref<!tpu.dma_semaphore, #tpu.memory_space<semaphore_mem>>
        %dma_start3A_244 = arith.constant 0 : i32
        %dma_start3A_245 = tpu.memref_slice %arg4[%add3A_243, %dma_start3A_244] : memref<10000x128xf32, #tpu.memory_space<hbm>> -> memref<8x128xf32, #tpu.memory_space<hbm>>
        %dma_start3A_246 = arith.constant 4992 : i32
        %dma_start3A_247 = arith.constant 0 : i32
        %dma_start3A_248 = tpu.memref_slice %arg9[%dma_start3A_246, %dma_start3A_247] : memref<5008x128xf32, #tpu.memory_space<vmem_shared>> -> memref<8x128xf32, #tpu.memory_space<vmem_shared>>
        tpu.enqueue_dma source(%dma_start3A_248 : memref<8x128xf32, #tpu.memory_space<vmem_shared>>) target(%dma_start3A_245 : memref<8x128xf32, #tpu.memory_space<hbm>>) target_semaphore(%run_scoped3A : memref<!tpu.dma_semaphore, #tpu.memory_space<semaphore_mem>>)
        %dma_wait3A_249 = arith.constant 0 : i32
        %dma_wait3A_250 = tpu.memref_slice %arg4[%add3A_243, %dma_wait3A_249] : memref<10000x128xf32, #tpu.memory_space<hbm>> -> memref<8x128xf32, #tpu.memory_space<hbm>>
        %dma_wait3A_251 = arith.constant 4992 : i32
        %dma_wait3A_252 = arith.constant 0 : i32
        %dma_wait3A_253 = tpu.memref_slice %arg9[%dma_wait3A_251, %dma_wait3A_252] : memref<5008x128xf32, #tpu.memory_space<vmem_shared>> -> memref<8x128xf32, #tpu.memory_space<vmem_shared>>
        tpu.wait_dma2 semaphore(%run_scoped3A : memref<!tpu.dma_semaphore, #tpu.memory_space<semaphore_mem>>) src(%dma_wait3A_253 : memref<8x128xf32, #tpu.memory_space<vmem_shared>>) dst(%dma_wait3A_250 : memref<8x128xf32, #tpu.memory_space<hbm>>)
        tpu.yield
      }) : () -> ()
    } else {
    }
    return
  }
}

#map = affine_map<(d0, d1) -> (0, 0)>
#map1 = affine_map<(d0, d1) -> (0)>
module attributes {stable_mosaic.version = 14 : i64} {
  func.func @_sc_gather(%arg0: i32, %arg1: i32, %arg2: memref<10000x128xf32, #tpu.memory_space<hbm>>, %arg3: memref<2048xi32, #tpu.memory_space<hbm>>, %arg4: memref<2048xi32, #tpu.memory_space<hbm>>, %arg5: memref<4096x128xf32, #tpu.memory_space<hbm>>, %arg6: memref<128xi32, #tpu.memory_space<vmem>>, %arg7: memref<128x128xf32, #tpu.memory_space<vmem>>, %arg8: memref<!tpu.dma_semaphore, #tpu.memory_space<semaphore_mem>>) attributes {dimension_semantics = [#tpu.dimension_semantics<core_parallel>, #tpu.dimension_semantics<subcore_parallel>], iteration_bounds = array<i64: 2, 16>, scalar_prefetch = 0 : i64, scratch_operands = 3 : i64, tpu.core_type = #tpu.core_type<sc_vector_subcore>, window_params = [{transform_indices = #map}, {transform_indices = #map1}, {transform_indices = #map1}, {transform_indices = #map}]} {
    %mul3A = arith.constant 2 : i32
    %mul3A_0 = arith.muli %arg1, %mul3A : i32
    %add3A = arith.addi %mul3A_0, %arg0 : i32
    %mul3A_1 = arith.constant 128 : i32
    %mul3A_2 = arith.muli %add3A, %mul3A_1 : i32
    %lt3A = arith.constant 2048 : i32
    %lt3A_3 = arith.cmpi slt, %mul3A_2, %lt3A : i32
    %convert_element_type3A = arith.extui %lt3A_3 : i1 to i32
    %cond3A = arith.constant 0 : i32
    %cond3A_4 = arith.cmpi ne, %convert_element_type3A, %cond3A : i32
    scf.if %cond3A_4 {
      "tpu.region"() ({
        %run_scoped3A = tpu.sem_alloc : memref<!tpu.dma_semaphore, #tpu.memory_space<semaphore_mem>>
        %dma_start3A_13 = tpu.memref_slice %arg3[%mul3A_2] : memref<2048xi32, #tpu.memory_space<hbm>> -> memref<128xi32, #tpu.memory_space<hbm>>
        %dma_start3A_14 = tpu.memref_slice %arg3[%mul3A_2] : memref<2048xi32, #tpu.memory_space<hbm>> -> memref<128xi32, #tpu.memory_space<hbm>>
        tpu.enqueue_dma source(%dma_start3A_14 : memref<128xi32, #tpu.memory_space<hbm>>) target(%arg6 : memref<128xi32, #tpu.memory_space<vmem>>) target_semaphore(%run_scoped3A : memref<!tpu.dma_semaphore, #tpu.memory_space<semaphore_mem>>)
        %dma_wait3A_15 = tpu.memref_slice %arg3[%mul3A_2] : memref<2048xi32, #tpu.memory_space<hbm>> -> memref<128xi32, #tpu.memory_space<hbm>>
        %dma_wait3A_16 = tpu.memref_slice %arg3[%mul3A_2] : memref<2048xi32, #tpu.memory_space<hbm>> -> memref<128xi32, #tpu.memory_space<hbm>>
        tpu.wait_dma2 semaphore(%run_scoped3A : memref<!tpu.dma_semaphore, #tpu.memory_space<semaphore_mem>>) src(%dma_wait3A_16 : memref<128xi32, #tpu.memory_space<hbm>>) dst(%arg6 : memref<128xi32, #tpu.memory_space<vmem>>)
        tpu.yield
      }) : () -> ()
    } else {
    }
    %ge3A = arith.constant 2048 : i32
    %ge3A_5 = arith.cmpi sge, %mul3A_2, %ge3A : i32
    %convert_element_type3A_6 = arith.extui %ge3A_5 : i1 to i32
    %cond3A_7 = arith.constant 0 : i32
    %cond3A_8 = arith.cmpi ne, %convert_element_type3A_6, %cond3A_7 : i32
    scf.if %cond3A_8 {
      %sub3A = arith.constant 2048 : i32
      %sub3A_13 = arith.subi %mul3A_2, %sub3A : i32
      "tpu.region"() ({
        %run_scoped3A = tpu.sem_alloc : memref<!tpu.dma_semaphore, #tpu.memory_space<semaphore_mem>>
        %dma_start3A_14 = tpu.memref_slice %arg4[%sub3A_13] : memref<2048xi32, #tpu.memory_space<hbm>> -> memref<128xi32, #tpu.memory_space<hbm>>
        %dma_start3A_15 = tpu.memref_slice %arg4[%sub3A_13] : memref<2048xi32, #tpu.memory_space<hbm>> -> memref<128xi32, #tpu.memory_space<hbm>>
        tpu.enqueue_dma source(%dma_start3A_15 : memref<128xi32, #tpu.memory_space<hbm>>) target(%arg6 : memref<128xi32, #tpu.memory_space<vmem>>) target_semaphore(%run_scoped3A : memref<!tpu.dma_semaphore, #tpu.memory_space<semaphore_mem>>)
        %dma_wait3A_16 = tpu.memref_slice %arg4[%sub3A_13] : memref<2048xi32, #tpu.memory_space<hbm>> -> memref<128xi32, #tpu.memory_space<hbm>>
        %dma_wait3A_17 = tpu.memref_slice %arg4[%sub3A_13] : memref<2048xi32, #tpu.memory_space<hbm>> -> memref<128xi32, #tpu.memory_space<hbm>>
        tpu.wait_dma2 semaphore(%run_scoped3A : memref<!tpu.dma_semaphore, #tpu.memory_space<semaphore_mem>>) src(%dma_wait3A_17 : memref<128xi32, #tpu.memory_space<hbm>>) dst(%arg6 : memref<128xi32, #tpu.memory_space<vmem>>)
        tpu.yield
      }) : () -> ()
    } else {
    }
    %dma_start3A = arith.constant 0 : i32
    %dma_start3A_9 = arith.constant 0 : i32
    %dma_start3A_10 = tpu.memref_slice %arg2[%dma_start3A, %dma_start3A_9] : memref<10000x128xf32, #tpu.memory_space<hbm>> -> memref<10000x128xf32, #tpu.memory_space<hbm>>
    tpu.enqueue_indirect_dma source(%dma_start3A_10 : memref<10000x128xf32, #tpu.memory_space<hbm>>) target(%arg7 : memref<128x128xf32, #tpu.memory_space<vmem>>) offsets(%arg6 : memref<128xi32, #tpu.memory_space<vmem>>) semaphore(%arg8 : memref<!tpu.dma_semaphore, #tpu.memory_space<semaphore_mem>>)
    %dma_wait3A = arith.constant 0 : i32
    %dma_wait3A_11 = arith.constant 0 : i32
    %dma_wait3A_12 = tpu.memref_slice %arg2[%dma_wait3A, %dma_wait3A_11] : memref<10000x128xf32, #tpu.memory_space<hbm>> -> memref<10000x128xf32, #tpu.memory_space<hbm>>
    tpu.wait_indirect_dma semaphore(%arg8 : memref<!tpu.dma_semaphore, #tpu.memory_space<semaphore_mem>>) src(%dma_wait3A_12 : memref<10000x128xf32, #tpu.memory_space<hbm>>) dst(%arg7 : memref<128x128xf32, #tpu.memory_space<vmem>>)
    "tpu.region"() ({
      %run_scoped3A = tpu.sem_alloc : memref<!tpu.dma_semaphore, #tpu.memory_space<semaphore_mem>>
      %dma_start3A_13 = arith.constant 0 : i32
      %dma_start3A_14 = tpu.memref_slice %arg5[%mul3A_2, %dma_start3A_13] : memref<4096x128xf32, #tpu.memory_space<hbm>> -> memref<128x128xf32, #tpu.memory_space<hbm>>
      %dma_start3A_15 = arith.constant 0 : i32
      %dma_start3A_16 = tpu.memref_slice %arg5[%mul3A_2, %dma_start3A_15] : memref<4096x128xf32, #tpu.memory_space<hbm>> -> memref<128x128xf32, #tpu.memory_space<hbm>>
      tpu.enqueue_dma source(%arg7 : memref<128x128xf32, #tpu.memory_space<vmem>>) target(%dma_start3A_16 : memref<128x128xf32, #tpu.memory_space<hbm>>) target_semaphore(%run_scoped3A : memref<!tpu.dma_semaphore, #tpu.memory_space<semaphore_mem>>)
      %dma_wait3A_17 = arith.constant 0 : i32
      %dma_wait3A_18 = tpu.memref_slice %arg5[%mul3A_2, %dma_wait3A_17] : memref<4096x128xf32, #tpu.memory_space<hbm>> -> memref<128x128xf32, #tpu.memory_space<hbm>>
      %dma_wait3A_19 = arith.constant 0 : i32
      %dma_wait3A_20 = tpu.memref_slice %arg5[%mul3A_2, %dma_wait3A_19] : memref<4096x128xf32, #tpu.memory_space<hbm>> -> memref<128x128xf32, #tpu.memory_space<hbm>>
      tpu.wait_dma2 semaphore(%run_scoped3A : memref<!tpu.dma_semaphore, #tpu.memory_space<semaphore_mem>>) src(%arg7 : memref<128x128xf32, #tpu.memory_space<vmem>>) dst(%dma_wait3A_20 : memref<128x128xf32, #tpu.memory_space<hbm>>)
      tpu.yield
    }) : () -> ()
    return
  }
}

#map = affine_map<(d0, d1) -> (0, 0)>
#map1 = affine_map<(d0, d1) -> (0)>
module attributes {stable_mosaic.version = 14 : i64} {
  func.func @_sc_gather(%arg0: i32, %arg1: i32, %arg2: memref<10000x128xf32, #tpu.memory_space<hbm>>, %arg3: memref<2048xi32, #tpu.memory_space<hbm>>, %arg4: memref<2048xi32, #tpu.memory_space<hbm>>, %arg5: memref<4096x128xf32, #tpu.memory_space<hbm>>, %arg6: memref<128xi32, #tpu.memory_space<vmem>>, %arg7: memref<128x128xf32, #tpu.memory_space<vmem>>, %arg8: memref<!tpu.dma_semaphore, #tpu.memory_space<semaphore_mem>>) attributes {dimension_semantics = [#tpu.dimension_semantics<core_parallel>, #tpu.dimension_semantics<subcore_parallel>], iteration_bounds = array<i64: 2, 16>, scalar_prefetch = 0 : i64, scratch_operands = 3 : i64, tpu.core_type = #tpu.core_type<sc_vector_subcore>, window_params = [{transform_indices = #map}, {transform_indices = #map1}, {transform_indices = #map1}, {transform_indices = #map}]} {
    %mul3A = arith.constant 2 : i32
    %mul3A_0 = arith.muli %arg1, %mul3A : i32
    %add3A = arith.addi %mul3A_0, %arg0 : i32
    %mul3A_1 = arith.constant 128 : i32
    %mul3A_2 = arith.muli %add3A, %mul3A_1 : i32
    %lt3A = arith.constant 2048 : i32
    %lt3A_3 = arith.cmpi slt, %mul3A_2, %lt3A : i32
    %convert_element_type3A = arith.extui %lt3A_3 : i1 to i32
    %cond3A = arith.constant 0 : i32
    %cond3A_4 = arith.cmpi ne, %convert_element_type3A, %cond3A : i32
    scf.if %cond3A_4 {
      "tpu.region"() ({
        %run_scoped3A = tpu.sem_alloc : memref<!tpu.dma_semaphore, #tpu.memory_space<semaphore_mem>>
        %dma_start3A_13 = tpu.memref_slice %arg3[%mul3A_2] : memref<2048xi32, #tpu.memory_space<hbm>> -> memref<128xi32, #tpu.memory_space<hbm>>
        %dma_start3A_14 = tpu.memref_slice %arg3[%mul3A_2] : memref<2048xi32, #tpu.memory_space<hbm>> -> memref<128xi32, #tpu.memory_space<hbm>>
        tpu.enqueue_dma source(%dma_start3A_14 : memref<128xi32, #tpu.memory_space<hbm>>) target(%arg6 : memref<128xi32, #tpu.memory_space<vmem>>) target_semaphore(%run_scoped3A : memref<!tpu.dma_semaphore, #tpu.memory_space<semaphore_mem>>)
        %dma_wait3A_15 = tpu.memref_slice %arg3[%mul3A_2] : memref<2048xi32, #tpu.memory_space<hbm>> -> memref<128xi32, #tpu.memory_space<hbm>>
        %dma_wait3A_16 = tpu.memref_slice %arg3[%mul3A_2] : memref<2048xi32, #tpu.memory_space<hbm>> -> memref<128xi32, #tpu.memory_space<hbm>>
        tpu.wait_dma2 semaphore(%run_scoped3A : memref<!tpu.dma_semaphore, #tpu.memory_space<semaphore_mem>>) src(%dma_wait3A_16 : memref<128xi32, #tpu.memory_space<hbm>>) dst(%arg6 : memref<128xi32, #tpu.memory_space<vmem>>)
        tpu.yield
      }) : () -> ()
    } else {
    }
    %ge3A = arith.constant 2048 : i32
    %ge3A_5 = arith.cmpi sge, %mul3A_2, %ge3A : i32
    %convert_element_type3A_6 = arith.extui %ge3A_5 : i1 to i32
    %cond3A_7 = arith.constant 0 : i32
    %cond3A_8 = arith.cmpi ne, %convert_element_type3A_6, %cond3A_7 : i32
    scf.if %cond3A_8 {
      %sub3A = arith.constant 2048 : i32
      %sub3A_13 = arith.subi %mul3A_2, %sub3A : i32
      "tpu.region"() ({
        %run_scoped3A = tpu.sem_alloc : memref<!tpu.dma_semaphore, #tpu.memory_space<semaphore_mem>>
        %dma_start3A_14 = tpu.memref_slice %arg4[%sub3A_13] : memref<2048xi32, #tpu.memory_space<hbm>> -> memref<128xi32, #tpu.memory_space<hbm>>
        %dma_start3A_15 = tpu.memref_slice %arg4[%sub3A_13] : memref<2048xi32, #tpu.memory_space<hbm>> -> memref<128xi32, #tpu.memory_space<hbm>>
        tpu.enqueue_dma source(%dma_start3A_15 : memref<128xi32, #tpu.memory_space<hbm>>) target(%arg6 : memref<128xi32, #tpu.memory_space<vmem>>) target_semaphore(%run_scoped3A : memref<!tpu.dma_semaphore, #tpu.memory_space<semaphore_mem>>)
        %dma_wait3A_16 = tpu.memref_slice %arg4[%sub3A_13] : memref<2048xi32, #tpu.memory_space<hbm>> -> memref<128xi32, #tpu.memory_space<hbm>>
        %dma_wait3A_17 = tpu.memref_slice %arg4[%sub3A_13] : memref<2048xi32, #tpu.memory_space<hbm>> -> memref<128xi32, #tpu.memory_space<hbm>>
        tpu.wait_dma2 semaphore(%run_scoped3A : memref<!tpu.dma_semaphore, #tpu.memory_space<semaphore_mem>>) src(%dma_wait3A_17 : memref<128xi32, #tpu.memory_space<hbm>>) dst(%arg6 : memref<128xi32, #tpu.memory_space<vmem>>)
        tpu.yield
      }) : () -> ()
    } else {
    }
    %dma_start3A = arith.constant 0 : i32
    %dma_start3A_9 = arith.constant 0 : i32
    %dma_start3A_10 = tpu.memref_slice %arg2[%dma_start3A, %dma_start3A_9] : memref<10000x128xf32, #tpu.memory_space<hbm>> -> memref<10000x128xf32, #tpu.memory_space<hbm>>
    tpu.enqueue_indirect_dma source(%dma_start3A_10 : memref<10000x128xf32, #tpu.memory_space<hbm>>) target(%arg7 : memref<128x128xf32, #tpu.memory_space<vmem>>) offsets(%arg6 : memref<128xi32, #tpu.memory_space<vmem>>) semaphore(%arg8 : memref<!tpu.dma_semaphore, #tpu.memory_space<semaphore_mem>>)
    %dma_wait3A = arith.constant 0 : i32
    %dma_wait3A_11 = arith.constant 0 : i32
    %dma_wait3A_12 = tpu.memref_slice %arg2[%dma_wait3A, %dma_wait3A_11] : memref<10000x128xf32, #tpu.memory_space<hbm>> -> memref<10000x128xf32, #tpu.memory_space<hbm>>
    tpu.wait_indirect_dma semaphore(%arg8 : memref<!tpu.dma_semaphore, #tpu.memory_space<semaphore_mem>>) src(%dma_wait3A_12 : memref<10000x128xf32, #tpu.memory_space<hbm>>) dst(%arg7 : memref<128x128xf32, #tpu.memory_space<vmem>>)
    "tpu.region"() ({
      %run_scoped3A = tpu.sem_alloc : memref<!tpu.dma_semaphore, #tpu.memory_space<semaphore_mem>>
      %dma_start3A_13 = arith.constant 0 : i32
      %dma_start3A_14 = tpu.memref_slice %arg5[%mul3A_2, %dma_start3A_13] : memref<4096x128xf32, #tpu.memory_space<hbm>> -> memref<128x128xf32, #tpu.memory_space<hbm>>
      %dma_start3A_15 = arith.constant 0 : i32
      %dma_start3A_16 = tpu.memref_slice %arg5[%mul3A_2, %dma_start3A_15] : memref<4096x128xf32, #tpu.memory_space<hbm>> -> memref<128x128xf32, #tpu.memory_space<hbm>>
      tpu.enqueue_dma source(%arg7 : memref<128x128xf32, #tpu.memory_space<vmem>>) target(%dma_start3A_16 : memref<128x128xf32, #tpu.memory_space<hbm>>) target_semaphore(%run_scoped3A : memref<!tpu.dma_semaphore, #tpu.memory_space<semaphore_mem>>)
      %dma_wait3A_17 = arith.constant 0 : i32
      %dma_wait3A_18 = tpu.memref_slice %arg5[%mul3A_2, %dma_wait3A_17] : memref<4096x128xf32, #tpu.memory_space<hbm>> -> memref<128x128xf32, #tpu.memory_space<hbm>>
      %dma_wait3A_19 = arith.constant 0 : i32
      %dma_wait3A_20 = tpu.memref_slice %arg5[%mul3A_2, %dma_wait3A_19] : memref<4096x128xf32, #tpu.memory_space<hbm>> -> memref<128x128xf32, #tpu.memory_space<hbm>>
      tpu.wait_dma2 semaphore(%run_scoped3A : memref<!tpu.dma_semaphore, #tpu.memory_space<semaphore_mem>>) src(%arg7 : memref<128x128xf32, #tpu.memory_space<vmem>>) dst(%dma_wait3A_20 : memref<128x128xf32, #tpu.memory_space<hbm>>)
      tpu.yield
    }) : () -> ()
    return
  }
}

#map = affine_map<(d0, d1) -> (0, 0)>
#map1 = affine_map<(d0, d1) -> (0)>
module attributes {stable_mosaic.version = 14 : i64} {
  func.func @_sc_gather(%arg0: i32, %arg1: i32, %arg2: memref<10000x128xf32, #tpu.memory_space<hbm>>, %arg3: memref<2048xi32, #tpu.memory_space<hbm>>, %arg4: memref<2048xi32, #tpu.memory_space<hbm>>, %arg5: memref<4096x128xf32, #tpu.memory_space<hbm>>, %arg6: memref<128xi32, #tpu.memory_space<vmem>>, %arg7: memref<128x128xf32, #tpu.memory_space<vmem>>, %arg8: memref<!tpu.dma_semaphore, #tpu.memory_space<semaphore_mem>>) attributes {dimension_semantics = [#tpu.dimension_semantics<core_parallel>, #tpu.dimension_semantics<subcore_parallel>], iteration_bounds = array<i64: 2, 16>, scalar_prefetch = 0 : i64, scratch_operands = 3 : i64, tpu.core_type = #tpu.core_type<sc_vector_subcore>, window_params = [{transform_indices = #map}, {transform_indices = #map1}, {transform_indices = #map1}, {transform_indices = #map}]} {
    %mul3A = arith.constant 2 : i32
    %mul3A_0 = arith.muli %arg1, %mul3A : i32
    %add3A = arith.addi %mul3A_0, %arg0 : i32
    %mul3A_1 = arith.constant 128 : i32
    %mul3A_2 = arith.muli %add3A, %mul3A_1 : i32
    %lt3A = arith.constant 2048 : i32
    %lt3A_3 = arith.cmpi slt, %mul3A_2, %lt3A : i32
    %convert_element_type3A = arith.extui %lt3A_3 : i1 to i32
    %cond3A = arith.constant 0 : i32
    %cond3A_4 = arith.cmpi ne, %convert_element_type3A, %cond3A : i32
    scf.if %cond3A_4 {
      "tpu.region"() ({
        %run_scoped3A = tpu.sem_alloc : memref<!tpu.dma_semaphore, #tpu.memory_space<semaphore_mem>>
        %dma_start3A_13 = tpu.memref_slice %arg3[%mul3A_2] : memref<2048xi32, #tpu.memory_space<hbm>> -> memref<128xi32, #tpu.memory_space<hbm>>
        %dma_start3A_14 = tpu.memref_slice %arg3[%mul3A_2] : memref<2048xi32, #tpu.memory_space<hbm>> -> memref<128xi32, #tpu.memory_space<hbm>>
        tpu.enqueue_dma source(%dma_start3A_14 : memref<128xi32, #tpu.memory_space<hbm>>) target(%arg6 : memref<128xi32, #tpu.memory_space<vmem>>) target_semaphore(%run_scoped3A : memref<!tpu.dma_semaphore, #tpu.memory_space<semaphore_mem>>)
        %dma_wait3A_15 = tpu.memref_slice %arg3[%mul3A_2] : memref<2048xi32, #tpu.memory_space<hbm>> -> memref<128xi32, #tpu.memory_space<hbm>>
        %dma_wait3A_16 = tpu.memref_slice %arg3[%mul3A_2] : memref<2048xi32, #tpu.memory_space<hbm>> -> memref<128xi32, #tpu.memory_space<hbm>>
        tpu.wait_dma2 semaphore(%run_scoped3A : memref<!tpu.dma_semaphore, #tpu.memory_space<semaphore_mem>>) src(%dma_wait3A_16 : memref<128xi32, #tpu.memory_space<hbm>>) dst(%arg6 : memref<128xi32, #tpu.memory_space<vmem>>)
        tpu.yield
      }) : () -> ()
    } else {
    }
    %ge3A = arith.constant 2048 : i32
    %ge3A_5 = arith.cmpi sge, %mul3A_2, %ge3A : i32
    %convert_element_type3A_6 = arith.extui %ge3A_5 : i1 to i32
    %cond3A_7 = arith.constant 0 : i32
    %cond3A_8 = arith.cmpi ne, %convert_element_type3A_6, %cond3A_7 : i32
    scf.if %cond3A_8 {
      %sub3A = arith.constant 2048 : i32
      %sub3A_13 = arith.subi %mul3A_2, %sub3A : i32
      "tpu.region"() ({
        %run_scoped3A = tpu.sem_alloc : memref<!tpu.dma_semaphore, #tpu.memory_space<semaphore_mem>>
        %dma_start3A_14 = tpu.memref_slice %arg4[%sub3A_13] : memref<2048xi32, #tpu.memory_space<hbm>> -> memref<128xi32, #tpu.memory_space<hbm>>
        %dma_start3A_15 = tpu.memref_slice %arg4[%sub3A_13] : memref<2048xi32, #tpu.memory_space<hbm>> -> memref<128xi32, #tpu.memory_space<hbm>>
        tpu.enqueue_dma source(%dma_start3A_15 : memref<128xi32, #tpu.memory_space<hbm>>) target(%arg6 : memref<128xi32, #tpu.memory_space<vmem>>) target_semaphore(%run_scoped3A : memref<!tpu.dma_semaphore, #tpu.memory_space<semaphore_mem>>)
        %dma_wait3A_16 = tpu.memref_slice %arg4[%sub3A_13] : memref<2048xi32, #tpu.memory_space<hbm>> -> memref<128xi32, #tpu.memory_space<hbm>>
        %dma_wait3A_17 = tpu.memref_slice %arg4[%sub3A_13] : memref<2048xi32, #tpu.memory_space<hbm>> -> memref<128xi32, #tpu.memory_space<hbm>>
        tpu.wait_dma2 semaphore(%run_scoped3A : memref<!tpu.dma_semaphore, #tpu.memory_space<semaphore_mem>>) src(%dma_wait3A_17 : memref<128xi32, #tpu.memory_space<hbm>>) dst(%arg6 : memref<128xi32, #tpu.memory_space<vmem>>)
        tpu.yield
      }) : () -> ()
    } else {
    }
    %dma_start3A = arith.constant 0 : i32
    %dma_start3A_9 = arith.constant 0 : i32
    %dma_start3A_10 = tpu.memref_slice %arg2[%dma_start3A, %dma_start3A_9] : memref<10000x128xf32, #tpu.memory_space<hbm>> -> memref<10000x128xf32, #tpu.memory_space<hbm>>
    tpu.enqueue_indirect_dma source(%dma_start3A_10 : memref<10000x128xf32, #tpu.memory_space<hbm>>) target(%arg7 : memref<128x128xf32, #tpu.memory_space<vmem>>) offsets(%arg6 : memref<128xi32, #tpu.memory_space<vmem>>) semaphore(%arg8 : memref<!tpu.dma_semaphore, #tpu.memory_space<semaphore_mem>>)
    %dma_wait3A = arith.constant 0 : i32
    %dma_wait3A_11 = arith.constant 0 : i32
    %dma_wait3A_12 = tpu.memref_slice %arg2[%dma_wait3A, %dma_wait3A_11] : memref<10000x128xf32, #tpu.memory_space<hbm>> -> memref<10000x128xf32, #tpu.memory_space<hbm>>
    tpu.wait_indirect_dma semaphore(%arg8 : memref<!tpu.dma_semaphore, #tpu.memory_space<semaphore_mem>>) src(%dma_wait3A_12 : memref<10000x128xf32, #tpu.memory_space<hbm>>) dst(%arg7 : memref<128x128xf32, #tpu.memory_space<vmem>>)
    "tpu.region"() ({
      %run_scoped3A = tpu.sem_alloc : memref<!tpu.dma_semaphore, #tpu.memory_space<semaphore_mem>>
      %dma_start3A_13 = arith.constant 0 : i32
      %dma_start3A_14 = tpu.memref_slice %arg5[%mul3A_2, %dma_start3A_13] : memref<4096x128xf32, #tpu.memory_space<hbm>> -> memref<128x128xf32, #tpu.memory_space<hbm>>
      %dma_start3A_15 = arith.constant 0 : i32
      %dma_start3A_16 = tpu.memref_slice %arg5[%mul3A_2, %dma_start3A_15] : memref<4096x128xf32, #tpu.memory_space<hbm>> -> memref<128x128xf32, #tpu.memory_space<hbm>>
      tpu.enqueue_dma source(%arg7 : memref<128x128xf32, #tpu.memory_space<vmem>>) target(%dma_start3A_16 : memref<128x128xf32, #tpu.memory_space<hbm>>) target_semaphore(%run_scoped3A : memref<!tpu.dma_semaphore, #tpu.memory_space<semaphore_mem>>)
      %dma_wait3A_17 = arith.constant 0 : i32
      %dma_wait3A_18 = tpu.memref_slice %arg5[%mul3A_2, %dma_wait3A_17] : memref<4096x128xf32, #tpu.memory_space<hbm>> -> memref<128x128xf32, #tpu.memory_space<hbm>>
      %dma_wait3A_19 = arith.constant 0 : i32
      %dma_wait3A_20 = tpu.memref_slice %arg5[%mul3A_2, %dma_wait3A_19] : memref<4096x128xf32, #tpu.memory_space<hbm>> -> memref<128x128xf32, #tpu.memory_space<hbm>>
      tpu.wait_dma2 semaphore(%run_scoped3A : memref<!tpu.dma_semaphore, #tpu.memory_space<semaphore_mem>>) src(%arg7 : memref<128x128xf32, #tpu.memory_space<vmem>>) dst(%dma_wait3A_20 : memref<128x128xf32, #tpu.memory_space<hbm>>)
      tpu.yield
    }) : () -> ()
    return
  }
}

#map = affine_map<(d0, d1) -> (0, 0)>
#map1 = affine_map<(d0, d1) -> (0)>
module attributes {stable_mosaic.version = 14 : i64} {
  func.func @_sc_scatter(%arg0: i32, %arg1: i32, %arg2: memref<2048x128xf32, #tpu.memory_space<hbm>>, %arg3: memref<2048xi32, #tpu.memory_space<hbm>>, %arg4: memref<10000x128xf32, #tpu.memory_space<hbm>>, %arg5: memref<128xi32, #tpu.memory_space<vmem>>, %arg6: memref<128xi32, #tpu.memory_space<vmem>>, %arg7: memref<128x128xf32, #tpu.memory_space<vmem>>, %arg8: memref<64x128xf32, #tpu.memory_space<vmem>>, %arg9: memref<5008x128xf32, #tpu.memory_space<vmem_shared>>, %arg10: memref<!tpu.dma_semaphore, #tpu.memory_space<semaphore_mem>>, %arg11: memref<!tpu.dma_semaphore, #tpu.memory_space<semaphore_mem>>, %arg12: memref<!tpu.dma_semaphore, #tpu.memory_space<semaphore_mem>>) attributes {dimension_semantics = [#tpu.dimension_semantics<core_parallel>, #tpu.dimension_semantics<subcore_parallel>], iteration_bounds = array<i64: 2, 16>, scalar_prefetch = 0 : i64, scratch_operands = 8 : i64, tpu.core_type = #tpu.core_type<sc_vector_subcore>, window_params = [{transform_indices = #map}, {transform_indices = #map1}, {transform_indices = #map}]} {
    %mul3A = arith.constant 128 : i32
    %mul3A_0 = arith.muli %arg1, %mul3A : i32
    %dma_start3A = tpu.memref_slice %arg3[%mul3A_0] : memref<2048xi32, #tpu.memory_space<hbm>> -> memref<128xi32, #tpu.memory_space<hbm>>
    %dma_start3A_1 = tpu.memref_slice %arg3[%mul3A_0] : memref<2048xi32, #tpu.memory_space<hbm>> -> memref<128xi32, #tpu.memory_space<hbm>>
    tpu.enqueue_dma source(%dma_start3A_1 : memref<128xi32, #tpu.memory_space<hbm>>) target(%arg5 : memref<128xi32, #tpu.memory_space<vmem>>) target_semaphore(%arg10 : memref<!tpu.dma_semaphore, #tpu.memory_space<semaphore_mem>>)
    %dma_start3A_2 = arith.constant 0 : i32
    %dma_start3A_3 = tpu.memref_slice %arg2[%mul3A_0, %dma_start3A_2] : memref<2048x128xf32, #tpu.memory_space<hbm>> -> memref<128x128xf32, #tpu.memory_space<hbm>>
    %dma_start3A_4 = arith.constant 0 : i32
    %dma_start3A_5 = tpu.memref_slice %arg2[%mul3A_0, %dma_start3A_4] : memref<2048x128xf32, #tpu.memory_space<hbm>> -> memref<128x128xf32, #tpu.memory_space<hbm>>
    tpu.enqueue_dma source(%dma_start3A_5 : memref<128x128xf32, #tpu.memory_space<hbm>>) target(%arg7 : memref<128x128xf32, #tpu.memory_space<vmem>>) target_semaphore(%arg11 : memref<!tpu.dma_semaphore, #tpu.memory_space<semaphore_mem>>)
    %scan3A = arith.constant 0 : i32
    %scan3A_6 = arith.constant 0 : i32
    %scan3A_7 = arith.constant 64 : i32
    %scan3A_8 = arith.addi %scan3A_6, %scan3A_7 : i32
    %scan3A_9 = arith.constant 1 : i32
    scf.for %scan3A_242 = %scan3A_6 to %scan3A_8 step %scan3A_9  : i32 {
      %broadcast_in_dim3A_243 = arith.constant 0.000000e+00 : f32
      %broadcast_in_dim3A_244 = vector.broadcast %broadcast_in_dim3A_243 : f32 to vector<16xf32>
      %swap3A_245 = arith.index_cast %scan3A_242 : i32 to index
      %swap3A_246 = arith.constant 0 : index
      %swap3A_247 = tpu.vector_load %arg8[%swap3A_245, %swap3A_246] {strides = array<i32>} : memref<64x128xf32, #tpu.memory_space<vmem>>, vector<1x16xf32>,
      %swap3A_248 = vector.shape_cast %swap3A_247 : vector<1x16xf32> to vector<16xf32>
      %swap3A_249 = vector.shape_cast %broadcast_in_dim3A_244 : vector<16xf32> to vector<1x16xf32>
      tpu.vector_store %arg8[%swap3A_245, %swap3A_246], %swap3A_249 {strides = array<i32>} : memref<64x128xf32, #tpu.memory_space<vmem>>, vector<1x16xf32>,
      %broadcast_in_dim3A_250 = arith.constant 0.000000e+00 : f32
      %broadcast_in_dim3A_251 = vector.broadcast %broadcast_in_dim3A_250 : f32 to vector<16xf32>
      %swap3A_252 = arith.index_cast %scan3A_242 : i32 to index
      %swap3A_253 = arith.constant 16 : index
      %swap3A_254 = tpu.vector_load %arg8[%swap3A_252, %swap3A_253] {strides = array<i32>} : memref<64x128xf32, #tpu.memory_space<vmem>>, vector<1x16xf32>,
      %swap3A_255 = vector.shape_cast %swap3A_254 : vector<1x16xf32> to vector<16xf32>
      %swap3A_256 = vector.shape_cast %broadcast_in_dim3A_251 : vector<16xf32> to vector<1x16xf32>
      tpu.vector_store %arg8[%swap3A_252, %swap3A_253], %swap3A_256 {strides = array<i32>} : memref<64x128xf32, #tpu.memory_space<vmem>>, vector<1x16xf32>,
      %broadcast_in_dim3A_257 = arith.constant 0.000000e+00 : f32
      %broadcast_in_dim3A_258 = vector.broadcast %broadcast_in_dim3A_257 : f32 to vector<16xf32>
      %swap3A_259 = arith.index_cast %scan3A_242 : i32 to index
      %swap3A_260 = arith.constant 32 : index
      %swap3A_261 = tpu.vector_load %arg8[%swap3A_259, %swap3A_260] {strides = array<i32>} : memref<64x128xf32, #tpu.memory_space<vmem>>, vector<1x16xf32>,
      %swap3A_262 = vector.shape_cast %swap3A_261 : vector<1x16xf32> to vector<16xf32>
      %swap3A_263 = vector.shape_cast %broadcast_in_dim3A_258 : vector<16xf32> to vector<1x16xf32>
      tpu.vector_store %arg8[%swap3A_259, %swap3A_260], %swap3A_263 {strides = array<i32>} : memref<64x128xf32, #tpu.memory_space<vmem>>, vector<1x16xf32>,
      %broadcast_in_dim3A_264 = arith.constant 0.000000e+00 : f32
      %broadcast_in_dim3A_265 = vector.broadcast %broadcast_in_dim3A_264 : f32 to vector<16xf32>
      %swap3A_266 = arith.index_cast %scan3A_242 : i32 to index
      %swap3A_267 = arith.constant 48 : index
      %swap3A_268 = tpu.vector_load %arg8[%swap3A_266, %swap3A_267] {strides = array<i32>} : memref<64x128xf32, #tpu.memory_space<vmem>>, vector<1x16xf32>,
      %swap3A_269 = vector.shape_cast %swap3A_268 : vector<1x16xf32> to vector<16xf32>
      %swap3A_270 = vector.shape_cast %broadcast_in_dim3A_265 : vector<16xf32> to vector<1x16xf32>
      tpu.vector_store %arg8[%swap3A_266, %swap3A_267], %swap3A_270 {strides = array<i32>} : memref<64x128xf32, #tpu.memory_space<vmem>>, vector<1x16xf32>,
      %broadcast_in_dim3A_271 = arith.constant 0.000000e+00 : f32
      %broadcast_in_dim3A_272 = vector.broadcast %broadcast_in_dim3A_271 : f32 to vector<16xf32>
      %swap3A_273 = arith.index_cast %scan3A_242 : i32 to index
      %swap3A_274 = arith.constant 64 : index
      %swap3A_275 = tpu.vector_load %arg8[%swap3A_273, %swap3A_274] {strides = array<i32>} : memref<64x128xf32, #tpu.memory_space<vmem>>, vector<1x16xf32>,
      %swap3A_276 = vector.shape_cast %swap3A_275 : vector<1x16xf32> to vector<16xf32>
      %swap3A_277 = vector.shape_cast %broadcast_in_dim3A_272 : vector<16xf32> to vector<1x16xf32>
      tpu.vector_store %arg8[%swap3A_273, %swap3A_274], %swap3A_277 {strides = array<i32>} : memref<64x128xf32, #tpu.memory_space<vmem>>, vector<1x16xf32>,
      %broadcast_in_dim3A_278 = arith.constant 0.000000e+00 : f32
      %broadcast_in_dim3A_279 = vector.broadcast %broadcast_in_dim3A_278 : f32 to vector<16xf32>
      %swap3A_280 = arith.index_cast %scan3A_242 : i32 to index
      %swap3A_281 = arith.constant 80 : index
      %swap3A_282 = tpu.vector_load %arg8[%swap3A_280, %swap3A_281] {strides = array<i32>} : memref<64x128xf32, #tpu.memory_space<vmem>>, vector<1x16xf32>,
      %swap3A_283 = vector.shape_cast %swap3A_282 : vector<1x16xf32> to vector<16xf32>
      %swap3A_284 = vector.shape_cast %broadcast_in_dim3A_279 : vector<16xf32> to vector<1x16xf32>
      tpu.vector_store %arg8[%swap3A_280, %swap3A_281], %swap3A_284 {strides = array<i32>} : memref<64x128xf32, #tpu.memory_space<vmem>>, vector<1x16xf32>,
      %broadcast_in_dim3A_285 = arith.constant 0.000000e+00 : f32
      %broadcast_in_dim3A_286 = vector.broadcast %broadcast_in_dim3A_285 : f32 to vector<16xf32>
      %swap3A_287 = arith.index_cast %scan3A_242 : i32 to index
      %swap3A_288 = arith.constant 96 : index
      %swap3A_289 = tpu.vector_load %arg8[%swap3A_287, %swap3A_288] {strides = array<i32>} : memref<64x128xf32, #tpu.memory_space<vmem>>, vector<1x16xf32>,
      %swap3A_290 = vector.shape_cast %swap3A_289 : vector<1x16xf32> to vector<16xf32>
      %swap3A_291 = vector.shape_cast %broadcast_in_dim3A_286 : vector<16xf32> to vector<1x16xf32>
      tpu.vector_store %arg8[%swap3A_287, %swap3A_288], %swap3A_291 {strides = array<i32>} : memref<64x128xf32, #tpu.memory_space<vmem>>, vector<1x16xf32>,
      %broadcast_in_dim3A_292 = arith.constant 0.000000e+00 : f32
      %broadcast_in_dim3A_293 = vector.broadcast %broadcast_in_dim3A_292 : f32 to vector<16xf32>
      %swap3A_294 = arith.index_cast %scan3A_242 : i32 to index
      %swap3A_295 = arith.constant 112 : index
      %swap3A_296 = tpu.vector_load %arg8[%swap3A_294, %swap3A_295] {strides = array<i32>} : memref<64x128xf32, #tpu.memory_space<vmem>>, vector<1x16xf32>,
      %swap3A_297 = vector.shape_cast %swap3A_296 : vector<1x16xf32> to vector<16xf32>
      %swap3A_298 = vector.shape_cast %broadcast_in_dim3A_293 : vector<16xf32> to vector<1x16xf32>
      tpu.vector_store %arg8[%swap3A_294, %swap3A_295], %swap3A_298 {strides = array<i32>} : memref<64x128xf32, #tpu.memory_space<vmem>>, vector<1x16xf32>,
    }
    %scan3A_10 = arith.constant 64 : i32
    %mul3A_11 = arith.constant 313 : i32
    %mul3A_12 = arith.muli %arg1, %mul3A_11 : i32
    %add3A = arith.constant 0 : i32
    %add3A_13 = arith.addi %mul3A_12, %add3A : i32
    %dma_start3A_14 = arith.constant 0 : i32
    %dma_start3A_15 = tpu.memref_slice %arg9[%add3A_13, %dma_start3A_14] : memref<5008x128xf32, #tpu.memory_space<vmem_shared>> -> memref<64x128xf32, #tpu.memory_space<vmem_shared>>
    %dma_start3A_16 = arith.constant 0 : i32
    %dma_start3A_17 = tpu.memref_slice %arg9[%add3A_13, %dma_start3A_16] : memref<5008x128xf32, #tpu.memory_space<vmem_shared>> -> memref<64x128xf32, #tpu.memory_space<vmem_shared>>
    tpu.enqueue_dma source(%arg8 : memref<64x128xf32, #tpu.memory_space<vmem>>) target(%dma_start3A_17 : memref<64x128xf32, #tpu.memory_space<vmem_shared>>) target_semaphore(%arg12 : memref<!tpu.dma_semaphore, #tpu.memory_space<semaphore_mem>>)
    %mul3A_18 = arith.constant 313 : i32
    %mul3A_19 = arith.muli %arg1, %mul3A_18 : i32
    %add3A_20 = arith.constant 64 : i32
    %add3A_21 = arith.addi %mul3A_19, %add3A_20 : i32
    %dma_start3A_22 = arith.constant 0 : i32
    %dma_start3A_23 = tpu.memref_slice %arg9[%add3A_21, %dma_start3A_22] : memref<5008x128xf32, #tpu.memory_space<vmem_shared>> -> memref<64x128xf32, #tpu.memory_space<vmem_shared>>
    %dma_start3A_24 = arith.constant 0 : i32
    %dma_start3A_25 = tpu.memref_slice %arg9[%add3A_21, %dma_start3A_24] : memref<5008x128xf32, #tpu.memory_space<vmem_shared>> -> memref<64x128xf32, #tpu.memory_space<vmem_shared>>
    tpu.enqueue_dma source(%arg8 : memref<64x128xf32, #tpu.memory_space<vmem>>) target(%dma_start3A_25 : memref<64x128xf32, #tpu.memory_space<vmem_shared>>) target_semaphore(%arg12 : memref<!tpu.dma_semaphore, #tpu.memory_space<semaphore_mem>>)
    %mul3A_26 = arith.constant 313 : i32
    %mul3A_27 = arith.muli %arg1, %mul3A_26 : i32
    %add3A_28 = arith.constant 128 : i32
    %add3A_29 = arith.addi %mul3A_27, %add3A_28 : i32
    %dma_start3A_30 = arith.constant 0 : i32
    %dma_start3A_31 = tpu.memref_slice %arg9[%add3A_29, %dma_start3A_30] : memref<5008x128xf32, #tpu.memory_space<vmem_shared>> -> memref<64x128xf32, #tpu.memory_space<vmem_shared>>
    %dma_start3A_32 = arith.constant 0 : i32
    %dma_start3A_33 = tpu.memref_slice %arg9[%add3A_29, %dma_start3A_32] : memref<5008x128xf32, #tpu.memory_space<vmem_shared>> -> memref<64x128xf32, #tpu.memory_space<vmem_shared>>
    tpu.enqueue_dma source(%arg8 : memref<64x128xf32, #tpu.memory_space<vmem>>) target(%dma_start3A_33 : memref<64x128xf32, #tpu.memory_space<vmem_shared>>) target_semaphore(%arg12 : memref<!tpu.dma_semaphore, #tpu.memory_space<semaphore_mem>>)
    %mul3A_34 = arith.constant 313 : i32
    %mul3A_35 = arith.muli %arg1, %mul3A_34 : i32
    %add3A_36 = arith.constant 192 : i32
    %add3A_37 = arith.addi %mul3A_35, %add3A_36 : i32
    %dma_start3A_38 = arith.constant 0 : i32
    %dma_start3A_39 = tpu.memref_slice %arg9[%add3A_37, %dma_start3A_38] : memref<5008x128xf32, #tpu.memory_space<vmem_shared>> -> memref<64x128xf32, #tpu.memory_space<vmem_shared>>
    %dma_start3A_40 = arith.constant 0 : i32
    %dma_start3A_41 = tpu.memref_slice %arg9[%add3A_37, %dma_start3A_40] : memref<5008x128xf32, #tpu.memory_space<vmem_shared>> -> memref<64x128xf32, #tpu.memory_space<vmem_shared>>
    tpu.enqueue_dma source(%arg8 : memref<64x128xf32, #tpu.memory_space<vmem>>) target(%dma_start3A_41 : memref<64x128xf32, #tpu.memory_space<vmem_shared>>) target_semaphore(%arg12 : memref<!tpu.dma_semaphore, #tpu.memory_space<semaphore_mem>>)
    %mul3A_42 = arith.constant 313 : i32
    %mul3A_43 = arith.muli %arg1, %mul3A_42 : i32
    %add3A_44 = arith.constant 313 : i32
    %add3A_45 = arith.addi %mul3A_43, %add3A_44 : i32
    %sub3A = arith.constant 57 : i32
    %sub3A_46 = arith.subi %add3A_45, %sub3A : i32
    %dma_start3A_47 = arith.constant 0 : i32
    %dma_start3A_48 = arith.constant 0 : i32
    %dma_start3A_49 = tpu.memref_slice %arg8[%dma_start3A_47, %dma_start3A_48] : memref<64x128xf32, #tpu.memory_space<vmem>> -> memref<57x128xf32, #tpu.memory_space<vmem>>
    %dma_start3A_50 = arith.constant 0 : i32
    %dma_start3A_51 = tpu.memref_slice %arg9[%sub3A_46, %dma_start3A_50] : memref<5008x128xf32, #tpu.memory_space<vmem_shared>> -> memref<57x128xf32, #tpu.memory_space<vmem_shared>>
    %dma_start3A_52 = arith.constant 0 : i32
    %dma_start3A_53 = tpu.memref_slice %arg9[%sub3A_46, %dma_start3A_52] : memref<5008x128xf32, #tpu.memory_space<vmem_shared>> -> memref<57x128xf32, #tpu.memory_space<vmem_shared>>
    %dma_start3A_54 = arith.constant 0 : i32
    %dma_start3A_55 = arith.constant 0 : i32
    %dma_start3A_56 = tpu.memref_slice %arg8[%dma_start3A_54, %dma_start3A_55] : memref<64x128xf32, #tpu.memory_space<vmem>> -> memref<57x128xf32, #tpu.memory_space<vmem>>
    tpu.enqueue_dma source(%dma_start3A_56 : memref<57x128xf32, #tpu.memory_space<vmem>>) target(%dma_start3A_53 : memref<57x128xf32, #tpu.memory_space<vmem_shared>>) target_semaphore(%arg12 : memref<!tpu.dma_semaphore, #tpu.memory_space<semaphore_mem>>)
    %dma_wait3A = tpu.memref_slice %arg3[%mul3A_0] : memref<2048xi32, #tpu.memory_space<hbm>> -> memref<128xi32, #tpu.memory_space<hbm>>
    %dma_wait3A_57 = tpu.memref_slice %arg3[%mul3A_0] : memref<2048xi32, #tpu.memory_space<hbm>> -> memref<128xi32, #tpu.memory_space<hbm>>
    tpu.wait_dma2 semaphore(%arg10 : memref<!tpu.dma_semaphore, #tpu.memory_space<semaphore_mem>>) src(%dma_wait3A_57 : memref<128xi32, #tpu.memory_space<hbm>>) dst(%arg5 : memref<128xi32, #tpu.memory_space<vmem>>)
    %mul3A_58 = arith.constant 5000 : i32
    %mul3A_59 = arith.muli %arg0, %mul3A_58 : i32
    %get3A = arith.constant 0 : index
    %get3A_60 = tpu.vector_load %arg5[%get3A] {strides = array<i32>} : memref<128xi32, #tpu.memory_space<vmem>>, vector<16xi32>,
    %get3A_61 = vector.shape_cast %get3A_60 : vector<16xi32> to vector<16xi32>
    %sub3A_62 = vector.broadcast %mul3A_59 : i32 to vector<16xi32>
    %sub3A_63 = arith.subi %get3A_61, %sub3A_62 : vector<16xi32>
    %ge3A = arith.constant 0 : i32
    %ge3A_64 = vector.broadcast %ge3A : i32 to vector<16xi32>
    %ge3A_65 = arith.cmpi sge, %sub3A_63, %ge3A_64 : vector<16xi32>
    %lt3A = arith.constant 5000 : i32
    %lt3A_66 = vector.broadcast %lt3A : i32 to vector<16xi32>
    %lt3A_67 = arith.cmpi slt, %sub3A_63, %lt3A_66 : vector<16xi32>
    %and3A = arith.andi %ge3A_65, %lt3A_67 : vector<16xi1>
    %jit3A = arith.constant 5000 : i32
    %broadcast_in_dim3A = vector.broadcast %jit3A : i32 to vector<16xi32>
    %select_n3A = arith.select %and3A, %sub3A_63, %broadcast_in_dim3A : vector<16xi1>, vector<16xi32>
    %swap3A = arith.constant 0 : index
    %swap3A_68 = tpu.vector_load %arg6[%swap3A] {strides = array<i32>} : memref<128xi32, #tpu.memory_space<vmem>>, vector<16xi32>,
    %swap3A_69 = vector.shape_cast %swap3A_68 : vector<16xi32> to vector<16xi32>
    %swap3A_70 = vector.shape_cast %select_n3A : vector<16xi32> to vector<16xi32>
    tpu.vector_store %arg6[%swap3A], %swap3A_70 {strides = array<i32>} : memref<128xi32, #tpu.memory_space<vmem>>, vector<16xi32>,
    %get3A_71 = arith.constant 16 : index
    %get3A_72 = tpu.vector_load %arg5[%get3A_71] {strides = array<i32>} : memref<128xi32, #tpu.memory_space<vmem>>, vector<16xi32>,
    %get3A_73 = vector.shape_cast %get3A_72 : vector<16xi32> to vector<16xi32>
    %sub3A_74 = vector.broadcast %mul3A_59 : i32 to vector<16xi32>
    %sub3A_75 = arith.subi %get3A_73, %sub3A_74 : vector<16xi32>
    %ge3A_76 = arith.constant 0 : i32
    %ge3A_77 = vector.broadcast %ge3A_76 : i32 to vector<16xi32>
    %ge3A_78 = arith.cmpi sge, %sub3A_75, %ge3A_77 : vector<16xi32>
    %lt3A_79 = arith.constant 5000 : i32
    %lt3A_80 = vector.broadcast %lt3A_79 : i32 to vector<16xi32>
    %lt3A_81 = arith.cmpi slt, %sub3A_75, %lt3A_80 : vector<16xi32>
    %and3A_82 = arith.andi %ge3A_78, %lt3A_81 : vector<16xi1>
    %jit3A_83 = arith.constant 5000 : i32
    %broadcast_in_dim3A_84 = vector.broadcast %jit3A_83 : i32 to vector<16xi32>
    %select_n3A_85 = arith.select %and3A_82, %sub3A_75, %broadcast_in_dim3A_84 : vector<16xi1>, vector<16xi32>
    %swap3A_86 = arith.constant 16 : index
    %swap3A_87 = tpu.vector_load %arg6[%swap3A_86] {strides = array<i32>} : memref<128xi32, #tpu.memory_space<vmem>>, vector<16xi32>,
    %swap3A_88 = vector.shape_cast %swap3A_87 : vector<16xi32> to vector<16xi32>
    %swap3A_89 = vector.shape_cast %select_n3A_85 : vector<16xi32> to vector<16xi32>
    tpu.vector_store %arg6[%swap3A_86], %swap3A_89 {strides = array<i32>} : memref<128xi32, #tpu.memory_space<vmem>>, vector<16xi32>,
    %get3A_90 = arith.constant 32 : index
    %get3A_91 = tpu.vector_load %arg5[%get3A_90] {strides = array<i32>} : memref<128xi32, #tpu.memory_space<vmem>>, vector<16xi32>,
    %get3A_92 = vector.shape_cast %get3A_91 : vector<16xi32> to vector<16xi32>
    %sub3A_93 = vector.broadcast %mul3A_59 : i32 to vector<16xi32>
    %sub3A_94 = arith.subi %get3A_92, %sub3A_93 : vector<16xi32>
    %ge3A_95 = arith.constant 0 : i32
    %ge3A_96 = vector.broadcast %ge3A_95 : i32 to vector<16xi32>
    %ge3A_97 = arith.cmpi sge, %sub3A_94, %ge3A_96 : vector<16xi32>
    %lt3A_98 = arith.constant 5000 : i32
    %lt3A_99 = vector.broadcast %lt3A_98 : i32 to vector<16xi32>
    %lt3A_100 = arith.cmpi slt, %sub3A_94, %lt3A_99 : vector<16xi32>
    %and3A_101 = arith.andi %ge3A_97, %lt3A_100 : vector<16xi1>
    %jit3A_102 = arith.constant 5000 : i32
    %broadcast_in_dim3A_103 = vector.broadcast %jit3A_102 : i32 to vector<16xi32>
    %select_n3A_104 = arith.select %and3A_101, %sub3A_94, %broadcast_in_dim3A_103 : vector<16xi1>, vector<16xi32>
    %swap3A_105 = arith.constant 32 : index
    %swap3A_106 = tpu.vector_load %arg6[%swap3A_105] {strides = array<i32>} : memref<128xi32, #tpu.memory_space<vmem>>, vector<16xi32>,
    %swap3A_107 = vector.shape_cast %swap3A_106 : vector<16xi32> to vector<16xi32>
    %swap3A_108 = vector.shape_cast %select_n3A_104 : vector<16xi32> to vector<16xi32>
    tpu.vector_store %arg6[%swap3A_105], %swap3A_108 {strides = array<i32>} : memref<128xi32, #tpu.memory_space<vmem>>, vector<16xi32>,
    %get3A_109 = arith.constant 48 : index
    %get3A_110 = tpu.vector_load %arg5[%get3A_109] {strides = array<i32>} : memref<128xi32, #tpu.memory_space<vmem>>, vector<16xi32>,
    %get3A_111 = vector.shape_cast %get3A_110 : vector<16xi32> to vector<16xi32>
    %sub3A_112 = vector.broadcast %mul3A_59 : i32 to vector<16xi32>
    %sub3A_113 = arith.subi %get3A_111, %sub3A_112 : vector<16xi32>
    %ge3A_114 = arith.constant 0 : i32
    %ge3A_115 = vector.broadcast %ge3A_114 : i32 to vector<16xi32>
    %ge3A_116 = arith.cmpi sge, %sub3A_113, %ge3A_115 : vector<16xi32>
    %lt3A_117 = arith.constant 5000 : i32
    %lt3A_118 = vector.broadcast %lt3A_117 : i32 to vector<16xi32>
    %lt3A_119 = arith.cmpi slt, %sub3A_113, %lt3A_118 : vector<16xi32>
    %and3A_120 = arith.andi %ge3A_116, %lt3A_119 : vector<16xi1>
    %jit3A_121 = arith.constant 5000 : i32
    %broadcast_in_dim3A_122 = vector.broadcast %jit3A_121 : i32 to vector<16xi32>
    %select_n3A_123 = arith.select %and3A_120, %sub3A_113, %broadcast_in_dim3A_122 : vector<16xi1>, vector<16xi32>
    %swap3A_124 = arith.constant 48 : index
    %swap3A_125 = tpu.vector_load %arg6[%swap3A_124] {strides = array<i32>} : memref<128xi32, #tpu.memory_space<vmem>>, vector<16xi32>,
    %swap3A_126 = vector.shape_cast %swap3A_125 : vector<16xi32> to vector<16xi32>
    %swap3A_127 = vector.shape_cast %select_n3A_123 : vector<16xi32> to vector<16xi32>
    tpu.vector_store %arg6[%swap3A_124], %swap3A_127 {strides = array<i32>} : memref<128xi32, #tpu.memory_space<vmem>>, vector<16xi32>,
    %get3A_128 = arith.constant 64 : index
    %get3A_129 = tpu.vector_load %arg5[%get3A_128] {strides = array<i32>} : memref<128xi32, #tpu.memory_space<vmem>>, vector<16xi32>,
    %get3A_130 = vector.shape_cast %get3A_129 : vector<16xi32> to vector<16xi32>
    %sub3A_131 = vector.broadcast %mul3A_59 : i32 to vector<16xi32>
    %sub3A_132 = arith.subi %get3A_130, %sub3A_131 : vector<16xi32>
    %ge3A_133 = arith.constant 0 : i32
    %ge3A_134 = vector.broadcast %ge3A_133 : i32 to vector<16xi32>
    %ge3A_135 = arith.cmpi sge, %sub3A_132, %ge3A_134 : vector<16xi32>
    %lt3A_136 = arith.constant 5000 : i32
    %lt3A_137 = vector.broadcast %lt3A_136 : i32 to vector<16xi32>
    %lt3A_138 = arith.cmpi slt, %sub3A_132, %lt3A_137 : vector<16xi32>
    %and3A_139 = arith.andi %ge3A_135, %lt3A_138 : vector<16xi1>
    %jit3A_140 = arith.constant 5000 : i32
    %broadcast_in_dim3A_141 = vector.broadcast %jit3A_140 : i32 to vector<16xi32>
    %select_n3A_142 = arith.select %and3A_139, %sub3A_132, %broadcast_in_dim3A_141 : vector<16xi1>, vector<16xi32>
    %swap3A_143 = arith.constant 64 : index
    %swap3A_144 = tpu.vector_load %arg6[%swap3A_143] {strides = array<i32>} : memref<128xi32, #tpu.memory_space<vmem>>, vector<16xi32>,
    %swap3A_145 = vector.shape_cast %swap3A_144 : vector<16xi32> to vector<16xi32>
    %swap3A_146 = vector.shape_cast %select_n3A_142 : vector<16xi32> to vector<16xi32>
    tpu.vector_store %arg6[%swap3A_143], %swap3A_146 {strides = array<i32>} : memref<128xi32, #tpu.memory_space<vmem>>, vector<16xi32>,
    %get3A_147 = arith.constant 80 : index
    %get3A_148 = tpu.vector_load %arg5[%get3A_147] {strides = array<i32>} : memref<128xi32, #tpu.memory_space<vmem>>, vector<16xi32>,
    %get3A_149 = vector.shape_cast %get3A_148 : vector<16xi32> to vector<16xi32>
    %sub3A_150 = vector.broadcast %mul3A_59 : i32 to vector<16xi32>
    %sub3A_151 = arith.subi %get3A_149, %sub3A_150 : vector<16xi32>
    %ge3A_152 = arith.constant 0 : i32
    %ge3A_153 = vector.broadcast %ge3A_152 : i32 to vector<16xi32>
    %ge3A_154 = arith.cmpi sge, %sub3A_151, %ge3A_153 : vector<16xi32>
    %lt3A_155 = arith.constant 5000 : i32
    %lt3A_156 = vector.broadcast %lt3A_155 : i32 to vector<16xi32>
    %lt3A_157 = arith.cmpi slt, %sub3A_151, %lt3A_156 : vector<16xi32>
    %and3A_158 = arith.andi %ge3A_154, %lt3A_157 : vector<16xi1>
    %jit3A_159 = arith.constant 5000 : i32
    %broadcast_in_dim3A_160 = vector.broadcast %jit3A_159 : i32 to vector<16xi32>
    %select_n3A_161 = arith.select %and3A_158, %sub3A_151, %broadcast_in_dim3A_160 : vector<16xi1>, vector<16xi32>
    %swap3A_162 = arith.constant 80 : index
    %swap3A_163 = tpu.vector_load %arg6[%swap3A_162] {strides = array<i32>} : memref<128xi32, #tpu.memory_space<vmem>>, vector<16xi32>,
    %swap3A_164 = vector.shape_cast %swap3A_163 : vector<16xi32> to vector<16xi32>
    %swap3A_165 = vector.shape_cast %select_n3A_161 : vector<16xi32> to vector<16xi32>
    tpu.vector_store %arg6[%swap3A_162], %swap3A_165 {strides = array<i32>} : memref<128xi32, #tpu.memory_space<vmem>>, vector<16xi32>,
    %get3A_166 = arith.constant 96 : index
    %get3A_167 = tpu.vector_load %arg5[%get3A_166] {strides = array<i32>} : memref<128xi32, #tpu.memory_space<vmem>>, vector<16xi32>,
    %get3A_168 = vector.shape_cast %get3A_167 : vector<16xi32> to vector<16xi32>
    %sub3A_169 = vector.broadcast %mul3A_59 : i32 to vector<16xi32>
    %sub3A_170 = arith.subi %get3A_168, %sub3A_169 : vector<16xi32>
    %ge3A_171 = arith.constant 0 : i32
    %ge3A_172 = vector.broadcast %ge3A_171 : i32 to vector<16xi32>
    %ge3A_173 = arith.cmpi sge, %sub3A_170, %ge3A_172 : vector<16xi32>
    %lt3A_174 = arith.constant 5000 : i32
    %lt3A_175 = vector.broadcast %lt3A_174 : i32 to vector<16xi32>
    %lt3A_176 = arith.cmpi slt, %sub3A_170, %lt3A_175 : vector<16xi32>
    %and3A_177 = arith.andi %ge3A_173, %lt3A_176 : vector<16xi1>
    %jit3A_178 = arith.constant 5000 : i32
    %broadcast_in_dim3A_179 = vector.broadcast %jit3A_178 : i32 to vector<16xi32>
    %select_n3A_180 = arith.select %and3A_177, %sub3A_170, %broadcast_in_dim3A_179 : vector<16xi1>, vector<16xi32>
    %swap3A_181 = arith.constant 96 : index
    %swap3A_182 = tpu.vector_load %arg6[%swap3A_181] {strides = array<i32>} : memref<128xi32, #tpu.memory_space<vmem>>, vector<16xi32>,
    %swap3A_183 = vector.shape_cast %swap3A_182 : vector<16xi32> to vector<16xi32>
    %swap3A_184 = vector.shape_cast %select_n3A_180 : vector<16xi32> to vector<16xi32>
    tpu.vector_store %arg6[%swap3A_181], %swap3A_184 {strides = array<i32>} : memref<128xi32, #tpu.memory_space<vmem>>, vector<16xi32>,
    %get3A_185 = arith.constant 112 : index
    %get3A_186 = tpu.vector_load %arg5[%get3A_185] {strides = array<i32>} : memref<128xi32, #tpu.memory_space<vmem>>, vector<16xi32>,
    %get3A_187 = vector.shape_cast %get3A_186 : vector<16xi32> to vector<16xi32>
    %sub3A_188 = vector.broadcast %mul3A_59 : i32 to vector<16xi32>
    %sub3A_189 = arith.subi %get3A_187, %sub3A_188 : vector<16xi32>
    %ge3A_190 = arith.constant 0 : i32
    %ge3A_191 = vector.broadcast %ge3A_190 : i32 to vector<16xi32>
    %ge3A_192 = arith.cmpi sge, %sub3A_189, %ge3A_191 : vector<16xi32>
    %lt3A_193 = arith.constant 5000 : i32
    %lt3A_194 = vector.broadcast %lt3A_193 : i32 to vector<16xi32>
    %lt3A_195 = arith.cmpi slt, %sub3A_189, %lt3A_194 : vector<16xi32>
    %and3A_196 = arith.andi %ge3A_192, %lt3A_195 : vector<16xi1>
    %jit3A_197 = arith.constant 5000 : i32
    %broadcast_in_dim3A_198 = vector.broadcast %jit3A_197 : i32 to vector<16xi32>
    %select_n3A_199 = arith.select %and3A_196, %sub3A_189, %broadcast_in_dim3A_198 : vector<16xi1>, vector<16xi32>
    %swap3A_200 = arith.constant 112 : index
    %swap3A_201 = tpu.vector_load %arg6[%swap3A_200] {strides = array<i32>} : memref<128xi32, #tpu.memory_space<vmem>>, vector<16xi32>,
    %swap3A_202 = vector.shape_cast %swap3A_201 : vector<16xi32> to vector<16xi32>
    %swap3A_203 = vector.shape_cast %select_n3A_199 : vector<16xi32> to vector<16xi32>
    tpu.vector_store %arg6[%swap3A_200], %swap3A_203 {strides = array<i32>} : memref<128xi32, #tpu.memory_space<vmem>>, vector<16xi32>,
    %dma_wait3A_204 = arith.constant 0 : i32
    %dma_wait3A_205 = tpu.memref_slice %arg9[%add3A_13, %dma_wait3A_204] : memref<5008x128xf32, #tpu.memory_space<vmem_shared>> -> memref<64x128xf32, #tpu.memory_space<vmem_shared>>
    %dma_wait3A_206 = arith.constant 0 : i32
    %dma_wait3A_207 = tpu.memref_slice %arg9[%add3A_13, %dma_wait3A_206] : memref<5008x128xf32, #tpu.memory_space<vmem_shared>> -> memref<64x128xf32, #tpu.memory_space<vmem_shared>>
    tpu.wait_dma2 semaphore(%arg12 : memref<!tpu.dma_semaphore, #tpu.memory_space<semaphore_mem>>) src(%arg8 : memref<64x128xf32, #tpu.memory_space<vmem>>) dst(%dma_wait3A_207 : memref<64x128xf32, #tpu.memory_space<vmem_shared>>)
    %dma_wait3A_208 = arith.constant 0 : i32
    %dma_wait3A_209 = tpu.memref_slice %arg9[%add3A_21, %dma_wait3A_208] : memref<5008x128xf32, #tpu.memory_space<vmem_shared>> -> memref<64x128xf32, #tpu.memory_space<vmem_shared>>
    %dma_wait3A_210 = arith.constant 0 : i32
    %dma_wait3A_211 = tpu.memref_slice %arg9[%add3A_21, %dma_wait3A_210] : memref<5008x128xf32, #tpu.memory_space<vmem_shared>> -> memref<64x128xf32, #tpu.memory_space<vmem_shared>>
    tpu.wait_dma2 semaphore(%arg12 : memref<!tpu.dma_semaphore, #tpu.memory_space<semaphore_mem>>) src(%arg8 : memref<64x128xf32, #tpu.memory_space<vmem>>) dst(%dma_wait3A_211 : memref<64x128xf32, #tpu.memory_space<vmem_shared>>)
    %dma_wait3A_212 = arith.constant 0 : i32
    %dma_wait3A_213 = tpu.memref_slice %arg9[%add3A_29, %dma_wait3A_212] : memref<5008x128xf32, #tpu.memory_space<vmem_shared>> -> memref<64x128xf32, #tpu.memory_space<vmem_shared>>
    %dma_wait3A_214 = arith.constant 0 : i32
    %dma_wait3A_215 = tpu.memref_slice %arg9[%add3A_29, %dma_wait3A_214] : memref<5008x128xf32, #tpu.memory_space<vmem_shared>> -> memref<64x128xf32, #tpu.memory_space<vmem_shared>>
    tpu.wait_dma2 semaphore(%arg12 : memref<!tpu.dma_semaphore, #tpu.memory_space<semaphore_mem>>) src(%arg8 : memref<64x128xf32, #tpu.memory_space<vmem>>) dst(%dma_wait3A_215 : memref<64x128xf32, #tpu.memory_space<vmem_shared>>)
    %dma_wait3A_216 = arith.constant 0 : i32
    %dma_wait3A_217 = tpu.memref_slice %arg9[%add3A_37, %dma_wait3A_216] : memref<5008x128xf32, #tpu.memory_space<vmem_shared>> -> memref<64x128xf32, #tpu.memory_space<vmem_shared>>
    %dma_wait3A_218 = arith.constant 0 : i32
    %dma_wait3A_219 = tpu.memref_slice %arg9[%add3A_37, %dma_wait3A_218] : memref<5008x128xf32, #tpu.memory_space<vmem_shared>> -> memref<64x128xf32, #tpu.memory_space<vmem_shared>>
    tpu.wait_dma2 semaphore(%arg12 : memref<!tpu.dma_semaphore, #tpu.memory_space<semaphore_mem>>) src(%arg8 : memref<64x128xf32, #tpu.memory_space<vmem>>) dst(%dma_wait3A_219 : memref<64x128xf32, #tpu.memory_space<vmem_shared>>)
    %dma_wait3A_220 = arith.constant 0 : i32
    %dma_wait3A_221 = arith.constant 0 : i32
    %dma_wait3A_222 = tpu.memref_slice %arg8[%dma_wait3A_220, %dma_wait3A_221] : memref<64x128xf32, #tpu.memory_space<vmem>> -> memref<57x128xf32, #tpu.memory_space<vmem>>
    %dma_wait3A_223 = arith.constant 0 : i32
    %dma_wait3A_224 = tpu.memref_slice %arg9[%sub3A_46, %dma_wait3A_223] : memref<5008x128xf32, #tpu.memory_space<vmem_shared>> -> memref<57x128xf32, #tpu.memory_space<vmem_shared>>
    %dma_wait3A_225 = arith.constant 0 : i32
    %dma_wait3A_226 = tpu.memref_slice %arg9[%sub3A_46, %dma_wait3A_225] : memref<5008x128xf32, #tpu.memory_space<vmem_shared>> -> memref<57x128xf32, #tpu.memory_space<vmem_shared>>
    %dma_wait3A_227 = arith.constant 0 : i32
    %dma_wait3A_228 = arith.constant 0 : i32
    %dma_wait3A_229 = tpu.memref_slice %arg8[%dma_wait3A_227, %dma_wait3A_228] : memref<64x128xf32, #tpu.memory_space<vmem>> -> memref<57x128xf32, #tpu.memory_space<vmem>>
    tpu.wait_dma2 semaphore(%arg12 : memref<!tpu.dma_semaphore, #tpu.memory_space<semaphore_mem>>) src(%dma_wait3A_229 : memref<57x128xf32, #tpu.memory_space<vmem>>) dst(%dma_wait3A_226 : memref<57x128xf32, #tpu.memory_space<vmem_shared>>)
    %dma_wait3A_230 = arith.constant 0 : i32
    %dma_wait3A_231 = tpu.memref_slice %arg2[%mul3A_0, %dma_wait3A_230] : memref<2048x128xf32, #tpu.memory_space<hbm>> -> memref<128x128xf32, #tpu.memory_space<hbm>>
    %dma_wait3A_232 = arith.constant 0 : i32
    %dma_wait3A_233 = tpu.memref_slice %arg2[%mul3A_0, %dma_wait3A_232] : memref<2048x128xf32, #tpu.memory_space<hbm>> -> memref<128x128xf32, #tpu.memory_space<hbm>>
    tpu.wait_dma2 semaphore(%arg11 : memref<!tpu.dma_semaphore, #tpu.memory_space<semaphore_mem>>) src(%dma_wait3A_233 : memref<128x128xf32, #tpu.memory_space<hbm>>) dst(%arg7 : memref<128x128xf32, #tpu.memory_space<vmem>>)
    %barrier3A = arith.constant 0 : index
    tpu.barrier barrier_id(%barrier3A)
    "tpu.region"() ({
      %run_scoped3A = tpu.sem_alloc : memref<!tpu.dma_semaphore, #tpu.memory_space<semaphore_mem>>
      %dma_start3A_242 = arith.constant 0 : i32
      %dma_start3A_243 = arith.constant 0 : i32
      %dma_start3A_244 = tpu.memref_slice %arg9[%dma_start3A_242, %dma_start3A_243] : memref<5008x128xf32, #tpu.memory_space<vmem_shared>> -> memref<5008x128xf32, #tpu.memory_space<vmem_shared>>
      tpu.enqueue_indirect_dma source(%arg7 : memref<128x128xf32, #tpu.memory_space<vmem>>) target(%dma_start3A_244 : memref<5008x128xf32, #tpu.memory_space<vmem_shared>>) offsets(%arg6 : memref<128xi32, #tpu.memory_space<vmem>>) semaphore(%run_scoped3A : memref<!tpu.dma_semaphore, #tpu.memory_space<semaphore_mem>>) {add = true}
      %dma_wait3A_245 = arith.constant 0 : i32
      %dma_wait3A_246 = arith.constant 0 : i32
      %dma_wait3A_247 = tpu.memref_slice %arg9[%dma_wait3A_245, %dma_wait3A_246] : memref<5008x128xf32, #tpu.memory_space<vmem_shared>> -> memref<5008x128xf32, #tpu.memory_space<vmem_shared>>
      tpu.wait_indirect_dma semaphore(%run_scoped3A : memref<!tpu.dma_semaphore, #tpu.memory_space<semaphore_mem>>) src(%arg7 : memref<128x128xf32, #tpu.memory_space<vmem>>) dst(%dma_wait3A_247 : memref<5008x128xf32, #tpu.memory_space<vmem_shared>>)
      tpu.yield
    }) : () -> ()
    %barrier3A_234 = arith.constant 0 : index
    tpu.barrier barrier_id(%barrier3A_234)
    %mul3A_235 = arith.constant 312 : i32
    %mul3A_236 = arith.muli %arg1, %mul3A_235 : i32
    %mul3A_237 = arith.constant 312 : i32
    %mul3A_238 = arith.muli %arg1, %mul3A_237 : i32
    %add3A_239 = arith.addi %mul3A_59, %mul3A_238 : i32
    "tpu.region"() ({
      %run_scoped3A = tpu.sem_alloc : memref<!tpu.dma_semaphore, #tpu.memory_space<semaphore_mem>>
      %dma_start3A_242 = arith.constant 0 : i32
      %dma_start3A_243 = tpu.memref_slice %arg4[%add3A_239, %dma_start3A_242] : memref<10000x128xf32, #tpu.memory_space<hbm>> -> memref<312x128xf32, #tpu.memory_space<hbm>>
      %dma_start3A_244 = arith.constant 0 : i32
      %dma_start3A_245 = tpu.memref_slice %arg9[%mul3A_236, %dma_start3A_244] : memref<5008x128xf32, #tpu.memory_space<vmem_shared>> -> memref<312x128xf32, #tpu.memory_space<vmem_shared>>
      tpu.enqueue_dma source(%dma_start3A_245 : memref<312x128xf32, #tpu.memory_space<vmem_shared>>) target(%dma_start3A_243 : memref<312x128xf32, #tpu.memory_space<hbm>>) target_semaphore(%run_scoped3A : memref<!tpu.dma_semaphore, #tpu.memory_space<semaphore_mem>>)
      %dma_wait3A_246 = arith.constant 0 : i32
      %dma_wait3A_247 = tpu.memref_slice %arg4[%add3A_239, %dma_wait3A_246] : memref<10000x128xf32, #tpu.memory_space<hbm>> -> memref<312x128xf32, #tpu.memory_space<hbm>>
      %dma_wait3A_248 = arith.constant 0 : i32
      %dma_wait3A_249 = tpu.memref_slice %arg9[%mul3A_236, %dma_wait3A_248] : memref<5008x128xf32, #tpu.memory_space<vmem_shared>> -> memref<312x128xf32, #tpu.memory_space<vmem_shared>>
      tpu.wait_dma2 semaphore(%run_scoped3A : memref<!tpu.dma_semaphore, #tpu.memory_space<semaphore_mem>>) src(%dma_wait3A_249 : memref<312x128xf32, #tpu.memory_space<vmem_shared>>) dst(%dma_wait3A_247 : memref<312x128xf32, #tpu.memory_space<hbm>>)
      tpu.yield
    }) : () -> ()
    %eq3A = arith.constant 15 : i32
    %eq3A_240 = arith.cmpi eq, %arg1, %eq3A : i32
    %convert_element_type3A = arith.extui %eq3A_240 : i1 to i32
    %cond3A = arith.constant 0 : i32
    %cond3A_241 = arith.cmpi ne, %convert_element_type3A, %cond3A : i32
    scf.if %cond3A_241 {
      %add3A_242 = arith.constant 4992 : i32
      %add3A_243 = arith.addi %mul3A_59, %add3A_242 : i32
      "tpu.region"() ({
        %run_scoped3A = tpu.sem_alloc : memref<!tpu.dma_semaphore, #tpu.memory_space<semaphore_mem>>
        %dma_start3A_244 = arith.constant 0 : i32
        %dma_start3A_245 = tpu.memref_slice %arg4[%add3A_243, %dma_start3A_244] : memref<10000x128xf32, #tpu.memory_space<hbm>> -> memref<8x128xf32, #tpu.memory_space<hbm>>
        %dma_start3A_246 = arith.constant 4992 : i32
        %dma_start3A_247 = arith.constant 0 : i32
        %dma_start3A_248 = tpu.memref_slice %arg9[%dma_start3A_246, %dma_start3A_247] : memref<5008x128xf32, #tpu.memory_space<vmem_shared>> -> memref<8x128xf32, #tpu.memory_space<vmem_shared>>
        tpu.enqueue_dma source(%dma_start3A_248 : memref<8x128xf32, #tpu.memory_space<vmem_shared>>) target(%dma_start3A_245 : memref<8x128xf32, #tpu.memory_space<hbm>>) target_semaphore(%run_scoped3A : memref<!tpu.dma_semaphore, #tpu.memory_space<semaphore_mem>>)
        %dma_wait3A_249 = arith.constant 0 : i32
        %dma_wait3A_250 = tpu.memref_slice %arg4[%add3A_243, %dma_wait3A_249] : memref<10000x128xf32, #tpu.memory_space<hbm>> -> memref<8x128xf32, #tpu.memory_space<hbm>>
        %dma_wait3A_251 = arith.constant 4992 : i32
        %dma_wait3A_252 = arith.constant 0 : i32
        %dma_wait3A_253 = tpu.memref_slice %arg9[%dma_wait3A_251, %dma_wait3A_252] : memref<5008x128xf32, #tpu.memory_space<vmem_shared>> -> memref<8x128xf32, #tpu.memory_space<vmem_shared>>
        tpu.wait_dma2 semaphore(%run_scoped3A : memref<!tpu.dma_semaphore, #tpu.memory_space<semaphore_mem>>) src(%dma_wait3A_253 : memref<8x128xf32, #tpu.memory_space<vmem_shared>>) dst(%dma_wait3A_250 : memref<8x128xf32, #tpu.memory_space<hbm>>)
        tpu.yield
      }) : () -> ()
    } else {
    }
    return
  }
}

module attributes {stable_mosaic.version = 14 : i64} {
  func.func @_edge_mlp_blk_body(%arg0: i32, %arg1: memref<1024x128xf32, #tpu.memory_space<vmem>>, %arg2: memref<1024x128xf32, #tpu.memory_space<vmem>>, %arg3: memref<1024x3xi32, #tpu.memory_space<vmem>>, %arg4: memref<128x128xf32, #tpu.memory_space<vmem>>, %arg5: memref<128x128xf32, #tpu.memory_space<vmem>>, %arg6: memref<1x128xf32, #tpu.memory_space<vmem>>, %arg7: memref<128x128xf32, #tpu.memory_space<vmem>>, %arg8: memref<1x128xf32, #tpu.memory_space<vmem>>, %arg9: memref<1024x128xf32, #tpu.memory_space<vmem>>) attributes {dimension_semantics = [#tpu.dimension_semantics<arbitrary>], iteration_bounds = array<i64: 2>, scalar_prefetch = 0 : i64, scratch_operands = 0 : i64, tpu.core_type = #tpu.core_type<tc>, window_params = [{transform_indices = @transform_0, window_bounds = array<i64: 1024, 128>}, {transform_indices = @transform_1, window_bounds = array<i64: 1024, 128>}, {transform_indices = @transform_2, window_bounds = array<i64: 1024, 3>}, {pipeline_mode = #tpu.pipeline_mode<synchronous>, transform_indices = @transform_3, window_bounds = array<i64: 128, 128>}, {pipeline_mode = #tpu.pipeline_mode<synchronous>, transform_indices = @transform_4, window_bounds = array<i64: 128, 128>}, {pipeline_mode = #tpu.pipeline_mode<synchronous>, transform_indices = @transform_5, window_bounds = array<i64: 1, 128>}, {pipeline_mode = #tpu.pipeline_mode<synchronous>, transform_indices = @transform_6, window_bounds = array<i64: 128, 128>}, {pipeline_mode = #tpu.pipeline_mode<synchronous>, transform_indices = @transform_7, window_bounds = array<i64: 1, 128>}, {transform_indices = @transform_8, window_bounds = array<i64: 1024, 128>}]} {
    %get3A = arith.constant 0 : index
    %get3A_0 = arith.constant 0 : index
    %get3A_1 = vector.load %arg1[%get3A, %get3A_0] : memref<1024x128xf32, #tpu.memory_space<vmem>>, vector<1024x128xf32>
    %convert_element_type3A = arith.truncf %get3A_1 : vector<1024x128xf32> to vector<1024x128xbf16>
    %get3A_2 = arith.constant 0 : index
    %get3A_3 = arith.constant 0 : index
    %get3A_4 = vector.load %arg2[%get3A_2, %get3A_3] : memref<1024x128xf32, #tpu.memory_space<vmem>>, vector<1024x128xf32>
    %convert_element_type3A_5 = arith.truncf %get3A_4 : vector<1024x128xf32> to vector<1024x128xbf16>
    %get3A_6 = arith.constant 0 : index
    %get3A_7 = arith.constant 0 : index
    %get3A_8 = vector.load %arg4[%get3A_6, %get3A_7] : memref<128x128xf32, #tpu.memory_space<vmem>>, vector<128x128xf32>
    %convert_element_type3A_9 = arith.truncf %get3A_8 : vector<128x128xf32> to vector<128x128xbf16>
    %dot_general3A = arith.constant dense<0.000000e+00> : vector<1024x128xf32>
    %dot_general3A_10 = tpu.matmul %convert_element_type3A, %convert_element_type3A_9, %dot_general3A {dimension_numbers = #tpu.dot_dimension_numbers<[1], [0], [0], [1], [0, 0, 1, 1], [], []>, transpose_lhs_hint = false} : vector<1024x128xbf16>, vector<128x128xbf16>, vector<1024x128xf32> -> vector<1024x128xf32>
    %get3A_11 = arith.constant 0 : index
    %get3A_12 = arith.constant 0 : index
    %get3A_13 = vector.load %arg5[%get3A_11, %get3A_12] : memref<128x128xf32, #tpu.memory_space<vmem>>, vector<128x128xf32>
    %convert_element_type3A_14 = arith.truncf %get3A_13 : vector<128x128xf32> to vector<128x128xbf16>
    %dot_general3A_15 = arith.constant dense<0.000000e+00> : vector<1024x128xf32>
    %dot_general3A_16 = tpu.matmul %convert_element_type3A_5, %convert_element_type3A_14, %dot_general3A_15 {dimension_numbers = #tpu.dot_dimension_numbers<[1], [0], [0], [1], [0, 0, 1, 1], [], []>, transpose_lhs_hint = false} : vector<1024x128xbf16>, vector<128x128xbf16>, vector<1024x128xf32> -> vector<1024x128xf32>
    %add3A = arith.addf %dot_general3A_10, %dot_general3A_16 : vector<1024x128xf32>
    %get3A_17 = arith.constant 0 : index
    %get3A_18 = arith.constant 0 : index
    %get3A_19 = vector.load %arg6[%get3A_17, %get3A_18] : memref<1x128xf32, #tpu.memory_space<vmem>>, vector<1x128xf32>
    %add3A_20 = vector.broadcast %get3A_19 : vector<1x128xf32> to vector<1024x128xf32>
    %add3A_21 = arith.addf %add3A, %add3A_20 : vector<1024x128xf32>
    %max3A = arith.constant 0.000000e+00 : f32
    %max3A_22 = vector.broadcast %max3A : f32 to vector<1024x128xf32>
    %max3A_23 = arith.maximumf %add3A_21, %max3A_22 : vector<1024x128xf32>
    %convert_element_type3A_24 = arith.truncf %max3A_23 : vector<1024x128xf32> to vector<1024x128xbf16>
    %get3A_25 = arith.constant 0 : index
    %get3A_26 = arith.constant 0 : index
    %get3A_27 = vector.load %arg7[%get3A_25, %get3A_26] : memref<128x128xf32, #tpu.memory_space<vmem>>, vector<128x128xf32>
    %convert_element_type3A_28 = arith.truncf %get3A_27 : vector<128x128xf32> to vector<128x128xbf16>
    %dot_general3A_29 = arith.constant dense<0.000000e+00> : vector<1024x128xf32>
    %dot_general3A_30 = tpu.matmul %convert_element_type3A_24, %convert_element_type3A_28, %dot_general3A_29 {dimension_numbers = #tpu.dot_dimension_numbers<[1], [0], [0], [1], [0, 0, 1, 1], [], []>, transpose_lhs_hint = false} : vector<1024x128xbf16>, vector<128x128xbf16>, vector<1024x128xf32> -> vector<1024x128xf32>
    %get3A_31 = arith.constant 0 : index
    %get3A_32 = arith.constant 0 : index
    %get3A_33 = vector.load %arg8[%get3A_31, %get3A_32] : memref<1x128xf32, #tpu.memory_space<vmem>>, vector<1x128xf32>
    %add3A_34 = vector.broadcast %get3A_33 : vector<1x128xf32> to vector<1024x128xf32>
    %add3A_35 = arith.addf %dot_general3A_30, %add3A_34 : vector<1024x128xf32>
    %get3A_36 = arith.constant 0 : index
    %get3A_37 = arith.constant 0 : index
    %get3A_38 = vector.load %arg3[%get3A_36, %get3A_37] : memref<1024x3xi32, #tpu.memory_space<vmem>>, vector<1024x1xi32>
    %get3A_39 = arith.constant 0 : index
    %get3A_40 = arith.constant 2 : index
    %get3A_41 = vector.load %arg3[%get3A_39, %get3A_40] : memref<1024x3xi32, #tpu.memory_space<vmem>>, vector<1024x1xi32>
    %lt3A = arith.constant 10000 : i32
    %lt3A_42 = vector.broadcast %lt3A : i32 to vector<1024x1xi32>
    %lt3A_43 = arith.cmpi slt, %get3A_38, %lt3A_42 : vector<1024x1xi32>
    %lt3A_44 = arith.constant 10000 : i32
    %lt3A_45 = vector.broadcast %lt3A_44 : i32 to vector<1024x1xi32>
    %lt3A_46 = arith.cmpi slt, %get3A_41, %lt3A_45 : vector<1024x1xi32>
    %and3A = arith.andi %lt3A_43, %lt3A_46 : vector<1024x1xi1>
    %convert_element_type3A_47 = arith.extui %and3A : vector<1024x1xi1> to vector<1024x1xi32>
    %convert_element_type3A_48 = arith.sitofp %convert_element_type3A_47 : vector<1024x1xi32> to vector<1024x1xf32>
    %mul3A = vector.broadcast %convert_element_type3A_48 : vector<1024x1xf32> to vector<1024x128xf32>
    %mul3A_49 = arith.mulf %add3A_35, %mul3A : vector<1024x128xf32>
    %swap3A = arith.constant 0 : index
    %swap3A_50 = arith.constant 0 : index
    %swap3A_51 = vector.load %arg9[%swap3A, %swap3A_50] : memref<1024x128xf32, #tpu.memory_space<vmem>>, vector<1024x128xf32>
    tpu.vector_store %arg9[%swap3A, %swap3A_50], %mul3A_49 {strides = array<i32>} : memref<1024x128xf32, #tpu.memory_space<vmem>>, vector<1024x128xf32>,
    return
  }
  func.func @transform_0(%arg0: i32) -> (i32, i32) {
    %c0_i32 = arith.constant 0 : i32
    %c0_i32_0 = arith.constant 0 : i32
    return %arg0, %c0_i32 : i32, i32
  }
  func.func @transform_1(%arg0: i32) -> (i32, i32) {
    %add3A = arith.constant 2 : i32
    %add3A_0 = arith.addi %arg0, %add3A : i32
    %c0_i32 = arith.constant 0 : i32
    %c0_i32_1 = arith.constant 0 : i32
    return %add3A_0, %c0_i32 : i32, i32
  }
  func.func @transform_2(%arg0: i32) -> (i32, i32) {
    %c0_i32 = arith.constant 0 : i32
    %c0_i32_0 = arith.constant 0 : i32
    return %arg0, %c0_i32 : i32, i32
  }
  func.func @transform_3(%arg0: i32) -> (i32, i32) {
    %c0_i32 = arith.constant 0 : i32
    %c0_i32_0 = arith.constant 0 : i32
    %c0_i32_1 = arith.constant 0 : i32
    return %c0_i32, %c0_i32_0 : i32, i32
  }
  func.func @transform_4(%arg0: i32) -> (i32, i32) {
    %c0_i32 = arith.constant 0 : i32
    %c0_i32_0 = arith.constant 0 : i32
    %c0_i32_1 = arith.constant 0 : i32
    return %c0_i32, %c0_i32_0 : i32, i32
  }
  func.func @transform_5(%arg0: i32) -> (i32, i32) {
    %c0_i32 = arith.constant 0 : i32
    %c0_i32_0 = arith.constant 0 : i32
    %c0_i32_1 = arith.constant 0 : i32
    return %c0_i32, %c0_i32_0 : i32, i32
  }
  func.func @transform_6(%arg0: i32) -> (i32, i32) {
    %c0_i32 = arith.constant 0 : i32
    %c0_i32_0 = arith.constant 0 : i32
    %c0_i32_1 = arith.constant 0 : i32
    return %c0_i32, %c0_i32_0 : i32, i32
  }
  func.func @transform_7(%arg0: i32) -> (i32, i32) {
    %c0_i32 = arith.constant 0 : i32
    %c0_i32_0 = arith.constant 0 : i32
    %c0_i32_1 = arith.constant 0 : i32
    return %c0_i32, %c0_i32_0 : i32, i32
  }
  func.func @transform_8(%arg0: i32) -> (i32, i32) {
    %c0_i32 = arith.constant 0 : i32
    %c0_i32_0 = arith.constant 0 : i32
    return %arg0, %c0_i32 : i32, i32
  }
}

module attributes {stable_mosaic.version = 14 : i64} {
  func.func @_gru_body(%arg0: i32, %arg1: memref<2000x128xf32, #tpu.memory_space<vmem>>, %arg2: memref<2000x128xf32, #tpu.memory_space<vmem>>, %arg3: memref<128x384xf32, #tpu.memory_space<vmem>>, %arg4: memref<1x384xf32, #tpu.memory_space<vmem>>, %arg5: memref<128x384xf32, #tpu.memory_space<vmem>>, %arg6: memref<1x384xf32, #tpu.memory_space<vmem>>, %arg7: memref<2000x128xf32, #tpu.memory_space<vmem>>) attributes {dimension_semantics = [#tpu.dimension_semantics<arbitrary>], iteration_bounds = array<i64: 5>, scalar_prefetch = 0 : i64, scratch_operands = 0 : i64, tpu.core_type = #tpu.core_type<tc>, window_params = [{transform_indices = @transform_0, window_bounds = array<i64: 2000, 128>}, {transform_indices = @transform_1, window_bounds = array<i64: 2000, 128>}, {pipeline_mode = #tpu.pipeline_mode<synchronous>, transform_indices = @transform_2, window_bounds = array<i64: 128, 384>}, {pipeline_mode = #tpu.pipeline_mode<synchronous>, transform_indices = @transform_3, window_bounds = array<i64: 1, 384>}, {pipeline_mode = #tpu.pipeline_mode<synchronous>, transform_indices = @transform_4, window_bounds = array<i64: 128, 384>}, {pipeline_mode = #tpu.pipeline_mode<synchronous>, transform_indices = @transform_5, window_bounds = array<i64: 1, 384>}, {transform_indices = @transform_6, window_bounds = array<i64: 2000, 128>}]} {
    %get3A = arith.constant 0 : index
    %get3A_0 = arith.constant 0 : index
    %get3A_1 = vector.load %arg1[%get3A, %get3A_0] : memref<2000x128xf32, #tpu.memory_space<vmem>>, vector<2000x128xf32>
    %convert_element_type3A = arith.truncf %get3A_1 : vector<2000x128xf32> to vector<2000x128xbf16>
    %get3A_2 = arith.constant 0 : index
    %get3A_3 = arith.constant 0 : index
    %get3A_4 = vector.load %arg3[%get3A_2, %get3A_3] : memref<128x384xf32, #tpu.memory_space<vmem>>, vector<128x384xf32>
    %convert_element_type3A_5 = arith.truncf %get3A_4 : vector<128x384xf32> to vector<128x384xbf16>
    %dot_general3A = arith.constant dense<0.000000e+00> : vector<2000x384xf32>
    %dot_general3A_6 = tpu.matmul %convert_element_type3A, %convert_element_type3A_5, %dot_general3A {dimension_numbers = #tpu.dot_dimension_numbers<[1], [0], [0], [1], [0, 0, 1, 1], [], []>, transpose_lhs_hint = false} : vector<2000x128xbf16>, vector<128x384xbf16>, vector<2000x384xf32> -> vector<2000x384xf32>
    %get3A_7 = arith.constant 0 : index
    %get3A_8 = arith.constant 0 : index
    %get3A_9 = vector.load %arg4[%get3A_7, %get3A_8] : memref<1x384xf32, #tpu.memory_space<vmem>>, vector<1x384xf32>
    %add3A = vector.broadcast %get3A_9 : vector<1x384xf32> to vector<2000x384xf32>
    %add3A_10 = arith.addf %dot_general3A_6, %add3A : vector<2000x384xf32>
    %get3A_11 = arith.constant 0 : index
    %get3A_12 = arith.constant 0 : index
    %get3A_13 = vector.load %arg2[%get3A_11, %get3A_12] : memref<2000x128xf32, #tpu.memory_space<vmem>>, vector<2000x128xf32>
    %convert_element_type3A_14 = arith.truncf %get3A_13 : vector<2000x128xf32> to vector<2000x128xbf16>
    %get3A_15 = arith.constant 0 : index
    %get3A_16 = arith.constant 0 : index
    %get3A_17 = vector.load %arg5[%get3A_15, %get3A_16] : memref<128x384xf32, #tpu.memory_space<vmem>>, vector<128x384xf32>
    %convert_element_type3A_18 = arith.truncf %get3A_17 : vector<128x384xf32> to vector<128x384xbf16>
    %dot_general3A_19 = arith.constant dense<0.000000e+00> : vector<2000x384xf32>
    %dot_general3A_20 = tpu.matmul %convert_element_type3A_14, %convert_element_type3A_18, %dot_general3A_19 {dimension_numbers = #tpu.dot_dimension_numbers<[1], [0], [0], [1], [0, 0, 1, 1], [], []>, transpose_lhs_hint = false} : vector<2000x128xbf16>, vector<128x384xbf16>, vector<2000x384xf32> -> vector<2000x384xf32>
    %get3A_21 = arith.constant 0 : index
    %get3A_22 = arith.constant 0 : index
    %get3A_23 = vector.load %arg6[%get3A_21, %get3A_22] : memref<1x384xf32, #tpu.memory_space<vmem>>, vector<1x384xf32>
    %add3A_24 = vector.broadcast %get3A_23 : vector<1x384xf32> to vector<2000x384xf32>
    %add3A_25 = arith.addf %dot_general3A_20, %add3A_24 : vector<2000x384xf32>
    %slice3A = vector.extract_strided_slice %add3A_10 {offsets = [0, 0], sizes = [2000, 128], strides = [1, 1]} : vector<2000x384xf32> to vector<2000x128xf32>
    %slice3A_26 = vector.extract_strided_slice %add3A_25 {offsets = [0, 0], sizes = [2000, 128], strides = [1, 1]} : vector<2000x384xf32> to vector<2000x128xf32>
    %add3A_27 = arith.addf %slice3A, %slice3A_26 : vector<2000x128xf32>
    %logistic3A = arith.negf %add3A_27 : vector<2000x128xf32>
    %logistic3A_28 = math.exp %logistic3A : vector<2000x128xf32>
    %logistic3A_29 = arith.constant 1.000000e+00 : f32
    %logistic3A_30 = vector.broadcast %logistic3A_29 : f32 to vector<2000x128xf32>
    %logistic3A_31 = arith.addf %logistic3A_30, %logistic3A_28 : vector<2000x128xf32>
    %logistic3A_32 = arith.divf %logistic3A_30, %logistic3A_31 : vector<2000x128xf32>
    %slice3A_33 = vector.extract_strided_slice %add3A_10 {offsets = [0, 128], sizes = [2000, 128], strides = [1, 1]} : vector<2000x384xf32> to vector<2000x128xf32>
    %slice3A_34 = vector.extract_strided_slice %add3A_25 {offsets = [0, 128], sizes = [2000, 128], strides = [1, 1]} : vector<2000x384xf32> to vector<2000x128xf32>
    %add3A_35 = arith.addf %slice3A_33, %slice3A_34 : vector<2000x128xf32>
    %logistic3A_36 = arith.negf %add3A_35 : vector<2000x128xf32>
    %logistic3A_37 = math.exp %logistic3A_36 : vector<2000x128xf32>
    %logistic3A_38 = arith.constant 1.000000e+00 : f32
    %logistic3A_39 = vector.broadcast %logistic3A_38 : f32 to vector<2000x128xf32>
    %logistic3A_40 = arith.addf %logistic3A_39, %logistic3A_37 : vector<2000x128xf32>
    %logistic3A_41 = arith.divf %logistic3A_39, %logistic3A_40 : vector<2000x128xf32>
    %slice3A_42 = vector.extract_strided_slice %add3A_10 {offsets = [0, 256], sizes = [2000, 128], strides = [1, 1]} : vector<2000x384xf32> to vector<2000x128xf32>
    %slice3A_43 = vector.extract_strided_slice %add3A_25 {offsets = [0, 256], sizes = [2000, 128], strides = [1, 1]} : vector<2000x384xf32> to vector<2000x128xf32>
    %mul3A = arith.mulf %logistic3A_32, %slice3A_43 : vector<2000x128xf32>
    %add3A_44 = arith.addf %slice3A_42, %mul3A : vector<2000x128xf32>
    %tanh3A = math.tanh %add3A_44 : vector<2000x128xf32>
    %get3A_45 = arith.constant 0 : index
    %get3A_46 = arith.constant 0 : index
    %get3A_47 = vector.load %arg2[%get3A_45, %get3A_46] : memref<2000x128xf32, #tpu.memory_space<vmem>>, vector<2000x128xf32>
    %sub3A = arith.constant 1.000000e+00 : f32
    %sub3A_48 = vector.broadcast %sub3A : f32 to vector<2000x128xf32>
    %sub3A_49 = arith.subf %sub3A_48, %logistic3A_41 : vector<2000x128xf32>
    %mul3A_50 = arith.mulf %sub3A_49, %tanh3A : vector<2000x128xf32>
    %mul3A_51 = arith.mulf %logistic3A_41, %get3A_47 : vector<2000x128xf32>
    %add3A_52 = arith.addf %mul3A_50, %mul3A_51 : vector<2000x128xf32>
    %swap3A = arith.constant 0 : index
    %swap3A_53 = arith.constant 0 : index
    %swap3A_54 = vector.load %arg7[%swap3A, %swap3A_53] : memref<2000x128xf32, #tpu.memory_space<vmem>>, vector<2000x128xf32>
    tpu.vector_store %arg7[%swap3A, %swap3A_53], %add3A_52 {strides = array<i32>} : memref<2000x128xf32, #tpu.memory_space<vmem>>, vector<2000x128xf32>,
    return
  }
  func.func @transform_0(%arg0: i32) -> (i32, i32) {
    %c0_i32 = arith.constant 0 : i32
    %c0_i32_0 = arith.constant 0 : i32
    return %arg0, %c0_i32 : i32, i32
  }
  func.func @transform_1(%arg0: i32) -> (i32, i32) {
    %c0_i32 = arith.constant 0 : i32
    %c0_i32_0 = arith.constant 0 : i32
    return %arg0, %c0_i32 : i32, i32
  }
  func.func @transform_2(%arg0: i32) -> (i32, i32) {
    %c0_i32 = arith.constant 0 : i32
    %c0_i32_0 = arith.constant 0 : i32
    %c0_i32_1 = arith.constant 0 : i32
    return %c0_i32, %c0_i32_0 : i32, i32
  }
  func.func @transform_3(%arg0: i32) -> (i32, i32) {
    %c0_i32 = arith.constant 0 : i32
    %c0_i32_0 = arith.constant 0 : i32
    %c0_i32_1 = arith.constant 0 : i32
    return %c0_i32, %c0_i32_0 : i32, i32
  }
  func.func @transform_4(%arg0: i32) -> (i32, i32) {
    %c0_i32 = arith.constant 0 : i32
    %c0_i32_0 = arith.constant 0 : i32
    %c0_i32_1 = arith.constant 0 : i32
    return %c0_i32, %c0_i32_0 : i32, i32
  }
  func.func @transform_5(%arg0: i32) -> (i32, i32) {
    %c0_i32 = arith.constant 0 : i32
    %c0_i32_0 = arith.constant 0 : i32
    %c0_i32_1 = arith.constant 0 : i32
    return %c0_i32, %c0_i32_0 : i32, i32
  }
  func.func @transform_6(%arg0: i32) -> (i32, i32) {
    %c0_i32 = arith.constant 0 : i32
    %c0_i32_0 = arith.constant 0 : i32
    return %arg0, %c0_i32 : i32, i32
  }
}

module attributes {stable_mosaic.version = 14 : i64} {
  func.func @_gru_body(%arg0: i32, %arg1: memref<2000x128xf32, #tpu.memory_space<vmem>>, %arg2: memref<2000x128xf32, #tpu.memory_space<vmem>>, %arg3: memref<128x384xf32, #tpu.memory_space<vmem>>, %arg4: memref<1x384xf32, #tpu.memory_space<vmem>>, %arg5: memref<128x384xf32, #tpu.memory_space<vmem>>, %arg6: memref<1x384xf32, #tpu.memory_space<vmem>>, %arg7: memref<2000x128xbf16, #tpu.memory_space<vmem>>) attributes {dimension_semantics = [#tpu.dimension_semantics<arbitrary>], iteration_bounds = array<i64: 5>, scalar_prefetch = 0 : i64, scratch_operands = 0 : i64, tpu.core_type = #tpu.core_type<tc>, window_params = [{transform_indices = @transform_0, window_bounds = array<i64: 2000, 128>}, {transform_indices = @transform_1, window_bounds = array<i64: 2000, 128>}, {pipeline_mode = #tpu.pipeline_mode<synchronous>, transform_indices = @transform_2, window_bounds = array<i64: 128, 384>}, {pipeline_mode = #tpu.pipeline_mode<synchronous>, transform_indices = @transform_3, window_bounds = array<i64: 1, 384>}, {pipeline_mode = #tpu.pipeline_mode<synchronous>, transform_indices = @transform_4, window_bounds = array<i64: 128, 384>}, {pipeline_mode = #tpu.pipeline_mode<synchronous>, transform_indices = @transform_5, window_bounds = array<i64: 1, 384>}, {transform_indices = @transform_6, window_bounds = array<i64: 2000, 128>}]} {
    %get3A = arith.constant 0 : index
    %get3A_0 = arith.constant 0 : index
    %get3A_1 = vector.load %arg1[%get3A, %get3A_0] : memref<2000x128xf32, #tpu.memory_space<vmem>>, vector<2000x128xf32>
    %convert_element_type3A = arith.truncf %get3A_1 : vector<2000x128xf32> to vector<2000x128xbf16>
    %get3A_2 = arith.constant 0 : index
    %get3A_3 = arith.constant 0 : index
    %get3A_4 = vector.load %arg3[%get3A_2, %get3A_3] : memref<128x384xf32, #tpu.memory_space<vmem>>, vector<128x384xf32>
    %convert_element_type3A_5 = arith.truncf %get3A_4 : vector<128x384xf32> to vector<128x384xbf16>
    %dot_general3A = arith.constant dense<0.000000e+00> : vector<2000x384xf32>
    %dot_general3A_6 = tpu.matmul %convert_element_type3A, %convert_element_type3A_5, %dot_general3A {dimension_numbers = #tpu.dot_dimension_numbers<[1], [0], [0], [1], [0, 0, 1, 1], [], []>, transpose_lhs_hint = false} : vector<2000x128xbf16>, vector<128x384xbf16>, vector<2000x384xf32> -> vector<2000x384xf32>
    %get3A_7 = arith.constant 0 : index
    %get3A_8 = arith.constant 0 : index
    %get3A_9 = vector.load %arg4[%get3A_7, %get3A_8] : memref<1x384xf32, #tpu.memory_space<vmem>>, vector<1x384xf32>
    %add3A = vector.broadcast %get3A_9 : vector<1x384xf32> to vector<2000x384xf32>
    %add3A_10 = arith.addf %dot_general3A_6, %add3A : vector<2000x384xf32>
    %get3A_11 = arith.constant 0 : index
    %get3A_12 = arith.constant 0 : index
    %get3A_13 = vector.load %arg2[%get3A_11, %get3A_12] : memref<2000x128xf32, #tpu.memory_space<vmem>>, vector<2000x128xf32>
    %convert_element_type3A_14 = arith.truncf %get3A_13 : vector<2000x128xf32> to vector<2000x128xbf16>
    %get3A_15 = arith.constant 0 : index
    %get3A_16 = arith.constant 0 : index
    %get3A_17 = vector.load %arg5[%get3A_15, %get3A_16] : memref<128x384xf32, #tpu.memory_space<vmem>>, vector<128x384xf32>
    %convert_element_type3A_18 = arith.truncf %get3A_17 : vector<128x384xf32> to vector<128x384xbf16>
    %dot_general3A_19 = arith.constant dense<0.000000e+00> : vector<2000x384xf32>
    %dot_general3A_20 = tpu.matmul %convert_element_type3A_14, %convert_element_type3A_18, %dot_general3A_19 {dimension_numbers = #tpu.dot_dimension_numbers<[1], [0], [0], [1], [0, 0, 1, 1], [], []>, transpose_lhs_hint = false} : vector<2000x128xbf16>, vector<128x384xbf16>, vector<2000x384xf32> -> vector<2000x384xf32>
    %get3A_21 = arith.constant 0 : index
    %get3A_22 = arith.constant 0 : index
    %get3A_23 = vector.load %arg6[%get3A_21, %get3A_22] : memref<1x384xf32, #tpu.memory_space<vmem>>, vector<1x384xf32>
    %add3A_24 = vector.broadcast %get3A_23 : vector<1x384xf32> to vector<2000x384xf32>
    %add3A_25 = arith.addf %dot_general3A_20, %add3A_24 : vector<2000x384xf32>
    %slice3A = vector.extract_strided_slice %add3A_10 {offsets = [0, 0], sizes = [2000, 128], strides = [1, 1]} : vector<2000x384xf32> to vector<2000x128xf32>
    %slice3A_26 = vector.extract_strided_slice %add3A_25 {offsets = [0, 0], sizes = [2000, 128], strides = [1, 1]} : vector<2000x384xf32> to vector<2000x128xf32>
    %add3A_27 = arith.addf %slice3A, %slice3A_26 : vector<2000x128xf32>
    %logistic3A = arith.negf %add3A_27 : vector<2000x128xf32>
    %logistic3A_28 = math.exp %logistic3A : vector<2000x128xf32>
    %logistic3A_29 = arith.constant 1.000000e+00 : f32
    %logistic3A_30 = vector.broadcast %logistic3A_29 : f32 to vector<2000x128xf32>
    %logistic3A_31 = arith.addf %logistic3A_30, %logistic3A_28 : vector<2000x128xf32>
    %logistic3A_32 = arith.divf %logistic3A_30, %logistic3A_31 : vector<2000x128xf32>
    %slice3A_33 = vector.extract_strided_slice %add3A_10 {offsets = [0, 128], sizes = [2000, 128], strides = [1, 1]} : vector<2000x384xf32> to vector<2000x128xf32>
    %slice3A_34 = vector.extract_strided_slice %add3A_25 {offsets = [0, 128], sizes = [2000, 128], strides = [1, 1]} : vector<2000x384xf32> to vector<2000x128xf32>
    %add3A_35 = arith.addf %slice3A_33, %slice3A_34 : vector<2000x128xf32>
    %logistic3A_36 = arith.negf %add3A_35 : vector<2000x128xf32>
    %logistic3A_37 = math.exp %logistic3A_36 : vector<2000x128xf32>
    %logistic3A_38 = arith.constant 1.000000e+00 : f32
    %logistic3A_39 = vector.broadcast %logistic3A_38 : f32 to vector<2000x128xf32>
    %logistic3A_40 = arith.addf %logistic3A_39, %logistic3A_37 : vector<2000x128xf32>
    %logistic3A_41 = arith.divf %logistic3A_39, %logistic3A_40 : vector<2000x128xf32>
    %slice3A_42 = vector.extract_strided_slice %add3A_10 {offsets = [0, 256], sizes = [2000, 128], strides = [1, 1]} : vector<2000x384xf32> to vector<2000x128xf32>
    %slice3A_43 = vector.extract_strided_slice %add3A_25 {offsets = [0, 256], sizes = [2000, 128], strides = [1, 1]} : vector<2000x384xf32> to vector<2000x128xf32>
    %mul3A = arith.mulf %logistic3A_32, %slice3A_43 : vector<2000x128xf32>
    %add3A_44 = arith.addf %slice3A_42, %mul3A : vector<2000x128xf32>
    %tanh3A = math.tanh %add3A_44 : vector<2000x128xf32>
    %get3A_45 = arith.constant 0 : index
    %get3A_46 = arith.constant 0 : index
    %get3A_47 = vector.load %arg2[%get3A_45, %get3A_46] : memref<2000x128xf32, #tpu.memory_space<vmem>>, vector<2000x128xf32>
    %sub3A = arith.constant 1.000000e+00 : f32
    %sub3A_48 = vector.broadcast %sub3A : f32 to vector<2000x128xf32>
    %sub3A_49 = arith.subf %sub3A_48, %logistic3A_41 : vector<2000x128xf32>
    %mul3A_50 = arith.mulf %sub3A_49, %tanh3A : vector<2000x128xf32>
    %mul3A_51 = arith.mulf %logistic3A_41, %get3A_47 : vector<2000x128xf32>
    %add3A_52 = arith.addf %mul3A_50, %mul3A_51 : vector<2000x128xf32>
    %convert_element_type3A_53 = arith.truncf %add3A_52 : vector<2000x128xf32> to vector<2000x128xbf16>
    %swap3A = arith.constant 0 : index
    %swap3A_54 = arith.constant 0 : index
    %swap3A_55 = vector.load %arg7[%swap3A, %swap3A_54] : memref<2000x128xbf16, #tpu.memory_space<vmem>>, vector<2000x128xbf16>
    tpu.vector_store %arg7[%swap3A, %swap3A_54], %convert_element_type3A_53 {strides = array<i32>} : memref<2000x128xbf16, #tpu.memory_space<vmem>>, vector<2000x128xbf16>,
    return
  }
  func.func @transform_0(%arg0: i32) -> (i32, i32) {
    %c0_i32 = arith.constant 0 : i32
    %c0_i32_0 = arith.constant 0 : i32
    return %arg0, %c0_i32 : i32, i32
  }
  func.func @transform_1(%arg0: i32) -> (i32, i32) {
    %c0_i32 = arith.constant 0 : i32
    %c0_i32_0 = arith.constant 0 : i32
    return %arg0, %c0_i32 : i32, i32
  }
  func.func @transform_2(%arg0: i32) -> (i32, i32) {
    %c0_i32 = arith.constant 0 : i32
    %c0_i32_0 = arith.constant 0 : i32
    %c0_i32_1 = arith.constant 0 : i32
    return %c0_i32, %c0_i32_0 : i32, i32
  }
  func.func @transform_3(%arg0: i32) -> (i32, i32) {
    %c0_i32 = arith.constant 0 : i32
    %c0_i32_0 = arith.constant 0 : i32
    %c0_i32_1 = arith.constant 0 : i32
    return %c0_i32, %c0_i32_0 : i32, i32
  }
  func.func @transform_4(%arg0: i32) -> (i32, i32) {
    %c0_i32 = arith.constant 0 : i32
    %c0_i32_0 = arith.constant 0 : i32
    %c0_i32_1 = arith.constant 0 : i32
    return %c0_i32, %c0_i32_0 : i32, i32
  }
  func.func @transform_5(%arg0: i32) -> (i32, i32) {
    %c0_i32 = arith.constant 0 : i32
    %c0_i32_0 = arith.constant 0 : i32
    %c0_i32_1 = arith.constant 0 : i32
    return %c0_i32, %c0_i32_0 : i32, i32
  }
  func.func @transform_6(%arg0: i32) -> (i32, i32) {
    %c0_i32 = arith.constant 0 : i32
    %c0_i32_0 = arith.constant 0 : i32
    return %arg0, %c0_i32 : i32, i32
  }
}

module attributes {stable_mosaic.version = 14 : i64} {
  func.func @_readout_body(%arg0: memref<16x10000xf32, #tpu.memory_space<vmem>>, %arg1: memref<10000x128xbf16, #tpu.memory_space<vmem>>, %arg2: memref<128x512xf32, #tpu.memory_space<vmem>>, %arg3: memref<1x512xf32, #tpu.memory_space<vmem>>, %arg4: memref<1x512xf32, #tpu.memory_space<vmem>>, %arg5: memref<1x512xf32, #tpu.memory_space<vmem>>, %arg6: memref<512x256xf32, #tpu.memory_space<vmem>>, %arg7: memref<1x256xf32, #tpu.memory_space<vmem>>, %arg8: memref<1x256xf32, #tpu.memory_space<vmem>>, %arg9: memref<1x256xf32, #tpu.memory_space<vmem>>, %arg10: memref<256x128xf32, #tpu.memory_space<vmem>>, %arg11: memref<1x128xf32, #tpu.memory_space<vmem>>, %arg12: memref<16x128xf32, #tpu.memory_space<vmem>>) attributes {dimension_semantics = [], scalar_prefetch = 0 : i64, scratch_operands = 0 : i64, tpu.core_type = #tpu.core_type<tc>} {
    %get3A = arith.constant 0 : index
    %get3A_0 = arith.constant 0 : index
    %get3A_1 = vector.load %arg0[%get3A, %get3A_0] : memref<16x10000xf32, #tpu.memory_space<vmem>>, vector<16x10000xf32>
    %convert_element_type3A = arith.truncf %get3A_1 : vector<16x10000xf32> to vector<16x10000xbf16>
    %get3A_2 = arith.constant 0 : index
    %get3A_3 = arith.constant 0 : index
    %get3A_4 = vector.load %arg1[%get3A_2, %get3A_3] : memref<10000x128xbf16, #tpu.memory_space<vmem>>, vector<10000x128xbf16>
    %dot_general3A = arith.constant dense<0.000000e+00> : vector<16x128xf32>
    %dot_general3A_5 = tpu.matmul %convert_element_type3A, %get3A_4, %dot_general3A {dimension_numbers = #tpu.dot_dimension_numbers<[1], [0], [0], [1], [0, 0, 1, 1], [], []>, transpose_lhs_hint = false} : vector<16x10000xbf16>, vector<10000x128xbf16>, vector<16x128xf32> -> vector<16x128xf32>
    %convert_element_type3A_6 = arith.truncf %dot_general3A_5 : vector<16x128xf32> to vector<16x128xbf16>
    %get3A_7 = arith.constant 0 : index
    %get3A_8 = arith.constant 0 : index
    %get3A_9 = vector.load %arg2[%get3A_7, %get3A_8] : memref<128x512xf32, #tpu.memory_space<vmem>>, vector<128x512xf32>
    %convert_element_type3A_10 = arith.truncf %get3A_9 : vector<128x512xf32> to vector<128x512xbf16>
    %dot_general3A_11 = arith.constant dense<0.000000e+00> : vector<16x512xf32>
    %dot_general3A_12 = tpu.matmul %convert_element_type3A_6, %convert_element_type3A_10, %dot_general3A_11 {dimension_numbers = #tpu.dot_dimension_numbers<[1], [0], [0], [1], [0, 0, 1, 1], [], []>, transpose_lhs_hint = false} : vector<16x128xbf16>, vector<128x512xbf16>, vector<16x512xf32> -> vector<16x512xf32>
    %get3A_13 = arith.constant 0 : index
    %get3A_14 = arith.constant 0 : index
    %get3A_15 = vector.load %arg3[%get3A_13, %get3A_14] : memref<1x512xf32, #tpu.memory_space<vmem>>, vector<1x512xf32>
    %add3A = vector.broadcast %get3A_15 : vector<1x512xf32> to vector<16x512xf32>
    %add3A_16 = arith.addf %dot_general3A_12, %add3A : vector<16x512xf32>
    %get3A_17 = arith.constant 0 : index
    %get3A_18 = arith.constant 0 : index
    %get3A_19 = vector.load %arg4[%get3A_17, %get3A_18] : memref<1x512xf32, #tpu.memory_space<vmem>>, vector<1x512xf32>
    %get3A_20 = arith.constant 0 : index
    %get3A_21 = arith.constant 0 : index
    %get3A_22 = vector.load %arg5[%get3A_20, %get3A_21] : memref<1x512xf32, #tpu.memory_space<vmem>>, vector<1x512xf32>
    %reduce_sum3A = arith.constant dense<0.000000e+00> : vector<16xf32>
    %reduce_sum3A_23 = vector.multi_reduction <add>, %add3A_16, %reduce_sum3A [1] : vector<16x512xf32> to vector<16xf32>
    %broadcast_in_dim3A = vector.shape_cast %reduce_sum3A_23 : vector<16xf32> to vector<16x1xf32>
    %div3A = arith.constant 5.120000e+02 : f32
    %div3A_24 = vector.broadcast %div3A : f32 to vector<16x1xf32>
    %div3A_25 = arith.divf %broadcast_in_dim3A, %div3A_24 : vector<16x1xf32>
    %sub3A = vector.broadcast %div3A_25 : vector<16x1xf32> to vector<16x512xf32>
    %sub3A_26 = arith.subf %add3A_16, %sub3A : vector<16x512xf32>
    %integer_pow3A = arith.mulf %sub3A_26, %sub3A_26 : vector<16x512xf32>
    %reduce_sum3A_27 = arith.constant dense<0.000000e+00> : vector<16xf32>
    %reduce_sum3A_28 = vector.multi_reduction <add>, %integer_pow3A, %reduce_sum3A_27 [1] : vector<16x512xf32> to vector<16xf32>
    %broadcast_in_dim3A_29 = vector.shape_cast %reduce_sum3A_28 : vector<16xf32> to vector<16x1xf32>
    %div3A_30 = arith.constant 5.120000e+02 : f32
    %div3A_31 = vector.broadcast %div3A_30 : f32 to vector<16x1xf32>
    %div3A_32 = arith.divf %broadcast_in_dim3A_29, %div3A_31 : vector<16x1xf32>
    %sub3A_33 = vector.broadcast %div3A_25 : vector<16x1xf32> to vector<16x512xf32>
    %sub3A_34 = arith.subf %add3A_16, %sub3A_33 : vector<16x512xf32>
    %add3A_35 = arith.constant 9.99999974E-6 : f32
    %add3A_36 = vector.broadcast %add3A_35 : f32 to vector<16x1xf32>
    %add3A_37 = arith.addf %div3A_32, %add3A_36 : vector<16x1xf32>
    %rsqrt3A = math.rsqrt %add3A_37 : vector<16x1xf32>
    %mul3A = vector.broadcast %rsqrt3A : vector<16x1xf32> to vector<16x512xf32>
    %mul3A_38 = arith.mulf %sub3A_34, %mul3A : vector<16x512xf32>
    %mul3A_39 = vector.broadcast %get3A_19 : vector<1x512xf32> to vector<16x512xf32>
    %mul3A_40 = arith.mulf %mul3A_38, %mul3A_39 : vector<16x512xf32>
    %add3A_41 = vector.broadcast %get3A_22 : vector<1x512xf32> to vector<16x512xf32>
    %add3A_42 = arith.addf %mul3A_40, %add3A_41 : vector<16x512xf32>
    %max3A = arith.constant 0.000000e+00 : f32
    %max3A_43 = vector.broadcast %max3A : f32 to vector<16x512xf32>
    %max3A_44 = arith.maximumf %add3A_42, %max3A_43 : vector<16x512xf32>
    %convert_element_type3A_45 = arith.truncf %max3A_44 : vector<16x512xf32> to vector<16x512xbf16>
    %get3A_46 = arith.constant 0 : index
    %get3A_47 = arith.constant 0 : index
    %get3A_48 = vector.load %arg6[%get3A_46, %get3A_47] : memref<512x256xf32, #tpu.memory_space<vmem>>, vector<512x256xf32>
    %convert_element_type3A_49 = arith.truncf %get3A_48 : vector<512x256xf32> to vector<512x256xbf16>
    %dot_general3A_50 = arith.constant dense<0.000000e+00> : vector<16x256xf32>
    %dot_general3A_51 = tpu.matmul %convert_element_type3A_45, %convert_element_type3A_49, %dot_general3A_50 {dimension_numbers = #tpu.dot_dimension_numbers<[1], [0], [0], [1], [0, 0, 1, 1], [], []>, transpose_lhs_hint = false} : vector<16x512xbf16>, vector<512x256xbf16>, vector<16x256xf32> -> vector<16x256xf32>
    %get3A_52 = arith.constant 0 : index
    %get3A_53 = arith.constant 0 : index
    %get3A_54 = vector.load %arg7[%get3A_52, %get3A_53] : memref<1x256xf32, #tpu.memory_space<vmem>>, vector<1x256xf32>
    %add3A_55 = vector.broadcast %get3A_54 : vector<1x256xf32> to vector<16x256xf32>
    %add3A_56 = arith.addf %dot_general3A_51, %add3A_55 : vector<16x256xf32>
    %get3A_57 = arith.constant 0 : index
    %get3A_58 = arith.constant 0 : index
    %get3A_59 = vector.load %arg8[%get3A_57, %get3A_58] : memref<1x256xf32, #tpu.memory_space<vmem>>, vector<1x256xf32>
    %get3A_60 = arith.constant 0 : index
    %get3A_61 = arith.constant 0 : index
    %get3A_62 = vector.load %arg9[%get3A_60, %get3A_61] : memref<1x256xf32, #tpu.memory_space<vmem>>, vector<1x256xf32>
    %reduce_sum3A_63 = arith.constant dense<0.000000e+00> : vector<16xf32>
    %reduce_sum3A_64 = vector.multi_reduction <add>, %add3A_56, %reduce_sum3A_63 [1] : vector<16x256xf32> to vector<16xf32>
    %broadcast_in_dim3A_65 = vector.shape_cast %reduce_sum3A_64 : vector<16xf32> to vector<16x1xf32>
    %div3A_66 = arith.constant 2.560000e+02 : f32
    %div3A_67 = vector.broadcast %div3A_66 : f32 to vector<16x1xf32>
    %div3A_68 = arith.divf %broadcast_in_dim3A_65, %div3A_67 : vector<16x1xf32>
    %sub3A_69 = vector.broadcast %div3A_68 : vector<16x1xf32> to vector<16x256xf32>
    %sub3A_70 = arith.subf %add3A_56, %sub3A_69 : vector<16x256xf32>
    %integer_pow3A_71 = arith.mulf %sub3A_70, %sub3A_70 : vector<16x256xf32>
    %reduce_sum3A_72 = arith.constant dense<0.000000e+00> : vector<16xf32>
    %reduce_sum3A_73 = vector.multi_reduction <add>, %integer_pow3A_71, %reduce_sum3A_72 [1] : vector<16x256xf32> to vector<16xf32>
    %broadcast_in_dim3A_74 = vector.shape_cast %reduce_sum3A_73 : vector<16xf32> to vector<16x1xf32>
    %div3A_75 = arith.constant 2.560000e+02 : f32
    %div3A_76 = vector.broadcast %div3A_75 : f32 to vector<16x1xf32>
    %div3A_77 = arith.divf %broadcast_in_dim3A_74, %div3A_76 : vector<16x1xf32>
    %sub3A_78 = vector.broadcast %div3A_68 : vector<16x1xf32> to vector<16x256xf32>
    %sub3A_79 = arith.subf %add3A_56, %sub3A_78 : vector<16x256xf32>
    %add3A_80 = arith.constant 9.99999974E-6 : f32
    %add3A_81 = vector.broadcast %add3A_80 : f32 to vector<16x1xf32>
    %add3A_82 = arith.addf %div3A_77, %add3A_81 : vector<16x1xf32>
    %rsqrt3A_83 = math.rsqrt %add3A_82 : vector<16x1xf32>
    %mul3A_84 = vector.broadcast %rsqrt3A_83 : vector<16x1xf32> to vector<16x256xf32>
    %mul3A_85 = arith.mulf %sub3A_79, %mul3A_84 : vector<16x256xf32>
    %mul3A_86 = vector.broadcast %get3A_59 : vector<1x256xf32> to vector<16x256xf32>
    %mul3A_87 = arith.mulf %mul3A_85, %mul3A_86 : vector<16x256xf32>
    %add3A_88 = vector.broadcast %get3A_62 : vector<1x256xf32> to vector<16x256xf32>
    %add3A_89 = arith.addf %mul3A_87, %add3A_88 : vector<16x256xf32>
    %max3A_90 = arith.constant 0.000000e+00 : f32
    %max3A_91 = vector.broadcast %max3A_90 : f32 to vector<16x256xf32>
    %max3A_92 = arith.maximumf %add3A_89, %max3A_91 : vector<16x256xf32>
    %convert_element_type3A_93 = arith.truncf %max3A_92 : vector<16x256xf32> to vector<16x256xbf16>
    %get3A_94 = arith.constant 0 : index
    %get3A_95 = arith.constant 0 : index
    %get3A_96 = vector.load %arg10[%get3A_94, %get3A_95] : memref<256x128xf32, #tpu.memory_space<vmem>>, vector<256x128xf32>
    %convert_element_type3A_97 = arith.truncf %get3A_96 : vector<256x128xf32> to vector<256x128xbf16>
    %dot_general3A_98 = arith.constant dense<0.000000e+00> : vector<16x128xf32>
    %dot_general3A_99 = tpu.matmul %convert_element_type3A_93, %convert_element_type3A_97, %dot_general3A_98 {dimension_numbers = #tpu.dot_dimension_numbers<[1], [0], [0], [1], [0, 0, 1, 1], [], []>, transpose_lhs_hint = false} : vector<16x256xbf16>, vector<256x128xbf16>, vector<16x128xf32> -> vector<16x128xf32>
    %get3A_100 = arith.constant 0 : index
    %get3A_101 = arith.constant 0 : index
    %get3A_102 = vector.load %arg11[%get3A_100, %get3A_101] : memref<1x128xf32, #tpu.memory_space<vmem>>, vector<1x128xf32>
    %add3A_103 = vector.broadcast %get3A_102 : vector<1x128xf32> to vector<16x128xf32>
    %add3A_104 = arith.addf %dot_general3A_99, %add3A_103 : vector<16x128xf32>
    %swap3A = arith.constant 0 : index
    %swap3A_105 = arith.constant 0 : index
    %swap3A_106 = vector.load %arg12[%swap3A, %swap3A_105] : memref<16x128xf32, #tpu.memory_space<vmem>>, vector<16x128xf32>
    tpu.vector_store %arg12[%swap3A, %swap3A_105], %add3A_104 {strides = array<i32>} : memref<16x128xf32, #tpu.memory_space<vmem>>, vector<16x128xf32>,
    return
  }
}

</mosaic_0001>

<sc_bundles>
// kernel: kernel.15.cloned.1.call-start
scs
__scs_entry_jumppad:
0x0: {  	(pc) =	sbr.rel $0x88, $3  }
0x1: {  	(tag) =	ssettag $0x0;
	lr =	simm.s32 $0x1  }
0x2: {  	[smem:$0x3F7C] =	sst lr;
	_ =	strace $0xD0000000  }
0x3: {  	_ = 	snop  }
0x4: {  	_ = 	snop  }
0x5: {  	_ = 	snop  }
0x6: {  	_ = 	snop  }
0x7: {  	_ = 	snop  }
__scs_overlays_trampoline_lowered:
0x8: {  	[smem:$0x3F8B] =	sst s0  }
0x9: {  	[smem:$0x3F8C] =	sst s1  }
0xa: {  	[smem:$0x3F8D] =	sst s2  }
0xb: {  	[smem:$0x3F8E] =	sst s3  }
0xc: {  	[smem:$0x3F8F] =	sst s4  }
0xd: {  	[smem:$0x3F90] =	sst s5  }
0xe: {  	[smem:$0x3F91] =	sst s6  }
0xf: {  	[smem:$0x3F92] =	sst s7  }
0x10: {  	[smem:$0x3F93] =	sst s8  }
0x11: {  	[smem:$0x3F94] =	sst s9;
	s0 =	simm.s32 @!p0 $0x0  }
0x12: {  	s1 =	sld [smem:$0x3F7A];
	s0 =	simm.s32 @p0 $0x1  }
0x13: {  	[smem:$0x3F95] =	sst s0;
	s0 =	simm.s32 @!p1 $0x0  }
0x14: {  	s2 =	sld [smem:$0x3F79];
	s0 =	simm.s32 @p1 $0x1  }
0x15: {  	[smem:$0x3F96] =	sst s0;
	s0 =	simm.s32 @!p2 $0x0  }
0x16: {  	s3 =	sld [smem:$0x3FDB];
	s0 =	simm.s32 @p2 $0x1  }
0x17: {  	s4 =	simm.s32 $0x1BF5;
	[smem:$0x3F98] =	sst s0  }
0x18: {  	s0 =	sld [smem:$0x3F7B];
	_ =	swait.ge [sflag:s4], $0x0  }
0x19: {  	s7 =	sld [smem:$0x3F7C]  }
0x1a: {  	s8 =	sadd.s32 $0xFFFFE003, lr  }
0x1b: {  	s9 =	sadd.s32 $0xFFFFFEF7, lr;
	s5 =	simm.s32 $0xFFFFFFFF;
	p2 =	slt.u32 s8, $0xFFFFF086  }
0x1c: {  	p1 =	slt.u32 s9, $0xF7A;
	s5 =	simm.s32 @!p2 $0x0  }
0x1d: {  	s5 =	simm.s32 @p1 $0x1;
	p0 =	seq.s32 s7, s2  }
0x1e: {  	s7 =	smul.u32 @!p0 $0xF7A, s2;
	p2 =	seq.s32 @!p0 s5, $0x0  }
0x1f: {  	s9 =	smul.u32 $0xF7A, s1;
	s8 =	simm.s32 @!p0 $0x1BF5;
	p2 =	por !p2, p0  }
0x20: {  	[sflag:s8] =	ssyncset.s32 @!p0 $0xFFFFF086;
	s6 =	sadd.s32 @!p0 s3, s7;
	s7 =	simm.s32 @!p0 $0x108  }
0x21: {  	s3 =	sadd.s32 s3, s9;
	s6 =	sadd.s32 @!p0 $0x88, s6;
	s7 =	simm.s32 @p2 $0x1082  }
0x22: {  	[simem:s7], [sflag:s8] =	dma.local @!p0 [hbm:s6], $0xF7A  }
0x23: {  	s9 =	sor.u32 $0xD0000000, s2;
	s6 =	simm.s32 $0x108;
	_ =	swait.ge @!p0 [sflag:s8], $0x0  }
0x24: {  	s3 =	sadd.s32 $0x88, s3;
	s6 =	simm.s32 @!p1 $0x1082;
	[sflag:s4] =	ssyncset.s32 $0xFFFFF086  }
0x25: {  	[simem:s6], [sflag:s4] =	dma.local [hbm:s3], $0xF7A  }
0x26: {  	[smem:$0x3F7C] =	sst s1;
	(tag) =	ssettag s2;
	_ =	strace s9  }
0x27: {  	s1 =	sld [smem:$0x3F8C]  }
0x28: {  	s2 =	sld [smem:$0x3F8D]  }
0x29: {  	s4 =	sld [smem:$0x3F8F]  }
0x2a: {  	p0 =	seq.s32 s5, $0x0;
	s5 =	sld [smem:$0x3F90]  }
0x2b: {  	s6 =	sld [smem:$0x3F91]  }
0x2c: {  	s7 =	sld [smem:$0x3F92]  }
0x2d: {  	s3 =	simm.s32 $0x108;
	s8 =	sld [smem:$0x3F93]  }
0x2e: {  	s3 =	simm.s32 @!p0 $0x1082;
	s9 =	sld [smem:$0x3F94]  }
0x2f: {  	lr =	sadd.s32 s0, s3;
	s0 =	sld [smem:$0x3F8B]  }
0x30: {  	s3 =	sld [smem:$0x3F8E]  }
0x31: {  	[smem:$0x3F97] =	sst s10  }
0x32: {  	s10 =	sld [smem:$0x3F95];
	_ =	sdelay $0x3  }
0x33: {  	p0 =	seq.s32 s10, $0x1;
	s10 =	sld [smem:$0x3F97];
	_ =	sdelay $0x3  }
0x34: {  	[smem:$0x3F97] =	sst s10  }
0x35: {  	s10 =	sld [smem:$0x3F96];
	_ =	sdelay $0x3  }
0x36: {  	p1 =	seq.s32 s10, $0x1;
	s10 =	sld [smem:$0x3F97];
	_ =	sdelay $0x3  }
0x37: {  	[smem:$0x3F97] =	sst s10  }
0x38: {  	s10 =	sld [smem:$0x3F98]  }
0x39: {  	_ = 	snop;
	(pc) =	sbr.ind lr, $3  }
0x3a: {  	_ = 	snop  }
0x3b: {  	_ = 	snop  }
0x3c: {  	p2 =	seq.s32 s10, $0x1;
	s10 =	sld [smem:$0x3F97]  }
0x3d: {  	_ =	shalt  }
0x3e: {  	_ =	shalt  }
0x3f: {  	_ =	shalt  }
0x40: {  	_ =	shalt  }
0x41: {  	_ =	shalt  }
0x42: {  	_ =	shalt  }
0x43: {  	_ =	shalt  }
0x44: {  	_ =	shalt  }
0x45: {  	_ =	shalt  }
0x46: {  	_ =	shalt  }
0x47: {  	_ =	shalt  }
0x48: {  	_ =	shalt  }
0x49: {  	_ =	shalt  }
0x4a: {  	_ =	shalt  }
0x4b: {  	_ =	shalt  }
0x4c: {  	_ =	shalt  }
0x4d: {  	_ =	shalt  }
0x4e: {  	_ =	shalt  }
0x4f: {  	_ =	shalt  }
0x50: {  	_ =	shalt  }
0x51: {  	_ =	shalt  }
0x52: {  	_ =	shalt  }
0x53: {  	_ =	shalt  }
0x54: {  	_ =	shalt  }
0x55: {  	_ =	shalt  }
0x56: {  	_ =	shalt  }
0x57: {  	_ =	shalt  }
0x58: {  	_ =	shalt  }
0x59: {  	_ =	shalt  }
0x5a: {  	_ =	shalt  }
0x5b: {  	_ =	shalt  }
0x5c: {  	_ =	shalt  }
0x5d: {  	_ =	shalt  }
0x5e: {  	_ =	shalt  }
0x5f: {  	_ =	shalt  }
0x60: {  	_ =	shalt  }
0x61: {  	_ =	shalt  }
0x62: {  	_ =	shalt  }
0x63: {  	_ =	shalt  }
0x64: {  	_ =	shalt  }
0x65: {  	_ =	shalt  }
0x66: {  	_ =	shalt  }
0x67: {  	_ =	shalt  }
0x68: {  	_ =	shalt  }
0x69: {  	_ =	shalt  }
0x6a: {  	_ =	shalt  }
0x6b: {  	_ =	shalt  }
0x6c: {  	_ =	shalt  }
0x6d: {  	_ =	shalt  }
0x6e: {  	_ =	shalt  }
0x6f: {  	_ =	shalt  }
0x70: {  	_ =	shalt  }
0x71: {  	_ =	shalt  }
0x72: {  	_ =	shalt  }
0x73: {  	_ =	shalt  }
0x74: {  	_ =	shalt  }
0x75: {  	_ =	shalt  }
0x76: {  	_ =	shalt  }
0x77: {  	_ =	shalt  }
0x78: {  	_ =	shalt  }
0x79: {  	_ =	shalt  }
0x7a: {  	_ =	shalt  }
0x7b: {  	_ =	shalt  }
0x7c: {  	_ =	shalt  }
0x7d: {  	_ =	shalt  }
0x7e: {  	_ =	shalt  }
0x7f: {  	_ =	shalt  }
0x80: {  	_ =	shalt  }
0x81: {  	_ =	shalt  }
0x82: {  	_ =	shalt  }
0x83: {  	_ =	shalt  }
0x84: {  	_ =	shalt  }
0x85: {  	_ =	shalt  }
0x86: {  	_ =	shalt  }
0x87: {  	_ =	shalt  }
.Lfunc_end0:
.L_simem_size_0:
called_computation_lowered:
.L_overlay_start_0:
0x88: {  	s2 =	sld [smem:$0x3FD9]  }
0x89: {  	s3 =	sld [smem:$0x3FFE];
	_ =	sdelay $0x1  }
0x8a: {  	s1 =	srdreg.scid  }
0x8b: {  	s0 =	sand.u32 $0x1, s1  }
0x8c: {  	s17 =	sshll.u32 s0, $0xA;
	s2 =	sadd.s32 s3, s2  }
0x8d: {  	s2 =	sadd.s32 s2, s17  }
0x8e: {  	[smem:$0x3FA3] =	sst s2  }
0x8f: {  	_ = 	snop  }
0x90: {  	s2 =	sld [smem:$0x3FC1]  }
0x91: {  	s18 =	sld [smem:$0x3FD0];
	(tm) =	ssettm $0x1  }
0x92: {  	s4 =	sld [smem:$0x3FFB];
	_ =	sdelay $0x3  }
0x93: {  	_ =	strace s4  }
0x94: {  	s4 =	sld [smem:$0x3FFC];
	_ =	sdelay $0x3  }
0x95: {  	_ =	strace s4  }
0x96: {  	s4 =	sld [smem:$0x3FFD];
	_ =	sdelay $0x3  }
0x97: {  	_ =	strace s4  }
0x98: {  	_ =	strace $0x8FFFFFFF  }
0x99: {  	s19 =	sld [smem:$0x3FDB];
	_ =	sdelay $0x1  }
0x9a: {  	s5 =	simm.s32 $_scs_section_size  }
0x9b: {  	s6 =	simm.s32 $_size__tile_overlayer_lowered;
	s7 =	simm.s32 $_tile_overlayer_lowered  }
0x9c: {  	s22 =	simm.s32 $0x1BFF;
	s21 =	sshll.u32 s7, $0x1;
	s4 =	sadd.s32 s5, s19  }
0x9d: {  	s8 =	simm.s32 $0x0;
	s20 =	sshll.u32 s6, $0x1;
	s6 =	sadd.s32 s21, s4  }
0x9e: {  	[timem:s8], [sflag:s22] =	dma.local [hbm:s6], s20  }
0x9f: {  	_ =	swait.ge [sflag:s22], s20  }
0xa0: {  	s5 =	ssub.s32 $0x0, s20;
	[sflag:s22] =	ssyncset.done $0x0  }
0xa1: {  	[sflag:s22] =	ssyncadd.s32 s5;
	_ =	sdelay $0x1  }
0xa2: {  	s23 =	simm.s32 $0x1B8B  }
0xa3: {  	_ =	swait.ge [sflag:s23], $0x1  }
0xa4: {  	[sflag:s23] =	ssyncset.done $0x0  }
0xa5: {  	s25 =	simm.s32 $0x1B8E;
	s24 =	sld [smem:$0x3FFE];
	[sflag:s23] =	ssyncadd.s32 $0xFFFFFFFF  }
0xa6: {  	s26 =	simm.s32 $execute0_lowered;
	[smem:$0x3FD2] =	sst s25  }
0xa7: {  	s6 =	sshll.u32 s26, $0x1;
	_ =	strace $0x80000046;
	[dreg:$0x1] =	wrdreg $0xFFFFFFFF  }
0xa8: {  	s28 =	simm.s32 $_size_execute0_lowered;
	s4 =	sadd.s32 s4, s6;
	[dreg:$0x0] =	wrdreg $0x0  }
0xa9: {  	s6 =	sshll.u32 s28, $0x1;
	[dreg:$0x2] =	wrdreg s4  }
0xaa: {  	[dreg:$0x3] =	wrdreg s6  }
0xab: {  	[dreg:$0x4] =	wrdreg $0xC0  }
0xac: {  	_ =	task [dreg:s8], $0x5FFFF  }
0xad: {  	[dreg:$0x1] =	wrdreg $0xFFFFFFFF  }
0xae: {  	[dreg:$0x0] =	wrdreg $0x60  }
0xaf: {  	[dreg:$0x2] =	wrdreg s2  }
0xb0: {  	[dreg:$0x3] =	wrdreg s24  }
0xb1: {  	[dreg:$0x4] =	wrdreg s18  }
0xb2: {  	[dreg:$0x5] =	wrdreg $0x9  }
0xb3: {  	_ =	task.clear_ibuf [dreg:s8], $0x6FFFF;
	_ =	strace $0x90000046  }
0xb4: {  	s29 =	simm.s32 $0x9;
	_ =	strace $0x80000048  }
0xb5: {  	_ =	swait.ge [sflag:s29], $0x1  }
0xb6: {  	[sflag:s29] =	ssyncadd.s32 $0xFFFFFFFF  }
0xb7: {  	_ =	strace $0x90000048  }
0xb8: {  	_ =	sfence  }
0xb9: {  	s30 =	sld [smem:$0x0];
	_ =	sdelay $0x2  }
0xba: {  	s31 =	sshll.u32 s1, $0xD;
	s1 =	sshrl.u32 s1, $0x2  }
0xbb: {  	s3 =	sand.u32 $0x4000, s31;
	s1 =	sadd.s32 s1, s30  }
0xbc: {  	s0 =	sor.u32 s3, s0;
	s1 =	sshll.u32 s1, $0x11  }
0xbd: {  	s0 =	sor.u32 s1, s0  }
0xbe: {  	s0 =	sadd.s32 $0x8F2B, s0  }
0xbf: {  	[sflag:s0] =	ssyncadd.remote.s32 $0x1  }
0xc0: {  	_ =	sfence.sel $0xFFFF  }
0xc1: {  	[dreg:$0x0] =	wrdreg $0xFFFFFFFF;
	(pc) =	sbr.abs _section_cstart, $3  }
0xc2: {  	[dreg:$0x1] =	wrdreg $0xFFFFFFFF  }
0xc3: {  	_ =	task.clear_ibuf [dreg:s8], $0x2FFFF;
	_ =	strace $0x9FFFFFFF  }
0xc4: {  	(tm) =	ssettm $0x7FFFFFFF  }
0xc5: {  	_ =	shalt  }
tec
execute0_lowered:
.L_overlay_start_1:
0x0: {  	(tag) =	ssettag $0x1  }
0x1: {  	s1 =	rddreg [dreg:$0x0]  }
0x2: {  	s2 =	srdreg.scid;
	s8 =	rddreg [dreg:$0x1]  }
0x3: {  	s0 =	stileid.u32;
	s4 =	rddreg [dreg:$0x2];
	s6 =	sand.u32 $0x1, s2  }
0x4: {  	s3 =	sshll.u32 s0, $0x8;
	s2 =	rddreg [dreg:$0x3];
	s5 =	sshll.u32 s6, $0x7  }
0x5: {  	p0 =	slt.u32 s0, $0x8;
	s10 =	ssub.s32 $0x2, s6;
	s9 =	sor.u32 s5, s3  }
0x6: {  	s6 =	simm.s32 $0x80;
	s5 =	sshrl.u32 s9, $0x3;
	s7 =	sadd.s32 $0xFFFFF800, s9  }
0x7: {  	s3 =	simm.s32 $0x0;
	s5 =	sadd.s32 s5, s8;
	s7 =	sshrl.u32 s7, $0x3  }
0x8: {  	[smem:$0x7FF] =	sst s3;
	s4 =	sadd.s32 s4, s7;
	s5 =	sadd.s32 $0x9600, s5  }
0x9: {  	_ =	strace $0x80000047;
	s4 =	smov.u32 @p0 s5;
	s5 =	simm.s32 $0x2  }
0xa: {  	[tilespmem:s3], [sflag:$0x2] =	stream.linear.gather [hbm4b:s4+s3], $0x80, $0x38;
	[tilespmem:$0x4080] =	vst v63  }
0xb: {  	s11 =	sshrl.u32 s10, $0x1;
	s9 =	sshll.u32 s9, $0x4;
	_ =	swait.ge [sflag:s5], $0x80  }
0xc: {  	s31 =	ssub.s32 s10, s11;
	s8 =	sadd.s32 s9, s8;
	[sflag:s5] =	ssyncset.done $0x0  }
0xd: {  	s9 =	smax.u32 s31, $0x1;
	s7 =	simm.s32 $0x1;
	[sflag:s5] =	ssyncadd.s32 $0xFFFFFF80  }
0xe: {  	[tilespmem:s6], [sflag:$0x1] =	stream.indirect.gather [hbm4b:s1+s6], $0x80, s3, s6, $0xb8;
	[tilespmem:$0x4080] =	vst v63  }
0xf: {  	p0 =	sne.s32 s9, $0x1;
	_ =	swait.ge [sflag:s7], $0x4000  }
.Ltmp0:
0x10: {  	[sflag:s7] =	ssyncset.done $0x0;
	(pc) =	sbr.rel @!p0 .LBB2_2-.Ltmp0, $4  }
0x11: {  	s8 =	sadd.s32 $0x9800, s8;
	[sflag:s7] =	ssyncadd.s32 $0xFFFFC000  }
0x12: {  	[hbm4b:s8+s3] =	stream.linear.scatter [tilespmem:s6], [sflag:$0x2], $0x4000, $0x38;
	[tilespmem:$0x4080] =	vst v63  }
0x13: {  	_ =	swait.ge [sflag:s5], $0x4000  }
0x14: {  	s9 =	sadd.s32 $0xFFFFFFFF, s9;
	[sflag:s5] =	ssyncset.done $0x0  }
.LBB2_1:
0x15: {  	p0 =	sne.s32 s9, $0x1;
	s9 =	sadd.s32 $0xFFFFFFFF, s9;
	[sflag:s5] =	ssyncadd.s32 $0xFFFFC000  }
0x16: {  	[tilespmem:s3], [sflag:$0x2] =	stream.linear.gather [hbm4b:s4+s3], $0x80, $0x38;
	[tilespmem:$0x4080] =	vst v63  }
0x17: {  	_ =	swait.ge [sflag:s5], $0x80  }
0x18: {  	[sflag:s5] =	ssyncset.done $0x0  }
0x19: {  	[sflag:s5] =	ssyncadd.s32 $0xFFFFFF80  }
0x1a: {  	[tilespmem:s6], [sflag:$0x1] =	stream.indirect.gather [hbm4b:s1+s6], $0x80, s3, s6, $0xb8;
	[tilespmem:$0x4080] =	vst v63  }
0x1b: {  	_ =	swait.ge [sflag:s7], $0x4000  }
.Ltmp1:
0x1c: {  	[sflag:s7] =	ssyncset.done $0x0;
	(pc) =	sbr.rel @p0 .LBB2_1-.Ltmp1, $4  }
0x1d: {  	[sflag:s7] =	ssyncadd.s32 $0xFFFFC000  }
0x1e: {  	[hbm4b:s8+s3] =	stream.linear.scatter [tilespmem:s6], [sflag:$0x2], $0x4000, $0x38;
	[tilespmem:$0x4080] =	vst v63  }
0x1f: {  	_ =	swait.ge [sflag:s5], $0x4000  }
0x20: {  	[sflag:s5] =	ssyncset.done $0x0  }
.LBB2_2:
0x21: {  	[sflag:s5] =	ssyncadd.s32 $0xFFFFC000  }
0x22: {  	_ =	sfence.sel $0x180000  }
0x23: {  	[bflag:$0x0] =	sbarrier.arrive $0xFFFF  }
0x24: {  	p0 =	sne.s32 s0, $0x0;
	_ =	strace $0x90000047  }
0x25: {  	s0 =	sadd.s32 @!p0 $0x100000, s2;
	[bflag:$0x2] =	sbarrier.arrive $0xFFFF  }
0x26: {  	[sflag:s0] =	ssyncadd.tile.s32 @!p0 $0x1;
	_ =	shalt  }
.Lfunc_end2:
_tile_overlayer_lowered:
.L_overlay_start_2:
0x27: {  	(tag) =	ssettag $0x2  }
0x28: {  	s0 =	rddreg [dreg:$0x0];
	s2 =	stileid.u32  }
0x29: {  	s1 =	rddreg [dreg:$0x1];
	p0 =	sne.s32 s2, $0x0  }
0x2a: {  	s3 =	rddreg [dreg:$0x2];
	[bflag:$0x3] =	sbarrier.arrive $0xFFFF;
	s2 =	simm.s32 @!p0 $0x1C02  }
0x2b: {  	[timem:s3], [sflag:s2] =	dma.local @!p0 [hbm:s0], s1  }
0x2c: {  	s0 =	simm.s32 @!p0 $0x2  }
0x2d: {  	_ =	swait.ge @!p0 [sflag:s0], s1  }
0x2e: {  	s1 =	ssub.s32 @!p0 $0x0, s1;
	[sflag:s0] =	ssyncset.done @!p0 $0x0  }
0x2f: {  	[sflag:s0] =	ssyncadd.s32 @!p0 s1  }
0x30: {  	[bflag:$0x3] =	sbarrier.arrive $0xFFFF  }
0x31: {  	_ =	shalt  }

// kernel: kernel.18.cloned.1.call-start
scs
__scs_entry_jumppad:
0x0: {  	(pc) =	sbr.rel $0x88, $3  }
0x1: {  	(tag) =	ssettag $0x0;
	lr =	simm.s32 $0x1  }
0x2: {  	[smem:$0x3F7C] =	sst lr;
	_ =	strace $0xD0000000  }
0x3: {  	_ = 	snop  }
0x4: {  	_ = 	snop  }
0x5: {  	_ = 	snop  }
0x6: {  	_ = 	snop  }
0x7: {  	_ = 	snop  }
__scs_overlays_trampoline_lowered:
0x8: {  	[smem:$0x3F8B] =	sst s0  }
0x9: {  	[smem:$0x3F8C] =	sst s1  }
0xa: {  	[smem:$0x3F8D] =	sst s2  }
0xb: {  	[smem:$0x3F8E] =	sst s3  }
0xc: {  	[smem:$0x3F8F] =	sst s4  }
0xd: {  	[smem:$0x3F90] =	sst s5  }
0xe: {  	[smem:$0x3F91] =	sst s6  }
0xf: {  	[smem:$0x3F92] =	sst s7  }
0x10: {  	[smem:$0x3F93] =	sst s8  }
0x11: {  	[smem:$0x3F94] =	sst s9;
	s0 =	simm.s32 @!p0 $0x0  }
0x12: {  	s1 =	sld [smem:$0x3F7A];
	s0 =	simm.s32 @p0 $0x1  }
0x13: {  	[smem:$0x3F95] =	sst s0;
	s0 =	simm.s32 @!p1 $0x0  }
0x14: {  	s2 =	sld [smem:$0x3F79];
	s0 =	simm.s32 @p1 $0x1  }
0x15: {  	[smem:$0x3F96] =	sst s0;
	s0 =	simm.s32 @!p2 $0x0  }
0x16: {  	s3 =	sld [smem:$0x3FDB];
	s0 =	simm.s32 @p2 $0x1  }
0x17: {  	s4 =	simm.s32 $0x1BF5;
	[smem:$0x3F98] =	sst s0  }
0x18: {  	s0 =	sld [smem:$0x3F7B];
	_ =	swait.ge [sflag:s4], $0x0  }
0x19: {  	s7 =	sld [smem:$0x3F7C]  }
0x1a: {  	s8 =	sadd.s32 $0xFFFFE003, lr  }
0x1b: {  	s9 =	sadd.s32 $0xFFFFFEF7, lr;
	s5 =	simm.s32 $0xFFFFFFFF;
	p2 =	slt.u32 s8, $0xFFFFF086  }
0x1c: {  	p1 =	slt.u32 s9, $0xF7A;
	s5 =	simm.s32 @!p2 $0x0  }
0x1d: {  	s5 =	simm.s32 @p1 $0x1;
	p0 =	seq.s32 s7, s2  }
0x1e: {  	s7 =	smul.u32 @!p0 $0xF7A, s2;
	p2 =	seq.s32 @!p0 s5, $0x0  }
0x1f: {  	s9 =	smul.u32 $0xF7A, s1;
	s8 =	simm.s32 @!p0 $0x1BF5;
	p2 =	por !p2, p0  }
0x20: {  	[sflag:s8] =	ssyncset.s32 @!p0 $0xFFFFF086;
	s6 =	sadd.s32 @!p0 s3, s7;
	s7 =	simm.s32 @!p0 $0x108  }
0x21: {  	s3 =	sadd.s32 s3, s9;
	s6 =	sadd.s32 @!p0 $0x88, s6;
	s7 =	simm.s32 @p2 $0x1082  }
0x22: {  	[simem:s7], [sflag:s8] =	dma.local @!p0 [hbm:s6], $0xF7A  }
0x23: {  	s9 =	sor.u32 $0xD0000000, s2;
	s6 =	simm.s32 $0x108;
	_ =	swait.ge @!p0 [sflag:s8], $0x0  }
0x24: {  	s3 =	sadd.s32 $0x88, s3;
	s6 =	simm.s32 @!p1 $0x1082;
	[sflag:s4] =	ssyncset.s32 $0xFFFFF086  }
0x25: {  	[simem:s6], [sflag:s4] =	dma.local [hbm:s3], $0xF7A  }
0x26: {  	[smem:$0x3F7C] =	sst s1;
	(tag) =	ssettag s2;
	_ =	strace s9  }
0x27: {  	s1 =	sld [smem:$0x3F8C]  }
0x28: {  	s2 =	sld [smem:$0x3F8D]  }
0x29: {  	s4 =	sld [smem:$0x3F8F]  }
0x2a: {  	p0 =	seq.s32 s5, $0x0;
	s5 =	sld [smem:$0x3F90]  }
0x2b: {  	s6 =	sld [smem:$0x3F91]  }
0x2c: {  	s7 =	sld [smem:$0x3F92]  }
0x2d: {  	s3 =	simm.s32 $0x108;
	s8 =	sld [smem:$0x3F93]  }
0x2e: {  	s3 =	simm.s32 @!p0 $0x1082;
	s9 =	sld [smem:$0x3F94]  }
0x2f: {  	lr =	sadd.s32 s0, s3;
	s0 =	sld [smem:$0x3F8B]  }
0x30: {  	s3 =	sld [smem:$0x3F8E]  }
0x31: {  	[smem:$0x3F97] =	sst s10  }
0x32: {  	s10 =	sld [smem:$0x3F95];
	_ =	sdelay $0x3  }
0x33: {  	p0 =	seq.s32 s10, $0x1;
	s10 =	sld [smem:$0x3F97];
	_ =	sdelay $0x3  }
0x34: {  	[smem:$0x3F97] =	sst s10  }
0x35: {  	s10 =	sld [smem:$0x3F96];
	_ =	sdelay $0x3  }
0x36: {  	p1 =	seq.s32 s10, $0x1;
	s10 =	sld [smem:$0x3F97];
	_ =	sdelay $0x3  }
0x37: {  	[smem:$0x3F97] =	sst s10  }
0x38: {  	s10 =	sld [smem:$0x3F98]  }
0x39: {  	_ = 	snop;
	(pc) =	sbr.ind lr, $3  }
0x3a: {  	_ = 	snop  }
0x3b: {  	_ = 	snop  }
0x3c: {  	p2 =	seq.s32 s10, $0x1;
	s10 =	sld [smem:$0x3F97]  }
0x3d: {  	_ =	shalt  }
0x3e: {  	_ =	shalt  }
0x3f: {  	_ =	shalt  }
0x40: {  	_ =	shalt  }
0x41: {  	_ =	shalt  }
0x42: {  	_ =	shalt  }
0x43: {  	_ =	shalt  }
0x44: {  	_ =	shalt  }
0x45: {  	_ =	shalt  }
0x46: {  	_ =	shalt  }
0x47: {  	_ =	shalt  }
0x48: {  	_ =	shalt  }
0x49: {  	_ =	shalt  }
0x4a: {  	_ =	shalt  }
0x4b: {  	_ =	shalt  }
0x4c: {  	_ =	shalt  }
0x4d: {  	_ =	shalt  }
0x4e: {  	_ =	shalt  }
0x4f: {  	_ =	shalt  }
0x50: {  	_ =	shalt  }
0x51: {  	_ =	shalt  }
0x52: {  	_ =	shalt  }
0x53: {  	_ =	shalt  }
0x54: {  	_ =	shalt  }
0x55: {  	_ =	shalt  }
0x56: {  	_ =	shalt  }
0x57: {  	_ =	shalt  }
0x58: {  	_ =	shalt  }
0x59: {  	_ =	shalt  }
0x5a: {  	_ =	shalt  }
0x5b: {  	_ =	shalt  }
0x5c: {  	_ =	shalt  }
0x5d: {  	_ =	shalt  }
0x5e: {  	_ =	shalt  }
0x5f: {  	_ =	shalt  }
0x60: {  	_ =	shalt  }
0x61: {  	_ =	shalt  }
0x62: {  	_ =	shalt  }
0x63: {  	_ =	shalt  }
0x64: {  	_ =	shalt  }
0x65: {  	_ =	shalt  }
0x66: {  	_ =	shalt  }
0x67: {  	_ =	shalt  }
0x68: {  	_ =	shalt  }
0x69: {  	_ =	shalt  }
0x6a: {  	_ =	shalt  }
0x6b: {  	_ =	shalt  }
0x6c: {  	_ =	shalt  }
0x6d: {  	_ =	shalt  }
0x6e: {  	_ =	shalt  }
0x6f: {  	_ =	shalt  }
0x70: {  	_ =	shalt  }
0x71: {  	_ =	shalt  }
0x72: {  	_ =	shalt  }
0x73: {  	_ =	shalt  }
0x74: {  	_ =	shalt  }
0x75: {  	_ =	shalt  }
0x76: {  	_ =	shalt  }
0x77: {  	_ =	shalt  }
0x78: {  	_ =	shalt  }
0x79: {  	_ =	shalt  }
0x7a: {  	_ =	shalt  }
0x7b: {  	_ =	shalt  }
0x7c: {  	_ =	shalt  }
0x7d: {  	_ =	shalt  }
0x7e: {  	_ =	shalt  }
0x7f: {  	_ =	shalt  }
0x80: {  	_ =	shalt  }
0x81: {  	_ =	shalt  }
0x82: {  	_ =	shalt  }
0x83: {  	_ =	shalt  }
0x84: {  	_ =	shalt  }
0x85: {  	_ =	shalt  }
0x86: {  	_ =	shalt  }
0x87: {  	_ =	shalt  }
.Lfunc_end0:
.L_simem_size_0:
called_computation.1_lowered:
.L_overlay_start_0:
0x88: {  	s2 =	sld [smem:$0x3FD9]  }
0x89: {  	s3 =	sld [smem:$0x3FFE];
	_ =	sdelay $0x1  }
0x8a: {  	s1 =	srdreg.scid  }
0x8b: {  	s0 =	sand.u32 $0x1, s1  }
0x8c: {  	s17 =	sshll.u32 s0, $0xA;
	s2 =	sadd.s32 s3, s2  }
0x8d: {  	s2 =	sadd.s32 s2, s17  }
0x8e: {  	[smem:$0x3FA3] =	sst s2  }
0x8f: {  	_ = 	snop  }
0x90: {  	s2 =	sld [smem:$0x3FD0];
	(tm) =	ssettm $0x1  }
0x91: {  	s18 =	sld [smem:$0x3FFB];
	_ =	sdelay $0x3  }
0x92: {  	_ =	strace s18  }
0x93: {  	s3 =	sld [smem:$0x3FFC];
	_ =	sdelay $0x3  }
0x94: {  	_ =	strace s3  }
0x95: {  	s3 =	sld [smem:$0x3FFD];
	_ =	sdelay $0x3  }
0x96: {  	_ =	strace s3  }
0x97: {  	_ =	strace $0x8FFFFFFF  }
0x98: {  	s19 =	sld [smem:$0x3FDB];
	_ =	sdelay $0x1  }
0x99: {  	s4 =	simm.s32 $_scs_section_size  }
0x9a: {  	s5 =	simm.s32 $_size__tile_overlayer_lowered;
	s6 =	simm.s32 $_tile_overlayer_lowered  }
0x9b: {  	s22 =	simm.s32 $0x1BFF;
	s21 =	sshll.u32 s6, $0x1;
	s3 =	sadd.s32 s4, s19  }
0x9c: {  	s7 =	simm.s32 $0x0;
	s20 =	sshll.u32 s5, $0x1;
	s5 =	sadd.s32 s21, s3  }
0x9d: {  	[timem:s7], [sflag:s22] =	dma.local [hbm:s5], s20  }
0x9e: {  	_ =	swait.ge [sflag:s22], s20  }
0x9f: {  	s4 =	ssub.s32 $0x0, s20;
	[sflag:s22] =	ssyncset.done $0x0  }
0xa0: {  	[sflag:s22] =	ssyncadd.s32 s4;
	_ =	sdelay $0x1  }
0xa1: {  	s23 =	simm.s32 $0x1B8B  }
0xa2: {  	_ =	swait.ge [sflag:s23], $0x1  }
0xa3: {  	[sflag:s23] =	ssyncset.done $0x0  }
0xa4: {  	s25 =	simm.s32 $0x1B8E;
	s24 =	sld [smem:$0x3FFE];
	[sflag:s23] =	ssyncadd.s32 $0xFFFFFFFF  }
0xa5: {  	s26 =	simm.s32 $execute0_lowered;
	[smem:$0x3FD2] =	sst s25  }
0xa6: {  	s5 =	sshll.u32 s26, $0x1;
	_ =	strace $0x80000049;
	[dreg:$0x1] =	wrdreg $0xFFFFFFFF  }
0xa7: {  	s28 =	simm.s32 $_size_execute0_lowered;
	s3 =	sadd.s32 s3, s5;
	[dreg:$0x0] =	wrdreg $0x0  }
0xa8: {  	s5 =	sshll.u32 s28, $0x1;
	[dreg:$0x2] =	wrdreg s3  }
0xa9: {  	[dreg:$0x3] =	wrdreg s5  }
0xaa: {  	[dreg:$0x4] =	wrdreg $0xC0  }
0xab: {  	_ =	task [dreg:s7], $0x5FFFF  }
0xac: {  	[dreg:$0x1] =	wrdreg $0xFFFFFFFF  }
0xad: {  	[dreg:$0x0] =	wrdreg $0x60  }
0xae: {  	[dreg:$0x2] =	wrdreg s24  }
0xaf: {  	[dreg:$0x3] =	wrdreg s2  }
0xb0: {  	[dreg:$0x4] =	wrdreg $0x61000  }
0xb1: {  	[dreg:$0x5] =	wrdreg $0x9  }
0xb2: {  	_ =	task.clear_ibuf [dreg:s7], $0x6FFFF;
	_ =	strace $0x90000049  }
0xb3: {  	s29 =	simm.s32 $0x9;
	_ =	strace $0x8000004B  }
0xb4: {  	_ =	swait.ge [sflag:s29], $0x1  }
0xb5: {  	[sflag:s29] =	ssyncadd.s32 $0xFFFFFFFF  }
0xb6: {  	_ =	strace $0x9000004B  }
0xb7: {  	_ =	sfence  }
0xb8: {  	s30 =	sld [smem:$0x0];
	_ =	sdelay $0x2  }
0xb9: {  	s31 =	sshll.u32 s1, $0xD;
	s1 =	sshrl.u32 s1, $0x2  }
0xba: {  	s3 =	sand.u32 $0x4000, s31;
	s1 =	sadd.s32 s1, s30  }
0xbb: {  	s0 =	sor.u32 s3, s0;
	s1 =	sshll.u32 s1, $0x11  }
0xbc: {  	s0 =	sor.u32 s1, s0  }
0xbd: {  	s0 =	sadd.s32 $0x8F2B, s0  }
0xbe: {  	[sflag:s0] =	ssyncadd.remote.s32 $0x1  }
0xbf: {  	_ =	sfence.sel $0xFFFF  }
0xc0: {  	[dreg:$0x0] =	wrdreg $0xFFFFFFFF;
	(pc) =	sbr.abs _section_cstart, $3  }
0xc1: {  	[dreg:$0x1] =	wrdreg $0xFFFFFFFF  }
0xc2: {  	_ =	task.clear_ibuf [dreg:s7], $0x2FFFF;
	_ =	strace $0x9FFFFFFF  }
0xc3: {  	(tm) =	ssettm $0x7FFFFFFF  }
tec
execute0_lowered:
.L_overlay_start_1:
0x0: {  	(tag) =	ssettag $0x1  }
0x1: {  	s4 =	rddreg [dreg:$0x0]  }
0x2: {  	s5 =	rddreg [dreg:$0x1]  }
0x3: {  	s1 =	rddreg [dreg:$0x2]  }
0x4: {  	s0 =	rddreg [dreg:$0x3];
	s2 =	simm.s32 $0x0  }
0x5: {  	s3 =	srdreg.scid;
	s16 =	simm.s32 $0x1;
	s17 =	simm.s32 $0x3  }
0x6: {  	s18 =	simm.s32 $0x2;
	s10 =	sand.u32 $0x1, s3;
	s3 =	stileid.u32  }
0x7: {  	s19 =	simm.s32 $0x80;
	s20 =	simm.s32 $0x4;
	s9 =	smul.u32 $0x27200, s3  }
0x8: {  	[smem:$0x7FF] =	sst s2;
	s12 =	sadd.s32 $0x11800, s4;
	s22 =	smul.u32 $0x1388, s10  }
0x9: {  	s24 =	sadd.s32 $0x9C000, s1;
	_ =	strace $0x8000004A;
	s11 =	smul.u32 $0x27000, s3  }
0xa: {  	s6 =	ssub.s32 $0x2, s10;
	s7 =	sshll.u32 s3, $0xB;
	s14 =	smul.u32 $0x138, s3  }
0xb: {  	s28 =	sshll.u32 s3, $0x4;
	s15 =	smul.u32 $0x9C400, s10;
	p0 =	sne.s32 s3, $0xF  }
0xc: {  	s21 =	sshll.u32 s3, $0x6;
	s8 =	sshrl.u32 s6, $0x1;
	s7 =	sadd.s32 s7, s4  }
0xd: {  	s4 =	sadd.s32 s5, s28;
	s21 =	sor.u32 $0x1C04, s21;
	s13 =	ssub.s32 s6, s8  }
0xe: {  	s29 =	sshrl.u32 s9, $0x2;
	s6 =	sadd.s32 $0x9800, s7;
	s11 =	sshrl.u32 s11, $0x2  }
0xf: {  	s14 =	sadd.s32 s14, s22;
	s31 =	sshrl.u32 s15, $0x3;
	s15 =	simm.s32 $0x4100  }
0x10: {  	s5 =	sadd.s32 s29, s1;
	s23 =	sadd.s32 s11, s1;
	s30 =	sshll.u32 s14, $0x4  }
0x11: {  	s13 =	smax.u32 s13, $0x1;
	s14 =	simm.s32 $0x100;
	s7 =	sadd.s32 $0x2000, s5  }
0x12: {  	s8 =	sadd.s32 $0x4000, s5;
	s9 =	sadd.s32 $0x6000, s5;
	s10 =	sadd.s32 $0x8000, s5  }
0x13: {  	v0 =	vmov s22;
	s11 =	sadd.s32 s12, s30;
	s12 =	sadd.s32 s12, s31;
	s22 =	sshrl.u32 s23, $0x3  }
0x14: {  	v1 =	vimm.f32 $0.0e+00;
	s23 =	sshrl.u32 @!p0 s24, $0x3;
	s24 =	simm.s32 $0x0;
	s12 =	sadd.s32 $0x13800, s12  }
.LBB2_1:
0x15: {  	[tilespmem:s2], [sflag:$0x1] =	stream.linear.gather [hbm4b:s4+s2], $0x80, $0x38;
	[tilespmem:$0xFD80] =	vst v63  }
0x16: {  	s25 =	simm.s32 $0x0;
	s26 =	simm.s32 $0x200  }
0x17: {  	[tilespmem:s14], [sflag:$0x2] =	stream.linear.gather [hbm4b:s6+s2], $0x4000, $0x38;
	[tilespmem:$0xFD80] =	vst v63  }
.LBB2_2:
0x18: {  	p1 =	sne.s32 s26, $0x7E00;
	[tilespmem:s25+$0x4170] =	vst v1  }
0x19: {  	[tilespmem:s25+$0x4100] =	vst v1  }
0x1a: {  	[tilespmem:s25+$0x4110] =	vst v1  }
.Ltmp0:
0x1b: {  	[tilespmem:s25+$0x4120] =	vst v1;
	(pc) =	sbr.rel @p1 .LBB2_2-.Ltmp0, $4  }
0x1c: {  	[tilespmem:s25+$0x4130] =	vst v1  }
0x1d: {  	[tilespmem:s25+$0x4140] =	vst v1  }
0x1e: {  	[tilespmem:s25+$0x4150] =	vst v1  }
0x1f: {  	[tilespmem:s25+$0x4160] =	vst v1;
	s25 =	sshra.s32 s26, $0x2;
	s26 =	sadd.s32 $0x200, s26  }
0x20: {  	[tilespmem:s25+$0x4170] =	vst v1  }
0x21: {  	[tilespmem:s25+$0x4100] =	vst v1  }
0x22: {  	[tilespmem:s25+$0x4110] =	vst v1  }
0x23: {  	[tilespmem:s25+$0x4120] =	vst v1  }
0x24: {  	[tilespmem:s25+$0x4130] =	vst v1  }
0x25: {  	[tilespmem:s25+$0x4140] =	vst v1  }
0x26: {  	[tilespmem:s25+$0x4150] =	vst v1  }
0x27: {  	[tilespmem:s25+$0x4160] =	vst v1  }
0x28: {  	[spmem:s5] =	stream.linear.scatter [tilespmem:s15], [sflag:$0x3], $0x2000, $0x38;
	[tilespmem:$0xFD80] =	vst v63  }
0x29: {  	_ = 	snop  }
0x2a: {  	[spmem:s7] =	stream.linear.scatter [tilespmem:s15], [sflag:$0x3], $0x2000, $0x38;
	[tilespmem:$0xFD80] =	vst v63  }
0x2b: {  	_ = 	snop  }
0x2c: {  	[spmem:s8] =	stream.linear.scatter [tilespmem:s15], [sflag:$0x3], $0x2000, $0x38;
	[tilespmem:$0xFD80] =	vst v63  }
0x2d: {  	_ = 	snop  }
0x2e: {  	[spmem:s9] =	stream.linear.scatter [tilespmem:s15], [sflag:$0x3], $0x2000, $0x38;
	[tilespmem:$0xFD80] =	vst v63  }
0x2f: {  	_ = 	snop  }
0x30: {  	[spmem:s10] =	stream.linear.scatter [tilespmem:s15], [sflag:$0x3], $0x1C80, $0x38;
	[tilespmem:$0xFD80] =	vst v63  }
0x31: {  	_ =	swait.ge [sflag:s16], $0x80  }
0x32: {  	[sflag:s16] =	ssyncset.done $0x0  }
0x33: {  	[sflag:s16] =	ssyncadd.s32 $0xFFFFFF80  }
0x34: {  	v2 =	vld [tilespmem:$0x0]  }
0x35: {  	v3 =	vld [tilespmem:$0x10]  }
0x36: {  	v4 =	vld [tilespmem:$0x20]  }
0x37: {  	v5 =	vld [tilespmem:$0x30]  }
0x38: {  	v6 =	vld [tilespmem:$0x40]  }
0x39: {  	v7 =	vld [tilespmem:$0x50];
	v2 =	vsub.s32 v2, v0  }
0x3a: {  	v8 =	vld [tilespmem:$0x60];
	v3 =	vsub.s32 v3, v0;
	v2 =	vmin.u32 v2, $0x1388  }
0x3b: {  	v63 =	vld [tilespmem:$0x70];
	[tilespmem:$0x80] =	vst v2;
	v2 =	vmin.u32 v3, $0x1388;
	v3 =	vsub.s32 v4, v0  }
0x3c: {  	[tilespmem:$0x90] =	vst v2;
	v2 =	vmin.u32 v3, $0x1388;
	v3 =	vsub.s32 v5, v0  }
0x3d: {  	[tilespmem:$0xA0] =	vst v2;
	v2 =	vmin.u32 v3, $0x1388;
	v3 =	vsub.s32 v6, v0  }
0x3e: {  	[tilespmem:$0xB0] =	vst v2;
	v2 =	vmin.u32 v3, $0x1388;
	v3 =	vsub.s32 v7, v0  }
0x3f: {  	[tilespmem:$0xC0] =	vst v2;
	v2 =	vmin.u32 v3, $0x1388;
	v3 =	vsub.s32 v8, v0  }
0x40: {  	[tilespmem:$0xD0] =	vst v2;
	v2 =	vmin.u32 v3, $0x1388;
	v3 =	vsub.s32 v63, v0  }
0x41: {  	[tilespmem:$0xE0] =	vst v2;
	v2 =	vmin.u32 v3, $0x1388  }
0x42: {  	[tilespmem:$0xF0] =	vst v2  }
0x43: {  	_ =	swait.ge [sflag:s17], $0x2000  }
0x44: {  	[sflag:s17] =	ssyncset.done $0x0  }
0x45: {  	[sflag:s17] =	ssyncadd.s32 $0xFFFFE000  }
0x46: {  	_ =	swait.ge [sflag:s17], $0x2000  }
0x47: {  	[sflag:s17] =	ssyncset.done $0x0  }
0x48: {  	[sflag:s17] =	ssyncadd.s32 $0xFFFFE000  }
0x49: {  	_ =	swait.ge [sflag:s17], $0x2000  }
0x4a: {  	[sflag:s17] =	ssyncset.done $0x0  }
0x4b: {  	[sflag:s17] =	ssyncadd.s32 $0xFFFFE000  }
0x4c: {  	_ =	swait.ge [sflag:s17], $0x2000  }
0x4d: {  	[sflag:s17] =	ssyncset.done $0x0  }
0x4e: {  	[sflag:s17] =	ssyncadd.s32 $0xFFFFE000  }
0x4f: {  	_ =	swait.ge [sflag:s17], $0x1C80  }
0x50: {  	[sflag:s17] =	ssyncset.done $0x0  }
0x51: {  	[sflag:s17] =	ssyncadd.s32 $0xFFFFE380  }
0x52: {  	_ =	swait.ge [sflag:s18], $0x4000  }
0x53: {  	[sflag:s18] =	ssyncset.done $0x0  }
0x54: {  	[sflag:s18] =	ssyncadd.s32 $0xFFFFC000  }
0x55: {  	[bflag:$0x0] =	sbarrier.arrive $0xFFFF  }
0x56: {  	[spmem:s1] =	stream.indirect.scatter.add.f32 [tilespmem:s14], [sflag:$0x4], $0x80, s19, s19, $0xb8;
	[tilespmem:$0xFD80] =	vst v63  }
0x57: {  	_ =	swait.ge [sflag:s20], $0x4000  }
0x58: {  	[sflag:s20] =	ssyncset.done $0x0  }
0x59: {  	[sflag:s20] =	ssyncadd.s32 $0xFFFFC000  }
0x5a: {  	[bflag:$0x0] =	sbarrier.arrive $0xFFFF  }
0x5b: {  	[hbm:s11], [sflag:s21] =	dma.local [spmem:s22], $0x1380  }
0x5c: {  	s24 =	sadd.s32 $0x1, s24;
	_ =	swait.ge [sflag:s20], $0x1380  }
0x5d: {  	p1 =	sne.s32 s24, s13;
	[sflag:s20] =	ssyncset.done $0x0  }
.Ltmp1:
0x5e: {  	s25 =	simm.s32 @!p0 $0x4;
	[sflag:s20] =	ssyncadd.s32 $0xFFFFEC80;
	(pc) =	sbr.rel @p1 .LBB2_1-.Ltmp1, $4  }
0x5f: {  	[hbm:s12], [sflag:s21] =	dma.local @!p0 [spmem:s23], $0x80  }
0x60: {  	_ =	swait.ge @!p0 [sflag:s25], $0x80  }
0x61: {  	[sflag:s25] =	ssyncset.done @!p0 $0x0  }
0x62: {  	[sflag:s25] =	ssyncadd.s32 @!p0 $0xFFFFFF80  }
0x63: {  	_ =	sfence.sel $0x180000  }
0x64: {  	[bflag:$0x0] =	sbarrier.arrive $0xFFFF  }
0x65: {  	p0 =	sne.s32 s3, $0x0;
	_ =	strace $0x9000004A  }
0x66: {  	s0 =	sadd.s32 @!p0 $0x100000, s0;
	[bflag:$0x2] =	sbarrier.arrive $0xFFFF  }
0x67: {  	[sflag:s0] =	ssyncadd.tile.s32 @!p0 $0x1;
	_ =	shalt  }
.Lfunc_end2:
_tile_overlayer_lowered:
.L_overlay_start_2:
0x68: {  	(tag) =	ssettag $0x2  }
0x69: {  	s0 =	rddreg [dreg:$0x0];
	s2 =	stileid.u32  }
0x6a: {  	s1 =	rddreg [dreg:$0x1];
	p0 =	sne.s32 s2, $0x0  }
0x6b: {  	s3 =	rddreg [dreg:$0x2];
	[bflag:$0x3] =	sbarrier.arrive $0xFFFF;
	s2 =	simm.s32 @!p0 $0x1C04  }
0x6c: {  	[timem:s3], [sflag:s2] =	dma.local @!p0 [hbm:s0], s1  }
0x6d: {  	s0 =	simm.s32 @!p0 $0x4  }
0x6e: {  	_ =	swait.ge @!p0 [sflag:s0], s1  }
0x6f: {  	s1 =	ssub.s32 @!p0 $0x0, s1;
	[sflag:s0] =	ssyncset.done @!p0 $0x0  }
0x70: {  	[sflag:s0] =	ssyncadd.s32 @!p0 s1  }
0x71: {  	[bflag:$0x3] =	sbarrier.arrive $0xFFFF  }
0x72: {  	_ =	shalt  }

// kernel: kernel.21.cloned.1.call-start
scs
__scs_entry_jumppad:
0x0: {  	(pc) =	sbr.rel $0x88, $3  }
0x1: {  	(tag) =	ssettag $0x0;
	lr =	simm.s32 $0x1  }
0x2: {  	[smem:$0x3F7C] =	sst lr;
	_ =	strace $0xD0000000  }
0x3: {  	_ = 	snop  }
0x4: {  	_ = 	snop  }
0x5: {  	_ = 	snop  }
0x6: {  	_ = 	snop  }
0x7: {  	_ = 	snop  }
__scs_overlays_trampoline_lowered:
0x8: {  	[smem:$0x3F8B] =	sst s0  }
0x9: {  	[smem:$0x3F8C] =	sst s1  }
0xa: {  	[smem:$0x3F8D] =	sst s2  }
0xb: {  	[smem:$0x3F8E] =	sst s3  }
0xc: {  	[smem:$0x3F8F] =	sst s4  }
0xd: {  	[smem:$0x3F90] =	sst s5  }
0xe: {  	[smem:$0x3F91] =	sst s6  }
0xf: {  	[smem:$0x3F92] =	sst s7  }
0x10: {  	[smem:$0x3F93] =	sst s8  }
0x11: {  	[smem:$0x3F94] =	sst s9;
	s0 =	simm.s32 @!p0 $0x0  }
0x12: {  	s1 =	sld [smem:$0x3F7A];
	s0 =	simm.s32 @p0 $0x1  }
0x13: {  	[smem:$0x3F95] =	sst s0;
	s0 =	simm.s32 @!p1 $0x0  }
0x14: {  	s2 =	sld [smem:$0x3F79];
	s0 =	simm.s32 @p1 $0x1  }
0x15: {  	[smem:$0x3F96] =	sst s0;
	s0 =	simm.s32 @!p2 $0x0  }
0x16: {  	s3 =	sld [smem:$0x3FDB];
	s0 =	simm.s32 @p2 $0x1  }
0x17: {  	s4 =	simm.s32 $0x1BF5;
	[smem:$0x3F98] =	sst s0  }
0x18: {  	s0 =	sld [smem:$0x3F7B];
	_ =	swait.ge [sflag:s4], $0x0  }
0x19: {  	s7 =	sld [smem:$0x3F7C]  }
0x1a: {  	s8 =	sadd.s32 $0xFFFFE003, lr  }
0x1b: {  	s9 =	sadd.s32 $0xFFFFFEF7, lr;
	s5 =	simm.s32 $0xFFFFFFFF;
	p2 =	slt.u32 s8, $0xFFFFF086  }
0x1c: {  	p1 =	slt.u32 s9, $0xF7A;
	s5 =	simm.s32 @!p2 $0x0  }
0x1d: {  	s5 =	simm.s32 @p1 $0x1;
	p0 =	seq.s32 s7, s2  }
0x1e: {  	s7 =	smul.u32 @!p0 $0xF7A, s2;
	p2 =	seq.s32 @!p0 s5, $0x0  }
0x1f: {  	s9 =	smul.u32 $0xF7A, s1;
	s8 =	simm.s32 @!p0 $0x1BF5;
	p2 =	por !p2, p0  }
0x20: {  	[sflag:s8] =	ssyncset.s32 @!p0 $0xFFFFF086;
	s6 =	sadd.s32 @!p0 s3, s7;
	s7 =	simm.s32 @!p0 $0x108  }
0x21: {  	s3 =	sadd.s32 s3, s9;
	s6 =	sadd.s32 @!p0 $0x88, s6;
	s7 =	simm.s32 @p2 $0x1082  }
0x22: {  	[simem:s7], [sflag:s8] =	dma.local @!p0 [hbm:s6], $0xF7A  }
0x23: {  	s9 =	sor.u32 $0xD0000000, s2;
	s6 =	simm.s32 $0x108;
	_ =	swait.ge @!p0 [sflag:s8], $0x0  }
0x24: {  	s3 =	sadd.s32 $0x88, s3;
	s6 =	simm.s32 @!p1 $0x1082;
	[sflag:s4] =	ssyncset.s32 $0xFFFFF086  }
0x25: {  	[simem:s6], [sflag:s4] =	dma.local [hbm:s3], $0xF7A  }
0x26: {  	[smem:$0x3F7C] =	sst s1;
	(tag) =	ssettag s2;
	_ =	strace s9  }
0x27: {  	s1 =	sld [smem:$0x3F8C]  }
0x28: {  	s2 =	sld [smem:$0x3F8D]  }
0x29: {  	s4 =	sld [smem:$0x3F8F]  }
0x2a: {  	p0 =	seq.s32 s5, $0x0;
	s5 =	sld [smem:$0x3F90]  }
0x2b: {  	s6 =	sld [smem:$0x3F91]  }
0x2c: {  	s7 =	sld [smem:$0x3F92]  }
0x2d: {  	s3 =	simm.s32 $0x108;
	s8 =	sld [smem:$0x3F93]  }
0x2e: {  	s3 =	simm.s32 @!p0 $0x1082;
	s9 =	sld [smem:$0x3F94]  }
0x2f: {  	lr =	sadd.s32 s0, s3;
	s0 =	sld [smem:$0x3F8B]  }
0x30: {  	s3 =	sld [smem:$0x3F8E]  }
0x31: {  	[smem:$0x3F97] =	sst s10  }
0x32: {  	s10 =	sld [smem:$0x3F95];
	_ =	sdelay $0x3  }
0x33: {  	p0 =	seq.s32 s10, $0x1;
	s10 =	sld [smem:$0x3F97];
	_ =	sdelay $0x3  }
0x34: {  	[smem:$0x3F97] =	sst s10  }
0x35: {  	s10 =	sld [smem:$0x3F96];
	_ =	sdelay $0x3  }
0x36: {  	p1 =	seq.s32 s10, $0x1;
	s10 =	sld [smem:$0x3F97];
	_ =	sdelay $0x3  }
0x37: {  	[smem:$0x3F97] =	sst s10  }
0x38: {  	s10 =	sld [smem:$0x3F98]  }
0x39: {  	_ = 	snop;
	(pc) =	sbr.ind lr, $3  }
0x3a: {  	_ = 	snop  }
0x3b: {  	_ = 	snop  }
0x3c: {  	p2 =	seq.s32 s10, $0x1;
	s10 =	sld [smem:$0x3F97]  }
0x3d: {  	_ =	shalt  }
0x3e: {  	_ =	shalt  }
0x3f: {  	_ =	shalt  }
0x40: {  	_ =	shalt  }
0x41: {  	_ =	shalt  }
0x42: {  	_ =	shalt  }
0x43: {  	_ =	shalt  }
0x44: {  	_ =	shalt  }
0x45: {  	_ =	shalt  }
0x46: {  	_ =	shalt  }
0x47: {  	_ =	shalt  }
0x48: {  	_ =	shalt  }
0x49: {  	_ =	shalt  }
0x4a: {  	_ =	shalt  }
0x4b: {  	_ =	shalt  }
0x4c: {  	_ =	shalt  }
0x4d: {  	_ =	shalt  }
0x4e: {  	_ =	shalt  }
0x4f: {  	_ =	shalt  }
0x50: {  	_ =	shalt  }
0x51: {  	_ =	shalt  }
0x52: {  	_ =	shalt  }
0x53: {  	_ =	shalt  }
0x54: {  	_ =	shalt  }
0x55: {  	_ =	shalt  }
0x56: {  	_ =	shalt  }
0x57: {  	_ =	shalt  }
0x58: {  	_ =	shalt  }
0x59: {  	_ =	shalt  }
0x5a: {  	_ =	shalt  }
0x5b: {  	_ =	shalt  }
0x5c: {  	_ =	shalt  }
0x5d: {  	_ =	shalt  }
0x5e: {  	_ =	shalt  }
0x5f: {  	_ =	shalt  }
0x60: {  	_ =	shalt  }
0x61: {  	_ =	shalt  }
0x62: {  	_ =	shalt  }
0x63: {  	_ =	shalt  }
0x64: {  	_ =	shalt  }
0x65: {  	_ =	shalt  }
0x66: {  	_ =	shalt  }
0x67: {  	_ =	shalt  }
0x68: {  	_ =	shalt  }
0x69: {  	_ =	shalt  }
0x6a: {  	_ =	shalt  }
0x6b: {  	_ =	shalt  }
0x6c: {  	_ =	shalt  }
0x6d: {  	_ =	shalt  }
0x6e: {  	_ =	shalt  }
0x6f: {  	_ =	shalt  }
0x70: {  	_ =	shalt  }
0x71: {  	_ =	shalt  }
0x72: {  	_ =	shalt  }
0x73: {  	_ =	shalt  }
0x74: {  	_ =	shalt  }
0x75: {  	_ =	shalt  }
0x76: {  	_ =	shalt  }
0x77: {  	_ =	shalt  }
0x78: {  	_ =	shalt  }
0x79: {  	_ =	shalt  }
0x7a: {  	_ =	shalt  }
0x7b: {  	_ =	shalt  }
0x7c: {  	_ =	shalt  }
0x7d: {  	_ =	shalt  }
0x7e: {  	_ =	shalt  }
0x7f: {  	_ =	shalt  }
0x80: {  	_ =	shalt  }
0x81: {  	_ =	shalt  }
0x82: {  	_ =	shalt  }
0x83: {  	_ =	shalt  }
0x84: {  	_ =	shalt  }
0x85: {  	_ =	shalt  }
0x86: {  	_ =	shalt  }
0x87: {  	_ =	shalt  }
.Lfunc_end0:
.L_simem_size_0:
called_computation.2_lowered:
.L_overlay_start_0:
0x88: {  	s2 =	sld [smem:$0x3FD9]  }
0x89: {  	s3 =	sld [smem:$0x3FFE];
	_ =	sdelay $0x1  }
0x8a: {  	s1 =	srdreg.scid  }
0x8b: {  	s0 =	sand.u32 $0x1, s1  }
0x8c: {  	s17 =	sshll.u32 s0, $0xA;
	s2 =	sadd.s32 s3, s2  }
0x8d: {  	s2 =	sadd.s32 s2, s17  }
0x8e: {  	[smem:$0x3FA3] =	sst s2  }
0x8f: {  	_ = 	snop  }
0x90: {  	s2 =	sld [smem:$0x3FD0];
	(tm) =	ssettm $0x1  }
0x91: {  	s18 =	sld [smem:$0x3FFB];
	_ =	sdelay $0x3  }
0x92: {  	_ =	strace s18  }
0x93: {  	s3 =	sld [smem:$0x3FFC];
	_ =	sdelay $0x3  }
0x94: {  	_ =	strace s3  }
0x95: {  	s3 =	sld [smem:$0x3FFD];
	_ =	sdelay $0x3  }
0x96: {  	_ =	strace s3  }
0x97: {  	_ =	strace $0x8FFFFFFF  }
0x98: {  	s19 =	sld [smem:$0x3FDB];
	_ =	sdelay $0x1  }
0x99: {  	s4 =	simm.s32 $_scs_section_size  }
0x9a: {  	s5 =	simm.s32 $_size__tile_overlayer_lowered;
	s6 =	simm.s32 $_tile_overlayer_lowered  }
0x9b: {  	s22 =	simm.s32 $0x1BFF;
	s21 =	sshll.u32 s6, $0x1;
	s3 =	sadd.s32 s4, s19  }
0x9c: {  	s7 =	simm.s32 $0x0;
	s20 =	sshll.u32 s5, $0x1;
	s5 =	sadd.s32 s21, s3  }
0x9d: {  	[timem:s7], [sflag:s22] =	dma.local [hbm:s5], s20  }
0x9e: {  	_ =	swait.ge [sflag:s22], s20  }
0x9f: {  	s4 =	ssub.s32 $0x0, s20;
	[sflag:s22] =	ssyncset.done $0x0  }
0xa0: {  	[sflag:s22] =	ssyncadd.s32 s4;
	_ =	sdelay $0x1  }
0xa1: {  	s23 =	simm.s32 $0x1B8B  }
0xa2: {  	_ =	swait.ge [sflag:s23], $0x1  }
0xa3: {  	[sflag:s23] =	ssyncset.done $0x0  }
0xa4: {  	s25 =	simm.s32 $0x1B8E;
	s24 =	sld [smem:$0x3FFE];
	[sflag:s23] =	ssyncadd.s32 $0xFFFFFFFF  }
0xa5: {  	s26 =	simm.s32 $execute0_lowered;
	[smem:$0x3FD2] =	sst s25  }
0xa6: {  	s5 =	sshll.u32 s26, $0x1;
	_ =	strace $0x8000004C;
	[dreg:$0x1] =	wrdreg $0xFFFFFFFF  }
0xa7: {  	s28 =	simm.s32 $_size_execute0_lowered;
	s3 =	sadd.s32 s3, s5;
	[dreg:$0x0] =	wrdreg $0x0  }
0xa8: {  	s5 =	sshll.u32 s28, $0x1;
	[dreg:$0x2] =	wrdreg s3  }
0xa9: {  	[dreg:$0x3] =	wrdreg s5  }
0xaa: {  	[dreg:$0x4] =	wrdreg $0xC0  }
0xab: {  	_ =	task [dreg:s7], $0x5FFFF  }
0xac: {  	[dreg:$0x1] =	wrdreg $0xFFFFFFFF  }
0xad: {  	[dreg:$0x0] =	wrdreg $0x60  }
0xae: {  	[dreg:$0x2] =	wrdreg s24  }
0xaf: {  	[dreg:$0x3] =	wrdreg s2  }
0xb0: {  	[dreg:$0x4] =	wrdreg $0x9  }
0xb1: {  	_ =	task.clear_ibuf [dreg:s7], $0x5FFFF;
	_ =	strace $0x9000004C  }
0xb2: {  	s29 =	simm.s32 $0x9;
	_ =	strace $0x8000004E  }
0xb3: {  	_ =	swait.ge [sflag:s29], $0x1  }
0xb4: {  	[sflag:s29] =	ssyncadd.s32 $0xFFFFFFFF  }
0xb5: {  	_ =	strace $0x9000004E  }
0xb6: {  	_ =	sfence  }
0xb7: {  	s30 =	sld [smem:$0x0];
	_ =	sdelay $0x2  }
0xb8: {  	s31 =	sshll.u32 s1, $0xD;
	s1 =	sshrl.u32 s1, $0x2  }
0xb9: {  	s3 =	sand.u32 $0x4000, s31;
	s1 =	sadd.s32 s1, s30  }
0xba: {  	s0 =	sor.u32 s3, s0;
	s1 =	sshll.u32 s1, $0x11  }
0xbb: {  	s0 =	sor.u32 s1, s0  }
0xbc: {  	s0 =	sadd.s32 $0x8F2B, s0  }
0xbd: {  	[sflag:s0] =	ssyncadd.remote.s32 $0x1  }
0xbe: {  	_ =	sfence.sel $0xFFFF  }
0xbf: {  	[dreg:$0x0] =	wrdreg $0xFFFFFFFF;
	(pc) =	sbr.abs _section_cstart, $3  }
0xc0: {  	[dreg:$0x1] =	wrdreg $0xFFFFFFFF  }
0xc1: {  	_ =	task.clear_ibuf [dreg:s7], $0x2FFFF;
	_ =	strace $0x9FFFFFFF  }
0xc2: {  	(tm) =	ssettm $0x7FFFFFFF  }
0xc3: {  	_ =	shalt  }
tec
execute0_lowered:
.L_overlay_start_1:
0x0: {  	(tag) =	ssettag $0x1  }
0x1: {  	s1 =	srdreg.scid  }
0x2: {  	s8 =	rddreg [dreg:$0x0];
	s0 =	stileid.u32  }
0x3: {  	s3 =	rddreg [dreg:$0x1];
	s7 =	simm.s32 $0x1;
	s6 =	sand.u32 $0x1, s1  }
0x4: {  	s2 =	sshll.u32 s0, $0x8;
	s1 =	rddreg [dreg:$0x2];
	s4 =	sshll.u32 s6, $0x7  }
0x5: {  	p0 =	slt.u32 s0, $0x8;
	s10 =	ssub.s32 $0x2, s6;
	s9 =	sor.u32 s4, s2  }
0x6: {  	s6 =	simm.s32 $0x80;
	s4 =	sshrl.u32 s9, $0x3;
	s5 =	sadd.s32 $0xFFFFF800, s9  }
0x7: {  	s2 =	simm.s32 $0x0;
	s4 =	sadd.s32 s4, s8;
	s5 =	sshrl.u32 s5, $0x3  }
0x8: {  	[smem:$0x7FF] =	sst s2;
	s3 =	sadd.s32 s3, s5;
	s4 =	sadd.s32 $0x9600, s4  }
0x9: {  	_ =	strace $0x8000004D;
	s3 =	smov.u32 @p0 s4;
	s4 =	simm.s32 $0x2  }
0xa: {  	[tilespmem:s2], [sflag:$0x2] =	stream.linear.gather [hbm4b:s3+s2], $0x80, $0x38;
	[tilespmem:$0x4080] =	vst v63  }
0xb: {  	s11 =	sshrl.u32 s10, $0x1;
	s9 =	sshll.u32 s9, $0x4;
	_ =	swait.ge [sflag:s4], $0x80  }
0xc: {  	s31 =	ssub.s32 s10, s11;
	s5 =	sadd.s32 $0x9800, s8;
	[sflag:s4] =	ssyncset.done $0x0  }
0xd: {  	s8 =	sadd.s32 s9, s8;
	s9 =	smax.u32 s31, $0x1;
	[sflag:s4] =	ssyncadd.s32 $0xFFFFFF80  }
0xe: {  	[tilespmem:s6], [sflag:$0x1] =	stream.indirect.gather [hbm4b:s5+s6], $0x80, s2, s6, $0xb8;
	[tilespmem:$0x4080] =	vst v63  }
0xf: {  	p0 =	sne.s32 s9, $0x1;
	_ =	swait.ge [sflag:s7], $0x4000  }
.Ltmp0:
0x10: {  	[sflag:s7] =	ssyncset.done $0x0;
	(pc) =	sbr.rel @!p0 .LBB2_2-.Ltmp0, $4  }
0x11: {  	s8 =	sadd.s32 $0x30A00, s8;
	[sflag:s7] =	ssyncadd.s32 $0xFFFFC000  }
0x12: {  	[hbm4b:s8+s2] =	stream.linear.scatter [tilespmem:s6], [sflag:$0x2], $0x4000, $0x38;
	[tilespmem:$0x4080] =	vst v63  }
0x13: {  	_ =	swait.ge [sflag:s4], $0x4000  }
0x14: {  	s9 =	sadd.s32 $0xFFFFFFFF, s9;
	[sflag:s4] =	ssyncset.done $0x0  }
.LBB2_1:
0x15: {  	p0 =	sne.s32 s9, $0x1;
	s9 =	sadd.s32 $0xFFFFFFFF, s9;
	[sflag:s4] =	ssyncadd.s32 $0xFFFFC000  }
0x16: {  	[tilespmem:s2], [sflag:$0x2] =	stream.linear.gather [hbm4b:s3+s2], $0x80, $0x38;
	[tilespmem:$0x4080] =	vst v63  }
0x17: {  	_ =	swait.ge [sflag:s4], $0x80  }
0x18: {  	[sflag:s4] =	ssyncset.done $0x0  }
0x19: {  	[sflag:s4] =	ssyncadd.s32 $0xFFFFFF80  }
0x1a: {  	[tilespmem:s6], [sflag:$0x1] =	stream.indirect.gather [hbm4b:s5+s6], $0x80, s2, s6, $0xb8;
	[tilespmem:$0x4080] =	vst v63  }
0x1b: {  	_ =	swait.ge [sflag:s7], $0x4000  }
.Ltmp1:
0x1c: {  	[sflag:s7] =	ssyncset.done $0x0;
	(pc) =	sbr.rel @p0 .LBB2_1-.Ltmp1, $4  }
0x1d: {  	[sflag:s7] =	ssyncadd.s32 $0xFFFFC000  }
0x1e: {  	[hbm4b:s8+s2] =	stream.linear.scatter [tilespmem:s6], [sflag:$0x2], $0x4000, $0x38;
	[tilespmem:$0x4080] =	vst v63  }
0x1f: {  	_ =	swait.ge [sflag:s4], $0x4000  }
0x20: {  	[sflag:s4] =	ssyncset.done $0x0  }
.LBB2_2:
0x21: {  	[sflag:s4] =	ssyncadd.s32 $0xFFFFC000  }
0x22: {  	_ =	sfence.sel $0x180000  }
0x23: {  	[bflag:$0x0] =	sbarrier.arrive $0xFFFF  }
0x24: {  	p0 =	sne.s32 s0, $0x0;
	_ =	strace $0x9000004D  }
0x25: {  	s0 =	sadd.s32 @!p0 $0x100000, s1;
	[bflag:$0x2] =	sbarrier.arrive $0xFFFF  }
0x26: {  	[sflag:s0] =	ssyncadd.tile.s32 @!p0 $0x1;
	_ =	shalt  }
.Lfunc_end2:
_tile_overlayer_lowered:
.L_overlay_start_2:
0x27: {  	(tag) =	ssettag $0x2  }
0x28: {  	s0 =	rddreg [dreg:$0x0];
	s2 =	stileid.u32  }
0x29: {  	s1 =	rddreg [dreg:$0x1];
	p0 =	sne.s32 s2, $0x0  }
0x2a: {  	s3 =	rddreg [dreg:$0x2];
	[bflag:$0x3] =	sbarrier.arrive $0xFFFF;
	s2 =	simm.s32 @!p0 $0x1C02  }
0x2b: {  	[timem:s3], [sflag:s2] =	dma.local @!p0 [hbm:s0], s1  }
0x2c: {  	s0 =	simm.s32 @!p0 $0x2  }
0x2d: {  	_ =	swait.ge @!p0 [sflag:s0], s1  }
0x2e: {  	s1 =	ssub.s32 @!p0 $0x0, s1;
	[sflag:s0] =	ssyncset.done @!p0 $0x0  }
0x2f: {  	[sflag:s0] =	ssyncadd.s32 @!p0 s1  }
0x30: {  	[bflag:$0x3] =	sbarrier.arrive $0xFFFF  }
0x31: {  	_ =	shalt  }

// kernel: kernel.24.cloned.1.call-start
scs
__scs_entry_jumppad:
0x0: {  	(pc) =	sbr.rel $0x88, $3  }
0x1: {  	(tag) =	ssettag $0x0;
	lr =	simm.s32 $0x1  }
0x2: {  	[smem:$0x3F7C] =	sst lr;
	_ =	strace $0xD0000000  }
0x3: {  	_ = 	snop  }
0x4: {  	_ = 	snop  }
0x5: {  	_ = 	snop  }
0x6: {  	_ = 	snop  }
0x7: {  	_ = 	snop  }
__scs_overlays_trampoline_lowered:
0x8: {  	[smem:$0x3F8B] =	sst s0  }
0x9: {  	[smem:$0x3F8C] =	sst s1  }
0xa: {  	[smem:$0x3F8D] =	sst s2  }
0xb: {  	[smem:$0x3F8E] =	sst s3  }
0xc: {  	[smem:$0x3F8F] =	sst s4  }
0xd: {  	[smem:$0x3F90] =	sst s5  }
0xe: {  	[smem:$0x3F91] =	sst s6  }
0xf: {  	[smem:$0x3F92] =	sst s7  }
0x10: {  	[smem:$0x3F93] =	sst s8  }
0x11: {  	[smem:$0x3F94] =	sst s9;
	s0 =	simm.s32 @!p0 $0x0  }
0x12: {  	s1 =	sld [smem:$0x3F7A];
	s0 =	simm.s32 @p0 $0x1  }
0x13: {  	[smem:$0x3F95] =	sst s0;
	s0 =	simm.s32 @!p1 $0x0  }
0x14: {  	s2 =	sld [smem:$0x3F79];
	s0 =	simm.s32 @p1 $0x1  }
0x15: {  	[smem:$0x3F96] =	sst s0;
	s0 =	simm.s32 @!p2 $0x0  }
0x16: {  	s3 =	sld [smem:$0x3FDB];
	s0 =	simm.s32 @p2 $0x1  }
0x17: {  	s4 =	simm.s32 $0x1BF5;
	[smem:$0x3F98] =	sst s0  }
0x18: {  	s0 =	sld [smem:$0x3F7B];
	_ =	swait.ge [sflag:s4], $0x0  }
0x19: {  	s7 =	sld [smem:$0x3F7C]  }
0x1a: {  	s8 =	sadd.s32 $0xFFFFE003, lr  }
0x1b: {  	s9 =	sadd.s32 $0xFFFFFEF7, lr;
	s5 =	simm.s32 $0xFFFFFFFF;
	p2 =	slt.u32 s8, $0xFFFFF086  }
0x1c: {  	p1 =	slt.u32 s9, $0xF7A;
	s5 =	simm.s32 @!p2 $0x0  }
0x1d: {  	s5 =	simm.s32 @p1 $0x1;
	p0 =	seq.s32 s7, s2  }
0x1e: {  	s7 =	smul.u32 @!p0 $0xF7A, s2;
	p2 =	seq.s32 @!p0 s5, $0x0  }
0x1f: {  	s9 =	smul.u32 $0xF7A, s1;
	s8 =	simm.s32 @!p0 $0x1BF5;
	p2 =	por !p2, p0  }
0x20: {  	[sflag:s8] =	ssyncset.s32 @!p0 $0xFFFFF086;
	s6 =	sadd.s32 @!p0 s3, s7;
	s7 =	simm.s32 @!p0 $0x108  }
0x21: {  	s3 =	sadd.s32 s3, s9;
	s6 =	sadd.s32 @!p0 $0x88, s6;
	s7 =	simm.s32 @p2 $0x1082  }
0x22: {  	[simem:s7], [sflag:s8] =	dma.local @!p0 [hbm:s6], $0xF7A  }
0x23: {  	s9 =	sor.u32 $0xD0000000, s2;
	s6 =	simm.s32 $0x108;
	_ =	swait.ge @!p0 [sflag:s8], $0x0  }
0x24: {  	s3 =	sadd.s32 $0x88, s3;
	s6 =	simm.s32 @!p1 $0x1082;
	[sflag:s4] =	ssyncset.s32 $0xFFFFF086  }
0x25: {  	[simem:s6], [sflag:s4] =	dma.local [hbm:s3], $0xF7A  }
0x26: {  	[smem:$0x3F7C] =	sst s1;
	(tag) =	ssettag s2;
	_ =	strace s9  }
0x27: {  	s1 =	sld [smem:$0x3F8C]  }
0x28: {  	s2 =	sld [smem:$0x3F8D]  }
0x29: {  	s4 =	sld [smem:$0x3F8F]  }
0x2a: {  	p0 =	seq.s32 s5, $0x0;
	s5 =	sld [smem:$0x3F90]  }
0x2b: {  	s6 =	sld [smem:$0x3F91]  }
0x2c: {  	s7 =	sld [smem:$0x3F92]  }
0x2d: {  	s3 =	simm.s32 $0x108;
	s8 =	sld [smem:$0x3F93]  }
0x2e: {  	s3 =	simm.s32 @!p0 $0x1082;
	s9 =	sld [smem:$0x3F94]  }
0x2f: {  	lr =	sadd.s32 s0, s3;
	s0 =	sld [smem:$0x3F8B]  }
0x30: {  	s3 =	sld [smem:$0x3F8E]  }
0x31: {  	[smem:$0x3F97] =	sst s10  }
0x32: {  	s10 =	sld [smem:$0x3F95];
	_ =	sdelay $0x3  }
0x33: {  	p0 =	seq.s32 s10, $0x1;
	s10 =	sld [smem:$0x3F97];
	_ =	sdelay $0x3  }
0x34: {  	[smem:$0x3F97] =	sst s10  }
0x35: {  	s10 =	sld [smem:$0x3F96];
	_ =	sdelay $0x3  }
0x36: {  	p1 =	seq.s32 s10, $0x1;
	s10 =	sld [smem:$0x3F97];
	_ =	sdelay $0x3  }
0x37: {  	[smem:$0x3F97] =	sst s10  }
0x38: {  	s10 =	sld [smem:$0x3F98]  }
0x39: {  	_ = 	snop;
	(pc) =	sbr.ind lr, $3  }
0x3a: {  	_ = 	snop  }
0x3b: {  	_ = 	snop  }
0x3c: {  	p2 =	seq.s32 s10, $0x1;
	s10 =	sld [smem:$0x3F97]  }
0x3d: {  	_ =	shalt  }
0x3e: {  	_ =	shalt  }
0x3f: {  	_ =	shalt  }
0x40: {  	_ =	shalt  }
0x41: {  	_ =	shalt  }
0x42: {  	_ =	shalt  }
0x43: {  	_ =	shalt  }
0x44: {  	_ =	shalt  }
0x45: {  	_ =	shalt  }
0x46: {  	_ =	shalt  }
0x47: {  	_ =	shalt  }
0x48: {  	_ =	shalt  }
0x49: {  	_ =	shalt  }
0x4a: {  	_ =	shalt  }
0x4b: {  	_ =	shalt  }
0x4c: {  	_ =	shalt  }
0x4d: {  	_ =	shalt  }
0x4e: {  	_ =	shalt  }
0x4f: {  	_ =	shalt  }
0x50: {  	_ =	shalt  }
0x51: {  	_ =	shalt  }
0x52: {  	_ =	shalt  }
0x53: {  	_ =	shalt  }
0x54: {  	_ =	shalt  }
0x55: {  	_ =	shalt  }
0x56: {  	_ =	shalt  }
0x57: {  	_ =	shalt  }
0x58: {  	_ =	shalt  }
0x59: {  	_ =	shalt  }
0x5a: {  	_ =	shalt  }
0x5b: {  	_ =	shalt  }
0x5c: {  	_ =	shalt  }
0x5d: {  	_ =	shalt  }
0x5e: {  	_ =	shalt  }
0x5f: {  	_ =	shalt  }
0x60: {  	_ =	shalt  }
0x61: {  	_ =	shalt  }
0x62: {  	_ =	shalt  }
0x63: {  	_ =	shalt  }
0x64: {  	_ =	shalt  }
0x65: {  	_ =	shalt  }
0x66: {  	_ =	shalt  }
0x67: {  	_ =	shalt  }
0x68: {  	_ =	shalt  }
0x69: {  	_ =	shalt  }
0x6a: {  	_ =	shalt  }
0x6b: {  	_ =	shalt  }
0x6c: {  	_ =	shalt  }
0x6d: {  	_ =	shalt  }
0x6e: {  	_ =	shalt  }
0x6f: {  	_ =	shalt  }
0x70: {  	_ =	shalt  }
0x71: {  	_ =	shalt  }
0x72: {  	_ =	shalt  }
0x73: {  	_ =	shalt  }
0x74: {  	_ =	shalt  }
0x75: {  	_ =	shalt  }
0x76: {  	_ =	shalt  }
0x77: {  	_ =	shalt  }
0x78: {  	_ =	shalt  }
0x79: {  	_ =	shalt  }
0x7a: {  	_ =	shalt  }
0x7b: {  	_ =	shalt  }
0x7c: {  	_ =	shalt  }
0x7d: {  	_ =	shalt  }
0x7e: {  	_ =	shalt  }
0x7f: {  	_ =	shalt  }
0x80: {  	_ =	shalt  }
0x81: {  	_ =	shalt  }
0x82: {  	_ =	shalt  }
0x83: {  	_ =	shalt  }
0x84: {  	_ =	shalt  }
0x85: {  	_ =	shalt  }
0x86: {  	_ =	shalt  }
0x87: {  	_ =	shalt  }
.Lfunc_end0:
.L_simem_size_0:
called_computation.3_lowered:
.L_overlay_start_0:
0x88: {  	s2 =	sld [smem:$0x3FD9]  }
0x89: {  	s3 =	sld [smem:$0x3FFE];
	_ =	sdelay $0x1  }
0x8a: {  	s1 =	srdreg.scid  }
0x8b: {  	s0 =	sand.u32 $0x1, s1  }
0x8c: {  	s17 =	sshll.u32 s0, $0xA;
	s2 =	sadd.s32 s3, s2  }
0x8d: {  	s2 =	sadd.s32 s2, s17  }
0x8e: {  	[smem:$0x3FA3] =	sst s2  }
0x8f: {  	_ = 	snop  }
0x90: {  	s2 =	sld [smem:$0x3FD0];
	(tm) =	ssettm $0x1  }
0x91: {  	s18 =	sld [smem:$0x3FFB];
	_ =	sdelay $0x3  }
0x92: {  	_ =	strace s18  }
0x93: {  	s3 =	sld [smem:$0x3FFC];
	_ =	sdelay $0x3  }
0x94: {  	_ =	strace s3  }
0x95: {  	s3 =	sld [smem:$0x3FFD];
	_ =	sdelay $0x3  }
0x96: {  	_ =	strace s3  }
0x97: {  	_ =	strace $0x8FFFFFFF  }
0x98: {  	s19 =	sld [smem:$0x3FDB];
	_ =	sdelay $0x1  }
0x99: {  	s4 =	simm.s32 $_scs_section_size  }
0x9a: {  	s5 =	simm.s32 $_size__tile_overlayer_lowered;
	s6 =	simm.s32 $_tile_overlayer_lowered  }
0x9b: {  	s22 =	simm.s32 $0x1BFF;
	s21 =	sshll.u32 s6, $0x1;
	s3 =	sadd.s32 s4, s19  }
0x9c: {  	s7 =	simm.s32 $0x0;
	s20 =	sshll.u32 s5, $0x1;
	s5 =	sadd.s32 s21, s3  }
0x9d: {  	[timem:s7], [sflag:s22] =	dma.local [hbm:s5], s20  }
0x9e: {  	_ =	swait.ge [sflag:s22], s20  }
0x9f: {  	s4 =	ssub.s32 $0x0, s20;
	[sflag:s22] =	ssyncset.done $0x0  }
0xa0: {  	[sflag:s22] =	ssyncadd.s32 s4;
	_ =	sdelay $0x1  }
0xa1: {  	s23 =	simm.s32 $0x1B8B  }
0xa2: {  	_ =	swait.ge [sflag:s23], $0x1  }
0xa3: {  	[sflag:s23] =	ssyncset.done $0x0  }
0xa4: {  	s25 =	simm.s32 $0x1B8E;
	s24 =	sld [smem:$0x3FFE];
	[sflag:s23] =	ssyncadd.s32 $0xFFFFFFFF  }
0xa5: {  	s26 =	simm.s32 $execute0_lowered;
	[smem:$0x3FD2] =	sst s25  }
0xa6: {  	s5 =	sshll.u32 s26, $0x1;
	_ =	strace $0x8000004F;
	[dreg:$0x1] =	wrdreg $0xFFFFFFFF  }
0xa7: {  	s28 =	simm.s32 $_size_execute0_lowered;
	s3 =	sadd.s32 s3, s5;
	[dreg:$0x0] =	wrdreg $0x0  }
0xa8: {  	s5 =	sshll.u32 s28, $0x1;
	[dreg:$0x2] =	wrdreg s3  }
0xa9: {  	[dreg:$0x3] =	wrdreg s5  }
0xaa: {  	[dreg:$0x4] =	wrdreg $0xC0  }
0xab: {  	_ =	task [dreg:s7], $0x5FFFF  }
0xac: {  	[dreg:$0x1] =	wrdreg $0xFFFFFFFF  }
0xad: {  	[dreg:$0x0] =	wrdreg $0x60  }
0xae: {  	[dreg:$0x2] =	wrdreg s24  }
0xaf: {  	[dreg:$0x3] =	wrdreg s2  }
0xb0: {  	[dreg:$0x4] =	wrdreg $0x61000  }
0xb1: {  	[dreg:$0x5] =	wrdreg $0x9  }
0xb2: {  	_ =	task.clear_ibuf [dreg:s7], $0x6FFFF;
	_ =	strace $0x9000004F  }
0xb3: {  	s29 =	simm.s32 $0x9;
	_ =	strace $0x80000051  }
0xb4: {  	_ =	swait.ge [sflag:s29], $0x1  }
0xb5: {  	[sflag:s29] =	ssyncadd.s32 $0xFFFFFFFF  }
0xb6: {  	_ =	strace $0x90000051  }
0xb7: {  	_ =	sfence  }
0xb8: {  	s30 =	sld [smem:$0x0];
	_ =	sdelay $0x2  }
0xb9: {  	s31 =	sshll.u32 s1, $0xD;
	s1 =	sshrl.u32 s1, $0x2  }
0xba: {  	s3 =	sand.u32 $0x4000, s31;
	s1 =	sadd.s32 s1, s30  }
0xbb: {  	s0 =	sor.u32 s3, s0;
	s1 =	sshll.u32 s1, $0x11  }
0xbc: {  	s0 =	sor.u32 s1, s0  }
0xbd: {  	s0 =	sadd.s32 $0x8F2B, s0  }
0xbe: {  	[sflag:s0] =	ssyncadd.remote.s32 $0x1  }
0xbf: {  	_ =	sfence.sel $0xFFFF  }
0xc0: {  	[dreg:$0x0] =	wrdreg $0xFFFFFFFF;
	(pc) =	sbr.abs _section_cstart, $3  }
0xc1: {  	[dreg:$0x1] =	wrdreg $0xFFFFFFFF  }
0xc2: {  	_ =	task.clear_ibuf [dreg:s7], $0x2FFFF;
	_ =	strace $0x9FFFFFFF  }
0xc3: {  	(tm) =	ssettm $0x7FFFFFFF  }
tec
execute0_lowered:
.L_overlay_start_1:
0x0: {  	(tag) =	ssettag $0x1  }
0x1: {  	s4 =	rddreg [dreg:$0x0]  }
0x2: {  	s5 =	rddreg [dreg:$0x1]  }
0x3: {  	s1 =	rddreg [dreg:$0x2]  }
0x4: {  	s0 =	rddreg [dreg:$0x3];
	s2 =	simm.s32 $0x0  }
0x5: {  	s3 =	srdreg.scid;
	s16 =	simm.s32 $0x1;
	s17 =	simm.s32 $0x3  }
0x6: {  	s18 =	simm.s32 $0x2;
	s10 =	sand.u32 $0x1, s3;
	s3 =	stileid.u32  }
0x7: {  	s19 =	simm.s32 $0x80;
	s20 =	simm.s32 $0x4;
	s9 =	smul.u32 $0x27200, s3  }
0x8: {  	[smem:$0x7FF] =	sst s2;
	s12 =	sadd.s32 $0x38A00, s4;
	s22 =	smul.u32 $0x1388, s10  }
0x9: {  	s24 =	sadd.s32 $0x9C000, s1;
	_ =	strace $0x80000050;
	s11 =	smul.u32 $0x27000, s3  }
0xa: {  	s6 =	ssub.s32 $0x2, s10;
	s7 =	sshll.u32 s3, $0xB;
	s14 =	smul.u32 $0x138, s3  }
0xb: {  	s28 =	sshll.u32 s3, $0x4;
	s15 =	smul.u32 $0x9C400, s10;
	p0 =	sne.s32 s3, $0xF  }
0xc: {  	s21 =	sshll.u32 s3, $0x6;
	s8 =	sshrl.u32 s6, $0x1;
	s7 =	sadd.s32 s7, s4  }
0xd: {  	s4 =	sadd.s32 s5, s28;
	s21 =	sor.u32 $0x1C04, s21;
	s13 =	ssub.s32 s6, s8  }
0xe: {  	s29 =	sshrl.u32 s9, $0x2;
	s6 =	sadd.s32 $0x30A00, s7;
	s11 =	sshrl.u32 s11, $0x2  }
0xf: {  	s14 =	sadd.s32 s14, s22;
	s31 =	sshrl.u32 s15, $0x3;
	s15 =	simm.s32 $0x4100  }
0x10: {  	s5 =	sadd.s32 s29, s1;
	s23 =	sadd.s32 s11, s1;
	s30 =	sshll.u32 s14, $0x4  }
0x11: {  	s13 =	smax.u32 s13, $0x1;
	s14 =	simm.s32 $0x100;
	s7 =	sadd.s32 $0x2000, s5  }
0x12: {  	s8 =	sadd.s32 $0x4000, s5;
	s9 =	sadd.s32 $0x6000, s5;
	s10 =	sadd.s32 $0x8000, s5  }
0x13: {  	v0 =	vmov s22;
	s11 =	sadd.s32 s12, s30;
	s12 =	sadd.s32 s12, s31;
	s22 =	sshrl.u32 s23, $0x3  }
0x14: {  	v1 =	vimm.f32 $0.0e+00;
	s23 =	sshrl.u32 @!p0 s24, $0x3;
	s24 =	simm.s32 $0x0;
	s12 =	sadd.s32 $0x13800, s12  }
.LBB2_1:
0x15: {  	[tilespmem:s2], [sflag:$0x1] =	stream.linear.gather [hbm4b:s4+s2], $0x80, $0x38;
	[tilespmem:$0xFD80] =	vst v63  }
0x16: {  	s25 =	simm.s32 $0x0;
	s26 =	simm.s32 $0x200  }
0x17: {  	[tilespmem:s14], [sflag:$0x2] =	stream.linear.gather [hbm4b:s6+s2], $0x4000, $0x38;
	[tilespmem:$0xFD80] =	vst v63  }
.LBB2_2:
0x18: {  	p1 =	sne.s32 s26, $0x7E00;
	[tilespmem:s25+$0x4170] =	vst v1  }
0x19: {  	[tilespmem:s25+$0x4100] =	vst v1  }
0x1a: {  	[tilespmem:s25+$0x4110] =	vst v1  }
.Ltmp0:
0x1b: {  	[tilespmem:s25+$0x4120] =	vst v1;
	(pc) =	sbr.rel @p1 .LBB2_2-.Ltmp0, $4  }
0x1c: {  	[tilespmem:s25+$0x4130] =	vst v1  }
0x1d: {  	[tilespmem:s25+$0x4140] =	vst v1  }
0x1e: {  	[tilespmem:s25+$0x4150] =	vst v1  }
0x1f: {  	[tilespmem:s25+$0x4160] =	vst v1;
	s25 =	sshra.s32 s26, $0x2;
	s26 =	sadd.s32 $0x200, s26  }
0x20: {  	[tilespmem:s25+$0x4170] =	vst v1  }
0x21: {  	[tilespmem:s25+$0x4100] =	vst v1  }
0x22: {  	[tilespmem:s25+$0x4110] =	vst v1  }
0x23: {  	[tilespmem:s25+$0x4120] =	vst v1  }
0x24: {  	[tilespmem:s25+$0x4130] =	vst v1  }
0x25: {  	[tilespmem:s25+$0x4140] =	vst v1  }
0x26: {  	[tilespmem:s25+$0x4150] =	vst v1  }
0x27: {  	[tilespmem:s25+$0x4160] =	vst v1  }
0x28: {  	[spmem:s5] =	stream.linear.scatter [tilespmem:s15], [sflag:$0x3], $0x2000, $0x38;
	[tilespmem:$0xFD80] =	vst v63  }
0x29: {  	_ = 	snop  }
0x2a: {  	[spmem:s7] =	stream.linear.scatter [tilespmem:s15], [sflag:$0x3], $0x2000, $0x38;
	[tilespmem:$0xFD80] =	vst v63  }
0x2b: {  	_ = 	snop  }
0x2c: {  	[spmem:s8] =	stream.linear.scatter [tilespmem:s15], [sflag:$0x3], $0x2000, $0x38;
	[tilespmem:$0xFD80] =	vst v63  }
0x2d: {  	_ = 	snop  }
0x2e: {  	[spmem:s9] =	stream.linear.scatter [tilespmem:s15], [sflag:$0x3], $0x2000, $0x38;
	[tilespmem:$0xFD80] =	vst v63  }
0x2f: {  	_ = 	snop  }
0x30: {  	[spmem:s10] =	stream.linear.scatter [tilespmem:s15], [sflag:$0x3], $0x1C80, $0x38;
	[tilespmem:$0xFD80] =	vst v63  }
0x31: {  	_ =	swait.ge [sflag:s16], $0x80  }
0x32: {  	[sflag:s16] =	ssyncset.done $0x0  }
0x33: {  	[sflag:s16] =	ssyncadd.s32 $0xFFFFFF80  }
0x34: {  	v2 =	vld [tilespmem:$0x0]  }
0x35: {  	v3 =	vld [tilespmem:$0x10]  }
0x36: {  	v4 =	vld [tilespmem:$0x20]  }
0x37: {  	v5 =	vld [tilespmem:$0x30]  }
0x38: {  	v6 =	vld [tilespmem:$0x40]  }
0x39: {  	v7 =	vld [tilespmem:$0x50];
	v2 =	vsub.s32 v2, v0  }
0x3a: {  	v8 =	vld [tilespmem:$0x60];
	v3 =	vsub.s32 v3, v0;
	v2 =	vmin.u32 v2, $0x1388  }
0x3b: {  	v63 =	vld [tilespmem:$0x70];
	[tilespmem:$0x80] =	vst v2;
	v2 =	vmin.u32 v3, $0x1388;
	v3 =	vsub.s32 v4, v0  }
0x3c: {  	[tilespmem:$0x90] =	vst v2;
	v2 =	vmin.u32 v3, $0x1388;
	v3 =	vsub.s32 v5, v0  }
0x3d: {  	[tilespmem:$0xA0] =	vst v2;
	v2 =	vmin.u32 v3, $0x1388;
	v3 =	vsub.s32 v6, v0  }
0x3e: {  	[tilespmem:$0xB0] =	vst v2;
	v2 =	vmin.u32 v3, $0x1388;
	v3 =	vsub.s32 v7, v0  }
0x3f: {  	[tilespmem:$0xC0] =	vst v2;
	v2 =	vmin.u32 v3, $0x1388;
	v3 =	vsub.s32 v8, v0  }
0x40: {  	[tilespmem:$0xD0] =	vst v2;
	v2 =	vmin.u32 v3, $0x1388;
	v3 =	vsub.s32 v63, v0  }
0x41: {  	[tilespmem:$0xE0] =	vst v2;
	v2 =	vmin.u32 v3, $0x1388  }
0x42: {  	[tilespmem:$0xF0] =	vst v2  }
0x43: {  	_ =	swait.ge [sflag:s17], $0x2000  }
0x44: {  	[sflag:s17] =	ssyncset.done $0x0  }
0x45: {  	[sflag:s17] =	ssyncadd.s32 $0xFFFFE000  }
0x46: {  	_ =	swait.ge [sflag:s17], $0x2000  }
0x47: {  	[sflag:s17] =	ssyncset.done $0x0  }
0x48: {  	[sflag:s17] =	ssyncadd.s32 $0xFFFFE000  }
0x49: {  	_ =	swait.ge [sflag:s17], $0x2000  }
0x4a: {  	[sflag:s17] =	ssyncset.done $0x0  }
0x4b: {  	[sflag:s17] =	ssyncadd.s32 $0xFFFFE000  }
0x4c: {  	_ =	swait.ge [sflag:s17], $0x2000  }
0x4d: {  	[sflag:s17] =	ssyncset.done $0x0  }
0x4e: {  	[sflag:s17] =	ssyncadd.s32 $0xFFFFE000  }
0x4f: {  	_ =	swait.ge [sflag:s17], $0x1C80  }
0x50: {  	[sflag:s17] =	ssyncset.done $0x0  }
0x51: {  	[sflag:s17] =	ssyncadd.s32 $0xFFFFE380  }
0x52: {  	_ =	swait.ge [sflag:s18], $0x4000  }
0x53: {  	[sflag:s18] =	ssyncset.done $0x0  }
0x54: {  	[sflag:s18] =	ssyncadd.s32 $0xFFFFC000  }
0x55: {  	[bflag:$0x0] =	sbarrier.arrive $0xFFFF  }
0x56: {  	[spmem:s1] =	stream.indirect.scatter.add.f32 [tilespmem:s14], [sflag:$0x4], $0x80, s19, s19, $0xb8;
	[tilespmem:$0xFD80] =	vst v63  }
0x57: {  	_ =	swait.ge [sflag:s20], $0x4000  }
0x58: {  	[sflag:s20] =	ssyncset.done $0x0  }
0x59: {  	[sflag:s20] =	ssyncadd.s32 $0xFFFFC000  }
0x5a: {  	[bflag:$0x0] =	sbarrier.arrive $0xFFFF  }
0x5b: {  	[hbm:s11], [sflag:s21] =	dma.local [spmem:s22], $0x1380  }
0x5c: {  	s24 =	sadd.s32 $0x1, s24;
	_ =	swait.ge [sflag:s20], $0x1380  }
0x5d: {  	p1 =	sne.s32 s24, s13;
	[sflag:s20] =	ssyncset.done $0x0  }
.Ltmp1:
0x5e: {  	s25 =	simm.s32 @!p0 $0x4;
	[sflag:s20] =	ssyncadd.s32 $0xFFFFEC80;
	(pc) =	sbr.rel @p1 .LBB2_1-.Ltmp1, $4  }
0x5f: {  	[hbm:s12], [sflag:s21] =	dma.local @!p0 [spmem:s23], $0x80  }
0x60: {  	_ =	swait.ge @!p0 [sflag:s25], $0x80  }
0x61: {  	[sflag:s25] =	ssyncset.done @!p0 $0x0  }
0x62: {  	[sflag:s25] =	ssyncadd.s32 @!p0 $0xFFFFFF80  }
0x63: {  	_ =	sfence.sel $0x180000  }
0x64: {  	[bflag:$0x0] =	sbarrier.arrive $0xFFFF  }
0x65: {  	p0 =	sne.s32 s3, $0x0;
	_ =	strace $0x90000050  }
0x66: {  	s0 =	sadd.s32 @!p0 $0x100000, s0;
	[bflag:$0x2] =	sbarrier.arrive $0xFFFF  }
0x67: {  	[sflag:s0] =	ssyncadd.tile.s32 @!p0 $0x1;
	_ =	shalt  }
.Lfunc_end2:
_tile_overlayer_lowered:
.L_overlay_start_2:
0x68: {  	(tag) =	ssettag $0x2  }
0x69: {  	s0 =	rddreg [dreg:$0x0];
	s2 =	stileid.u32  }
0x6a: {  	s1 =	rddreg [dreg:$0x1];
	p0 =	sne.s32 s2, $0x0  }
0x6b: {  	s3 =	rddreg [dreg:$0x2];
	[bflag:$0x3] =	sbarrier.arrive $0xFFFF;
	s2 =	simm.s32 @!p0 $0x1C04  }
0x6c: {  	[timem:s3], [sflag:s2] =	dma.local @!p0 [hbm:s0], s1  }
0x6d: {  	s0 =	simm.s32 @!p0 $0x4  }
0x6e: {  	_ =	swait.ge @!p0 [sflag:s0], s1  }
0x6f: {  	s1 =	ssub.s32 @!p0 $0x0, s1;
	[sflag:s0] =	ssyncset.done @!p0 $0x0  }
0x70: {  	[sflag:s0] =	ssyncadd.s32 @!p0 s1  }
0x71: {  	[bflag:$0x3] =	sbarrier.arrive $0xFFFF  }
0x72: {  	_ =	shalt  }

// kernel: kernel.27.cloned.1.call-start
scs
__scs_entry_jumppad:
0x0: {  	(pc) =	sbr.rel $0x88, $3  }
0x1: {  	(tag) =	ssettag $0x0;
	lr =	simm.s32 $0x1  }
0x2: {  	[smem:$0x3F7C] =	sst lr;
	_ =	strace $0xD0000000  }
0x3: {  	_ = 	snop  }
0x4: {  	_ = 	snop  }
0x5: {  	_ = 	snop  }
0x6: {  	_ = 	snop  }
0x7: {  	_ = 	snop  }
__scs_overlays_trampoline_lowered:
0x8: {  	[smem:$0x3F8B] =	sst s0  }
0x9: {  	[smem:$0x3F8C] =	sst s1  }
0xa: {  	[smem:$0x3F8D] =	sst s2  }
0xb: {  	[smem:$0x3F8E] =	sst s3  }
0xc: {  	[smem:$0x3F8F] =	sst s4  }
0xd: {  	[smem:$0x3F90] =	sst s5  }
0xe: {  	[smem:$0x3F91] =	sst s6  }
0xf: {  	[smem:$0x3F92] =	sst s7  }
0x10: {  	[smem:$0x3F93] =	sst s8  }
0x11: {  	[smem:$0x3F94] =	sst s9;
	s0 =	simm.s32 @!p0 $0x0  }
0x12: {  	s1 =	sld [smem:$0x3F7A];
	s0 =	simm.s32 @p0 $0x1  }
0x13: {  	[smem:$0x3F95] =	sst s0;
	s0 =	simm.s32 @!p1 $0x0  }
0x14: {  	s2 =	sld [smem:$0x3F79];
	s0 =	simm.s32 @p1 $0x1  }
0x15: {  	[smem:$0x3F96] =	sst s0;
	s0 =	simm.s32 @!p2 $0x0  }
0x16: {  	s3 =	sld [smem:$0x3FDB];
	s0 =	simm.s32 @p2 $0x1  }
0x17: {  	s4 =	simm.s32 $0x1BF5;
	[smem:$0x3F98] =	sst s0  }
0x18: {  	s0 =	sld [smem:$0x3F7B];
	_ =	swait.ge [sflag:s4], $0x0  }
0x19: {  	s7 =	sld [smem:$0x3F7C]  }
0x1a: {  	s8 =	sadd.s32 $0xFFFFE003, lr  }
0x1b: {  	s9 =	sadd.s32 $0xFFFFFEF7, lr;
	s5 =	simm.s32 $0xFFFFFFFF;
	p2 =	slt.u32 s8, $0xFFFFF086  }
0x1c: {  	p1 =	slt.u32 s9, $0xF7A;
	s5 =	simm.s32 @!p2 $0x0  }
0x1d: {  	s5 =	simm.s32 @p1 $0x1;
	p0 =	seq.s32 s7, s2  }
0x1e: {  	s7 =	smul.u32 @!p0 $0xF7A, s2;
	p2 =	seq.s32 @!p0 s5, $0x0  }
0x1f: {  	s9 =	smul.u32 $0xF7A, s1;
	s8 =	simm.s32 @!p0 $0x1BF5;
	p2 =	por !p2, p0  }
0x20: {  	[sflag:s8] =	ssyncset.s32 @!p0 $0xFFFFF086;
	s6 =	sadd.s32 @!p0 s3, s7;
	s7 =	simm.s32 @!p0 $0x108  }
0x21: {  	s3 =	sadd.s32 s3, s9;
	s6 =	sadd.s32 @!p0 $0x88, s6;
	s7 =	simm.s32 @p2 $0x1082  }
0x22: {  	[simem:s7], [sflag:s8] =	dma.local @!p0 [hbm:s6], $0xF7A  }
0x23: {  	s9 =	sor.u32 $0xD0000000, s2;
	s6 =	simm.s32 $0x108;
	_ =	swait.ge @!p0 [sflag:s8], $0x0  }
0x24: {  	s3 =	sadd.s32 $0x88, s3;
	s6 =	simm.s32 @!p1 $0x1082;
	[sflag:s4] =	ssyncset.s32 $0xFFFFF086  }
0x25: {  	[simem:s6], [sflag:s4] =	dma.local [hbm:s3], $0xF7A  }
0x26: {  	[smem:$0x3F7C] =	sst s1;
	(tag) =	ssettag s2;
	_ =	strace s9  }
0x27: {  	s1 =	sld [smem:$0x3F8C]  }
0x28: {  	s2 =	sld [smem:$0x3F8D]  }
0x29: {  	s4 =	sld [smem:$0x3F8F]  }
0x2a: {  	p0 =	seq.s32 s5, $0x0;
	s5 =	sld [smem:$0x3F90]  }
0x2b: {  	s6 =	sld [smem:$0x3F91]  }
0x2c: {  	s7 =	sld [smem:$0x3F92]  }
0x2d: {  	s3 =	simm.s32 $0x108;
	s8 =	sld [smem:$0x3F93]  }
0x2e: {  	s3 =	simm.s32 @!p0 $0x1082;
	s9 =	sld [smem:$0x3F94]  }
0x2f: {  	lr =	sadd.s32 s0, s3;
	s0 =	sld [smem:$0x3F8B]  }
0x30: {  	s3 =	sld [smem:$0x3F8E]  }
0x31: {  	[smem:$0x3F97] =	sst s10  }
0x32: {  	s10 =	sld [smem:$0x3F95];
	_ =	sdelay $0x3  }
0x33: {  	p0 =	seq.s32 s10, $0x1;
	s10 =	sld [smem:$0x3F97];
	_ =	sdelay $0x3  }
0x34: {  	[smem:$0x3F97] =	sst s10  }
0x35: {  	s10 =	sld [smem:$0x3F96];
	_ =	sdelay $0x3  }
0x36: {  	p1 =	seq.s32 s10, $0x1;
	s10 =	sld [smem:$0x3F97];
	_ =	sdelay $0x3  }
0x37: {  	[smem:$0x3F97] =	sst s10  }
0x38: {  	s10 =	sld [smem:$0x3F98]  }
0x39: {  	_ = 	snop;
	(pc) =	sbr.ind lr, $3  }
0x3a: {  	_ = 	snop  }
0x3b: {  	_ = 	snop  }
0x3c: {  	p2 =	seq.s32 s10, $0x1;
	s10 =	sld [smem:$0x3F97]  }
0x3d: {  	_ =	shalt  }
0x3e: {  	_ =	shalt  }
0x3f: {  	_ =	shalt  }
0x40: {  	_ =	shalt  }
0x41: {  	_ =	shalt  }
0x42: {  	_ =	shalt  }
0x43: {  	_ =	shalt  }
0x44: {  	_ =	shalt  }
0x45: {  	_ =	shalt  }
0x46: {  	_ =	shalt  }
0x47: {  	_ =	shalt  }
0x48: {  	_ =	shalt  }
0x49: {  	_ =	shalt  }
0x4a: {  	_ =	shalt  }
0x4b: {  	_ =	shalt  }
0x4c: {  	_ =	shalt  }
0x4d: {  	_ =	shalt  }
0x4e: {  	_ =	shalt  }
0x4f: {  	_ =	shalt  }
0x50: {  	_ =	shalt  }
0x51: {  	_ =	shalt  }
0x52: {  	_ =	shalt  }
0x53: {  	_ =	shalt  }
0x54: {  	_ =	shalt  }
0x55: {  	_ =	shalt  }
0x56: {  	_ =	shalt  }
0x57: {  	_ =	shalt  }
0x58: {  	_ =	shalt  }
0x59: {  	_ =	shalt  }
0x5a: {  	_ =	shalt  }
0x5b: {  	_ =	shalt  }
0x5c: {  	_ =	shalt  }
0x5d: {  	_ =	shalt  }
0x5e: {  	_ =	shalt  }
0x5f: {  	_ =	shalt  }
0x60: {  	_ =	shalt  }
0x61: {  	_ =	shalt  }
0x62: {  	_ =	shalt  }
0x63: {  	_ =	shalt  }
0x64: {  	_ =	shalt  }
0x65: {  	_ =	shalt  }
0x66: {  	_ =	shalt  }
0x67: {  	_ =	shalt  }
0x68: {  	_ =	shalt  }
0x69: {  	_ =	shalt  }
0x6a: {  	_ =	shalt  }
0x6b: {  	_ =	shalt  }
0x6c: {  	_ =	shalt  }
0x6d: {  	_ =	shalt  }
0x6e: {  	_ =	shalt  }
0x6f: {  	_ =	shalt  }
0x70: {  	_ =	shalt  }
0x71: {  	_ =	shalt  }
0x72: {  	_ =	shalt  }
0x73: {  	_ =	shalt  }
0x74: {  	_ =	shalt  }
0x75: {  	_ =	shalt  }
0x76: {  	_ =	shalt  }
0x77: {  	_ =	shalt  }
0x78: {  	_ =	shalt  }
0x79: {  	_ =	shalt  }
0x7a: {  	_ =	shalt  }
0x7b: {  	_ =	shalt  }
0x7c: {  	_ =	shalt  }
0x7d: {  	_ =	shalt  }
0x7e: {  	_ =	shalt  }
0x7f: {  	_ =	shalt  }
0x80: {  	_ =	shalt  }
0x81: {  	_ =	shalt  }
0x82: {  	_ =	shalt  }
0x83: {  	_ =	shalt  }
0x84: {  	_ =	shalt  }
0x85: {  	_ =	shalt  }
0x86: {  	_ =	shalt  }
0x87: {  	_ =	shalt  }
.Lfunc_end0:
.L_simem_size_0:
called_computation.4_lowered:
.L_overlay_start_0:
0x88: {  	s2 =	sld [smem:$0x3FD9]  }
0x89: {  	s3 =	sld [smem:$0x3FFE];
	_ =	sdelay $0x1  }
0x8a: {  	s1 =	srdreg.scid  }
0x8b: {  	s0 =	sand.u32 $0x1, s1  }
0x8c: {  	s17 =	sshll.u32 s0, $0xA;
	s2 =	sadd.s32 s3, s2  }
0x8d: {  	s2 =	sadd.s32 s2, s17  }
0x8e: {  	[smem:$0x3FA3] =	sst s2  }
0x8f: {  	_ = 	snop  }
0x90: {  	s2 =	sld [smem:$0x3FD0];
	(tm) =	ssettm $0x1  }
0x91: {  	s18 =	sld [smem:$0x3FFB];
	_ =	sdelay $0x3  }
0x92: {  	_ =	strace s18  }
0x93: {  	s3 =	sld [smem:$0x3FFC];
	_ =	sdelay $0x3  }
0x94: {  	_ =	strace s3  }
0x95: {  	s3 =	sld [smem:$0x3FFD];
	_ =	sdelay $0x3  }
0x96: {  	_ =	strace s3  }
0x97: {  	_ =	strace $0x8FFFFFFF  }
0x98: {  	s19 =	sld [smem:$0x3FDB];
	_ =	sdelay $0x1  }
0x99: {  	s4 =	simm.s32 $_scs_section_size  }
0x9a: {  	s5 =	simm.s32 $_size__tile_overlayer_lowered;
	s6 =	simm.s32 $_tile_overlayer_lowered  }
0x9b: {  	s22 =	simm.s32 $0x1BFF;
	s21 =	sshll.u32 s6, $0x1;
	s3 =	sadd.s32 s4, s19  }
0x9c: {  	s7 =	simm.s32 $0x0;
	s20 =	sshll.u32 s5, $0x1;
	s5 =	sadd.s32 s21, s3  }
0x9d: {  	[timem:s7], [sflag:s22] =	dma.local [hbm:s5], s20  }
0x9e: {  	_ =	swait.ge [sflag:s22], s20  }
0x9f: {  	s4 =	ssub.s32 $0x0, s20;
	[sflag:s22] =	ssyncset.done $0x0  }
0xa0: {  	[sflag:s22] =	ssyncadd.s32 s4;
	_ =	sdelay $0x1  }
0xa1: {  	s23 =	simm.s32 $0x1B8B  }
0xa2: {  	_ =	swait.ge [sflag:s23], $0x1  }
0xa3: {  	[sflag:s23] =	ssyncset.done $0x0  }
0xa4: {  	s25 =	simm.s32 $0x1B8E;
	s24 =	sld [smem:$0x3FFE];
	[sflag:s23] =	ssyncadd.s32 $0xFFFFFFFF  }
0xa5: {  	s26 =	simm.s32 $execute0_lowered;
	[smem:$0x3FD2] =	sst s25  }
0xa6: {  	s5 =	sshll.u32 s26, $0x1;
	_ =	strace $0x80000052;
	[dreg:$0x1] =	wrdreg $0xFFFFFFFF  }
0xa7: {  	s28 =	simm.s32 $_size_execute0_lowered;
	s3 =	sadd.s32 s3, s5;
	[dreg:$0x0] =	wrdreg $0x0  }
0xa8: {  	s5 =	sshll.u32 s28, $0x1;
	[dreg:$0x2] =	wrdreg s3  }
0xa9: {  	[dreg:$0x3] =	wrdreg s5  }
0xaa: {  	[dreg:$0x4] =	wrdreg $0xC0  }
0xab: {  	_ =	task [dreg:s7], $0x5FFFF  }
0xac: {  	[dreg:$0x1] =	wrdreg $0xFFFFFFFF  }
0xad: {  	[dreg:$0x0] =	wrdreg $0x60  }
0xae: {  	[dreg:$0x2] =	wrdreg s24  }
0xaf: {  	[dreg:$0x3] =	wrdreg s2  }
0xb0: {  	[dreg:$0x4] =	wrdreg $0x9  }
0xb1: {  	_ =	task.clear_ibuf [dreg:s7], $0x5FFFF;
	_ =	strace $0x90000052  }
0xb2: {  	s29 =	simm.s32 $0x9;
	_ =	strace $0x80000054  }
0xb3: {  	_ =	swait.ge [sflag:s29], $0x1  }
0xb4: {  	[sflag:s29] =	ssyncadd.s32 $0xFFFFFFFF  }
0xb5: {  	_ =	strace $0x90000054  }
0xb6: {  	_ =	sfence  }
0xb7: {  	s30 =	sld [smem:$0x0];
	_ =	sdelay $0x2  }
0xb8: {  	s31 =	sshll.u32 s1, $0xD;
	s1 =	sshrl.u32 s1, $0x2  }
0xb9: {  	s3 =	sand.u32 $0x4000, s31;
	s1 =	sadd.s32 s1, s30  }
0xba: {  	s0 =	sor.u32 s3, s0;
	s1 =	sshll.u32 s1, $0x11  }
0xbb: {  	s0 =	sor.u32 s1, s0  }
0xbc: {  	s0 =	sadd.s32 $0x8F2B, s0  }
0xbd: {  	[sflag:s0] =	ssyncadd.remote.s32 $0x1  }
0xbe: {  	_ =	sfence.sel $0xFFFF  }
0xbf: {  	[dreg:$0x0] =	wrdreg $0xFFFFFFFF;
	(pc) =	sbr.abs _section_cstart, $3  }
0xc0: {  	[dreg:$0x1] =	wrdreg $0xFFFFFFFF  }
0xc1: {  	_ =	task.clear_ibuf [dreg:s7], $0x2FFFF;
	_ =	strace $0x9FFFFFFF  }
0xc2: {  	(tm) =	ssettm $0x7FFFFFFF  }
0xc3: {  	_ =	shalt  }
tec
execute0_lowered:
.L_overlay_start_1:
0x0: {  	(tag) =	ssettag $0x1  }
0x1: {  	s1 =	srdreg.scid  }
0x2: {  	s8 =	rddreg [dreg:$0x0];
	s0 =	stileid.u32  }
0x3: {  	s3 =	rddreg [dreg:$0x1];
	s7 =	simm.s32 $0x1;
	s6 =	sand.u32 $0x1, s1  }
0x4: {  	s2 =	sshll.u32 s0, $0x8;
	s1 =	rddreg [dreg:$0x2];
	s4 =	sshll.u32 s6, $0x7  }
0x5: {  	p0 =	slt.u32 s0, $0x8;
	s10 =	ssub.s32 $0x2, s6;
	s9 =	sor.u32 s4, s2  }
0x6: {  	s6 =	simm.s32 $0x80;
	s4 =	sshrl.u32 s9, $0x3;
	s5 =	sadd.s32 $0xFFFFF800, s9  }
0x7: {  	s2 =	simm.s32 $0x0;
	s4 =	sadd.s32 s4, s8;
	s5 =	sshrl.u32 s5, $0x3  }
0x8: {  	[smem:$0x7FF] =	sst s2;
	s3 =	sadd.s32 s3, s5;
	s4 =	sadd.s32 $0x9600, s4  }
0x9: {  	_ =	strace $0x80000053;
	s3 =	smov.u32 @p0 s4;
	s4 =	simm.s32 $0x2  }
0xa: {  	[tilespmem:s2], [sflag:$0x2] =	stream.linear.gather [hbm4b:s3+s2], $0x80, $0x38;
	[tilespmem:$0x4080] =	vst v63  }
0xb: {  	s11 =	sshrl.u32 s10, $0x1;
	s9 =	sshll.u32 s9, $0x4;
	_ =	swait.ge [sflag:s4], $0x80  }
0xc: {  	s31 =	ssub.s32 s10, s11;
	s5 =	sadd.s32 $0x9800, s8;
	[sflag:s4] =	ssyncset.done $0x0  }
0xd: {  	s8 =	sadd.s32 s9, s8;
	s9 =	smax.u32 s31, $0x1;
	[sflag:s4] =	ssyncadd.s32 $0xFFFFFF80  }
0xe: {  	[tilespmem:s6], [sflag:$0x1] =	stream.indirect.gather [hbm4b:s5+s6], $0x80, s2, s6, $0xb8;
	[tilespmem:$0x4080] =	vst v63  }
0xf: {  	p0 =	sne.s32 s9, $0x1;
	_ =	swait.ge [sflag:s7], $0x4000  }
.Ltmp0:
0x10: {  	[sflag:s7] =	ssyncset.done $0x0;
	(pc) =	sbr.rel @!p0 .LBB2_2-.Ltmp0, $4  }
0x11: {  	s8 =	sadd.s32 $0x30A00, s8;
	[sflag:s7] =	ssyncadd.s32 $0xFFFFC000  }
0x12: {  	[hbm4b:s8+s2] =	stream.linear.scatter [tilespmem:s6], [sflag:$0x2], $0x4000, $0x38;
	[tilespmem:$0x4080] =	vst v63  }
0x13: {  	_ =	swait.ge [sflag:s4], $0x4000  }
0x14: {  	s9 =	sadd.s32 $0xFFFFFFFF, s9;
	[sflag:s4] =	ssyncset.done $0x0  }
.LBB2_1:
0x15: {  	p0 =	sne.s32 s9, $0x1;
	s9 =	sadd.s32 $0xFFFFFFFF, s9;
	[sflag:s4] =	ssyncadd.s32 $0xFFFFC000  }
0x16: {  	[tilespmem:s2], [sflag:$0x2] =	stream.linear.gather [hbm4b:s3+s2], $0x80, $0x38;
	[tilespmem:$0x4080] =	vst v63  }
0x17: {  	_ =	swait.ge [sflag:s4], $0x80  }
0x18: {  	[sflag:s4] =	ssyncset.done $0x0  }
0x19: {  	[sflag:s4] =	ssyncadd.s32 $0xFFFFFF80  }
0x1a: {  	[tilespmem:s6], [sflag:$0x1] =	stream.indirect.gather [hbm4b:s5+s6], $0x80, s2, s6, $0xb8;
	[tilespmem:$0x4080] =	vst v63  }
0x1b: {  	_ =	swait.ge [sflag:s7], $0x4000  }
.Ltmp1:
0x1c: {  	[sflag:s7] =	ssyncset.done $0x0;
	(pc) =	sbr.rel @p0 .LBB2_1-.Ltmp1, $4  }
0x1d: {  	[sflag:s7] =	ssyncadd.s32 $0xFFFFC000  }
0x1e: {  	[hbm4b:s8+s2] =	stream.linear.scatter [tilespmem:s6], [sflag:$0x2], $0x4000, $0x38;
	[tilespmem:$0x4080] =	vst v63  }
0x1f: {  	_ =	swait.ge [sflag:s4], $0x4000  }
0x20: {  	[sflag:s4] =	ssyncset.done $0x0  }
.LBB2_2:
0x21: {  	[sflag:s4] =	ssyncadd.s32 $0xFFFFC000  }
0x22: {  	_ =	sfence.sel $0x180000  }
0x23: {  	[bflag:$0x0] =	sbarrier.arrive $0xFFFF  }
0x24: {  	p0 =	sne.s32 s0, $0x0;
	_ =	strace $0x90000053  }
0x25: {  	s0 =	sadd.s32 @!p0 $0x100000, s1;
	[bflag:$0x2] =	sbarrier.arrive $0xFFFF  }
0x26: {  	[sflag:s0] =	ssyncadd.tile.s32 @!p0 $0x1;
	_ =	shalt  }
.Lfunc_end2:
_tile_overlayer_lowered:
.L_overlay_start_2:
0x27: {  	(tag) =	ssettag $0x2  }
0x28: {  	s0 =	rddreg [dreg:$0x0];
	s2 =	stileid.u32  }
0x29: {  	s1 =	rddreg [dreg:$0x1];
	p0 =	sne.s32 s2, $0x0  }
0x2a: {  	s3 =	rddreg [dreg:$0x2];
	[bflag:$0x3] =	sbarrier.arrive $0xFFFF;
	s2 =	simm.s32 @!p0 $0x1C02  }
0x2b: {  	[timem:s3], [sflag:s2] =	dma.local @!p0 [hbm:s0], s1  }
0x2c: {  	s0 =	simm.s32 @!p0 $0x2  }
0x2d: {  	_ =	swait.ge @!p0 [sflag:s0], s1  }
0x2e: {  	s1 =	ssub.s32 @!p0 $0x0, s1;
	[sflag:s0] =	ssyncset.done @!p0 $0x0  }
0x2f: {  	[sflag:s0] =	ssyncadd.s32 @!p0 s1  }
0x30: {  	[bflag:$0x3] =	sbarrier.arrive $0xFFFF  }
0x31: {  	_ =	shalt  }

// kernel: kernel.30.cloned.1.call-start
scs
__scs_entry_jumppad:
0x0: {  	(pc) =	sbr.rel $0x88, $3  }
0x1: {  	(tag) =	ssettag $0x0;
	lr =	simm.s32 $0x1  }
0x2: {  	[smem:$0x3F7C] =	sst lr;
	_ =	strace $0xD0000000  }
0x3: {  	_ = 	snop  }
0x4: {  	_ = 	snop  }
0x5: {  	_ = 	snop  }
0x6: {  	_ = 	snop  }
0x7: {  	_ = 	snop  }
__scs_overlays_trampoline_lowered:
0x8: {  	[smem:$0x3F8B] =	sst s0  }
0x9: {  	[smem:$0x3F8C] =	sst s1  }
0xa: {  	[smem:$0x3F8D] =	sst s2  }
0xb: {  	[smem:$0x3F8E] =	sst s3  }
0xc: {  	[smem:$0x3F8F] =	sst s4  }
0xd: {  	[smem:$0x3F90] =	sst s5  }
0xe: {  	[smem:$0x3F91] =	sst s6  }
0xf: {  	[smem:$0x3F92] =	sst s7  }
0x10: {  	[smem:$0x3F93] =	sst s8  }
0x11: {  	[smem:$0x3F94] =	sst s9;
	s0 =	simm.s32 @!p0 $0x0  }
0x12: {  	s1 =	sld [smem:$0x3F7A];
	s0 =	simm.s32 @p0 $0x1  }
0x13: {  	[smem:$0x3F95] =	sst s0;
	s0 =	simm.s32 @!p1 $0x0  }
0x14: {  	s2 =	sld [smem:$0x3F79];
	s0 =	simm.s32 @p1 $0x1  }
0x15: {  	[smem:$0x3F96] =	sst s0;
	s0 =	simm.s32 @!p2 $0x0  }
0x16: {  	s3 =	sld [smem:$0x3FDB];
	s0 =	simm.s32 @p2 $0x1  }
0x17: {  	s4 =	simm.s32 $0x1BF5;
	[smem:$0x3F98] =	sst s0  }
0x18: {  	s0 =	sld [smem:$0x3F7B];
	_ =	swait.ge [sflag:s4], $0x0  }
0x19: {  	s7 =	sld [smem:$0x3F7C]  }
0x1a: {  	s8 =	sadd.s32 $0xFFFFE003, lr  }
0x1b: {  	s9 =	sadd.s32 $0xFFFFFEF7, lr;
	s5 =	simm.s32 $0xFFFFFFFF;
	p2 =	slt.u32 s8, $0xFFFFF086  }
0x1c: {  	p1 =	slt.u32 s9, $0xF7A;
	s5 =	simm.s32 @!p2 $0x0  }
0x1d: {  	s5 =	simm.s32 @p1 $0x1;
	p0 =	seq.s32 s7, s2  }
0x1e: {  	s7 =	smul.u32 @!p0 $0xF7A, s2;
	p2 =	seq.s32 @!p0 s5, $0x0  }
0x1f: {  	s9 =	smul.u32 $0xF7A, s1;
	s8 =	simm.s32 @!p0 $0x1BF5;
	p2 =	por !p2, p0  }
0x20: {  	[sflag:s8] =	ssyncset.s32 @!p0 $0xFFFFF086;
	s6 =	sadd.s32 @!p0 s3, s7;
	s7 =	simm.s32 @!p0 $0x108  }
0x21: {  	s3 =	sadd.s32 s3, s9;
	s6 =	sadd.s32 @!p0 $0x88, s6;
	s7 =	simm.s32 @p2 $0x1082  }
0x22: {  	[simem:s7], [sflag:s8] =	dma.local @!p0 [hbm:s6], $0xF7A  }
0x23: {  	s9 =	sor.u32 $0xD0000000, s2;
	s6 =	simm.s32 $0x108;
	_ =	swait.ge @!p0 [sflag:s8], $0x0  }
0x24: {  	s3 =	sadd.s32 $0x88, s3;
	s6 =	simm.s32 @!p1 $0x1082;
	[sflag:s4] =	ssyncset.s32 $0xFFFFF086  }
0x25: {  	[simem:s6], [sflag:s4] =	dma.local [hbm:s3], $0xF7A  }
0x26: {  	[smem:$0x3F7C] =	sst s1;
	(tag) =	ssettag s2;
	_ =	strace s9  }
0x27: {  	s1 =	sld [smem:$0x3F8C]  }
0x28: {  	s2 =	sld [smem:$0x3F8D]  }
0x29: {  	s4 =	sld [smem:$0x3F8F]  }
0x2a: {  	p0 =	seq.s32 s5, $0x0;
	s5 =	sld [smem:$0x3F90]  }
0x2b: {  	s6 =	sld [smem:$0x3F91]  }
0x2c: {  	s7 =	sld [smem:$0x3F92]  }
0x2d: {  	s3 =	simm.s32 $0x108;
	s8 =	sld [smem:$0x3F93]  }
0x2e: {  	s3 =	simm.s32 @!p0 $0x1082;
	s9 =	sld [smem:$0x3F94]  }
0x2f: {  	lr =	sadd.s32 s0, s3;
	s0 =	sld [smem:$0x3F8B]  }
0x30: {  	s3 =	sld [smem:$0x3F8E]  }
0x31: {  	[smem:$0x3F97] =	sst s10  }
0x32: {  	s10 =	sld [smem:$0x3F95];
	_ =	sdelay $0x3  }
0x33: {  	p0 =	seq.s32 s10, $0x1;
	s10 =	sld [smem:$0x3F97];
	_ =	sdelay $0x3  }
0x34: {  	[smem:$0x3F97] =	sst s10  }
0x35: {  	s10 =	sld [smem:$0x3F96];
	_ =	sdelay $0x3  }
0x36: {  	p1 =	seq.s32 s10, $0x1;
	s10 =	sld [smem:$0x3F97];
	_ =	sdelay $0x3  }
0x37: {  	[smem:$0x3F97] =	sst s10  }
0x38: {  	s10 =	sld [smem:$0x3F98]  }
0x39: {  	_ = 	snop;
	(pc) =	sbr.ind lr, $3  }
0x3a: {  	_ = 	snop  }
0x3b: {  	_ = 	snop  }
0x3c: {  	p2 =	seq.s32 s10, $0x1;
	s10 =	sld [smem:$0x3F97]  }
0x3d: {  	_ =	shalt  }
0x3e: {  	_ =	shalt  }
0x3f: {  	_ =	shalt  }
0x40: {  	_ =	shalt  }
0x41: {  	_ =	shalt  }
0x42: {  	_ =	shalt  }
0x43: {  	_ =	shalt  }
0x44: {  	_ =	shalt  }
0x45: {  	_ =	shalt  }
0x46: {  	_ =	shalt  }
0x47: {  	_ =	shalt  }
0x48: {  	_ =	shalt  }
0x49: {  	_ =	shalt  }
0x4a: {  	_ =	shalt  }
0x4b: {  	_ =	shalt  }
0x4c: {  	_ =	shalt  }
0x4d: {  	_ =	shalt  }
0x4e: {  	_ =	shalt  }
0x4f: {  	_ =	shalt  }
0x50: {  	_ =	shalt  }
0x51: {  	_ =	shalt  }
0x52: {  	_ =	shalt  }
0x53: {  	_ =	shalt  }
0x54: {  	_ =	shalt  }
0x55: {  	_ =	shalt  }
0x56: {  	_ =	shalt  }
0x57: {  	_ =	shalt  }
0x58: {  	_ =	shalt  }
0x59: {  	_ =	shalt  }
0x5a: {  	_ =	shalt  }
0x5b: {  	_ =	shalt  }
0x5c: {  	_ =	shalt  }
0x5d: {  	_ =	shalt  }
0x5e: {  	_ =	shalt  }
0x5f: {  	_ =	shalt  }
0x60: {  	_ =	shalt  }
0x61: {  	_ =	shalt  }
0x62: {  	_ =	shalt  }
0x63: {  	_ =	shalt  }
0x64: {  	_ =	shalt  }
0x65: {  	_ =	shalt  }
0x66: {  	_ =	shalt  }
0x67: {  	_ =	shalt  }
0x68: {  	_ =	shalt  }
0x69: {  	_ =	shalt  }
0x6a: {  	_ =	shalt  }
0x6b: {  	_ =	shalt  }
0x6c: {  	_ =	shalt  }
0x6d: {  	_ =	shalt  }
0x6e: {  	_ =	shalt  }
0x6f: {  	_ =	shalt  }
0x70: {  	_ =	shalt  }
0x71: {  	_ =	shalt  }
0x72: {  	_ =	shalt  }
0x73: {  	_ =	shalt  }
0x74: {  	_ =	shalt  }
0x75: {  	_ =	shalt  }
0x76: {  	_ =	shalt  }
0x77: {  	_ =	shalt  }
0x78: {  	_ =	shalt  }
0x79: {  	_ =	shalt  }
0x7a: {  	_ =	shalt  }
0x7b: {  	_ =	shalt  }
0x7c: {  	_ =	shalt  }
0x7d: {  	_ =	shalt  }
0x7e: {  	_ =	shalt  }
0x7f: {  	_ =	shalt  }
0x80: {  	_ =	shalt  }
0x81: {  	_ =	shalt  }
0x82: {  	_ =	shalt  }
0x83: {  	_ =	shalt  }
0x84: {  	_ =	shalt  }
0x85: {  	_ =	shalt  }
0x86: {  	_ =	shalt  }
0x87: {  	_ =	shalt  }
.Lfunc_end0:
.L_simem_size_0:
called_computation.5_lowered:
.L_overlay_start_0:
0x88: {  	s2 =	sld [smem:$0x3FD9]  }
0x89: {  	s3 =	sld [smem:$0x3FFE];
	_ =	sdelay $0x1  }
0x8a: {  	s1 =	srdreg.scid  }
0x8b: {  	s0 =	sand.u32 $0x1, s1  }
0x8c: {  	s17 =	sshll.u32 s0, $0xA;
	s2 =	sadd.s32 s3, s2  }
0x8d: {  	s2 =	sadd.s32 s2, s17  }
0x8e: {  	[smem:$0x3FA3] =	sst s2  }
0x8f: {  	_ = 	snop  }
0x90: {  	s2 =	sld [smem:$0x3FD0];
	(tm) =	ssettm $0x1  }
0x91: {  	s18 =	sld [smem:$0x3FFB];
	_ =	sdelay $0x3  }
0x92: {  	_ =	strace s18  }
0x93: {  	s3 =	sld [smem:$0x3FFC];
	_ =	sdelay $0x3  }
0x94: {  	_ =	strace s3  }
0x95: {  	s3 =	sld [smem:$0x3FFD];
	_ =	sdelay $0x3  }
0x96: {  	_ =	strace s3  }
0x97: {  	_ =	strace $0x8FFFFFFF  }
0x98: {  	s19 =	sld [smem:$0x3FDB];
	_ =	sdelay $0x1  }
0x99: {  	s4 =	simm.s32 $_scs_section_size  }
0x9a: {  	s5 =	simm.s32 $_size__tile_overlayer_lowered;
	s6 =	simm.s32 $_tile_overlayer_lowered  }
0x9b: {  	s22 =	simm.s32 $0x1BFF;
	s21 =	sshll.u32 s6, $0x1;
	s3 =	sadd.s32 s4, s19  }
0x9c: {  	s7 =	simm.s32 $0x0;
	s20 =	sshll.u32 s5, $0x1;
	s5 =	sadd.s32 s21, s3  }
0x9d: {  	[timem:s7], [sflag:s22] =	dma.local [hbm:s5], s20  }
0x9e: {  	_ =	swait.ge [sflag:s22], s20  }
0x9f: {  	s4 =	ssub.s32 $0x0, s20;
	[sflag:s22] =	ssyncset.done $0x0  }
0xa0: {  	[sflag:s22] =	ssyncadd.s32 s4;
	_ =	sdelay $0x1  }
0xa1: {  	s23 =	simm.s32 $0x1B8B  }
0xa2: {  	_ =	swait.ge [sflag:s23], $0x1  }
0xa3: {  	[sflag:s23] =	ssyncset.done $0x0  }
0xa4: {  	s25 =	simm.s32 $0x1B8E;
	s24 =	sld [smem:$0x3FFE];
	[sflag:s23] =	ssyncadd.s32 $0xFFFFFFFF  }
0xa5: {  	s26 =	simm.s32 $execute0_lowered;
	[smem:$0x3FD2] =	sst s25  }
0xa6: {  	s5 =	sshll.u32 s26, $0x1;
	_ =	strace $0x80000055;
	[dreg:$0x1] =	wrdreg $0xFFFFFFFF  }
0xa7: {  	s28 =	simm.s32 $_size_execute0_lowered;
	s3 =	sadd.s32 s3, s5;
	[dreg:$0x0] =	wrdreg $0x0  }
0xa8: {  	s5 =	sshll.u32 s28, $0x1;
	[dreg:$0x2] =	wrdreg s3  }
0xa9: {  	[dreg:$0x3] =	wrdreg s5  }
0xaa: {  	[dreg:$0x4] =	wrdreg $0xC0  }
0xab: {  	_ =	task [dreg:s7], $0x5FFFF  }
0xac: {  	[dreg:$0x1] =	wrdreg $0xFFFFFFFF  }
0xad: {  	[dreg:$0x0] =	wrdreg $0x60  }
0xae: {  	[dreg:$0x2] =	wrdreg s24  }
0xaf: {  	[dreg:$0x3] =	wrdreg s2  }
0xb0: {  	[dreg:$0x4] =	wrdreg $0x61000  }
0xb1: {  	[dreg:$0x5] =	wrdreg $0x9  }
0xb2: {  	_ =	task.clear_ibuf [dreg:s7], $0x6FFFF;
	_ =	strace $0x90000055  }
0xb3: {  	s29 =	simm.s32 $0x9;
	_ =	strace $0x80000057  }
0xb4: {  	_ =	swait.ge [sflag:s29], $0x1  }
0xb5: {  	[sflag:s29] =	ssyncadd.s32 $0xFFFFFFFF  }
0xb6: {  	_ =	strace $0x90000057  }
0xb7: {  	_ =	sfence  }
0xb8: {  	s30 =	sld [smem:$0x0];
	_ =	sdelay $0x2  }
0xb9: {  	s31 =	sshll.u32 s1, $0xD;
	s1 =	sshrl.u32 s1, $0x2  }
0xba: {  	s3 =	sand.u32 $0x4000, s31;
	s1 =	sadd.s32 s1, s30  }
0xbb: {  	s0 =	sor.u32 s3, s0;
	s1 =	sshll.u32 s1, $0x11  }
0xbc: {  	s0 =	sor.u32 s1, s0  }
0xbd: {  	s0 =	sadd.s32 $0x8F2B, s0  }
0xbe: {  	[sflag:s0] =	ssyncadd.remote.s32 $0x1  }
0xbf: {  	_ =	sfence.sel $0xFFFF  }
0xc0: {  	[dreg:$0x0] =	wrdreg $0xFFFFFFFF;
	(pc) =	sbr.abs _section_cstart, $3  }
0xc1: {  	[dreg:$0x1] =	wrdreg $0xFFFFFFFF  }
0xc2: {  	_ =	task.clear_ibuf [dreg:s7], $0x2FFFF;
	_ =	strace $0x9FFFFFFF  }
0xc3: {  	(tm) =	ssettm $0x7FFFFFFF  }
tec
execute0_lowered:
.L_overlay_start_1:
0x0: {  	(tag) =	ssettag $0x1  }
0x1: {  	s4 =	rddreg [dreg:$0x0]  }
0x2: {  	s5 =	rddreg [dreg:$0x1]  }
0x3: {  	s1 =	rddreg [dreg:$0x2]  }
0x4: {  	s0 =	rddreg [dreg:$0x3];
	s2 =	simm.s32 $0x0  }
0x5: {  	s3 =	srdreg.scid;
	s16 =	simm.s32 $0x1;
	s17 =	simm.s32 $0x3  }
0x6: {  	s18 =	simm.s32 $0x2;
	s10 =	sand.u32 $0x1, s3;
	s3 =	stileid.u32  }
0x7: {  	s19 =	simm.s32 $0x80;
	s20 =	simm.s32 $0x4;
	s9 =	smul.u32 $0x27200, s3  }
0x8: {  	[smem:$0x7FF] =	sst s2;
	s12 =	sadd.s32 $0x38A00, s4;
	s22 =	smul.u32 $0x1388, s10  }
0x9: {  	s24 =	sadd.s32 $0x9C000, s1;
	_ =	strace $0x80000056;
	s11 =	smul.u32 $0x27000, s3  }
0xa: {  	s6 =	ssub.s32 $0x2, s10;
	s7 =	sshll.u32 s3, $0xB;
	s14 =	smul.u32 $0x138, s3  }
0xb: {  	s28 =	sshll.u32 s3, $0x4;
	s15 =	smul.u32 $0x9C400, s10;
	p0 =	sne.s32 s3, $0xF  }
0xc: {  	s21 =	sshll.u32 s3, $0x6;
	s8 =	sshrl.u32 s6, $0x1;
	s7 =	sadd.s32 s7, s4  }
0xd: {  	s4 =	sadd.s32 s5, s28;
	s21 =	sor.u32 $0x1C04, s21;
	s13 =	ssub.s32 s6, s8  }
0xe: {  	s29 =	sshrl.u32 s9, $0x2;
	s6 =	sadd.s32 $0x30A00, s7;
	s11 =	sshrl.u32 s11, $0x2  }
0xf: {  	s14 =	sadd.s32 s14, s22;
	s31 =	sshrl.u32 s15, $0x3;
	s15 =	simm.s32 $0x4100  }
0x10: {  	s5 =	sadd.s32 s29, s1;
	s23 =	sadd.s32 s11, s1;
	s30 =	sshll.u32 s14, $0x4  }
0x11: {  	s13 =	smax.u32 s13, $0x1;
	s14 =	simm.s32 $0x100;
	s7 =	sadd.s32 $0x2000, s5  }
0x12: {  	s8 =	sadd.s32 $0x4000, s5;
	s9 =	sadd.s32 $0x6000, s5;
	s10 =	sadd.s32 $0x8000, s5  }
0x13: {  	v0 =	vmov s22;
	s11 =	sadd.s32 s12, s30;
	s12 =	sadd.s32 s12, s31;
	s22 =	sshrl.u32 s23, $0x3  }
0x14: {  	v1 =	vimm.f32 $0.0e+00;
	s23 =	sshrl.u32 @!p0 s24, $0x3;
	s24 =	simm.s32 $0x0;
	s12 =	sadd.s32 $0x13800, s12  }
.LBB2_1:
0x15: {  	[tilespmem:s2], [sflag:$0x1] =	stream.linear.gather [hbm4b:s4+s2], $0x80, $0x38;
	[tilespmem:$0xFD80] =	vst v63  }
0x16: {  	s25 =	simm.s32 $0x0;
	s26 =	simm.s32 $0x200  }
0x17: {  	[tilespmem:s14], [sflag:$0x2] =	stream.linear.gather [hbm4b:s6+s2], $0x4000, $0x38;
	[tilespmem:$0xFD80] =	vst v63  }
.LBB2_2:
0x18: {  	p1 =	sne.s32 s26, $0x7E00;
	[tilespmem:s25+$0x4170] =	vst v1  }
0x19: {  	[tilespmem:s25+$0x4100] =	vst v1  }
0x1a: {  	[tilespmem:s25+$0x4110] =	vst v1  }
.Ltmp0:
0x1b: {  	[tilespmem:s25+$0x4120] =	vst v1;
	(pc) =	sbr.rel @p1 .LBB2_2-.Ltmp0, $4  }
0x1c: {  	[tilespmem:s25+$0x4130] =	vst v1  }
0x1d: {  	[tilespmem:s25+$0x4140] =	vst v1  }
0x1e: {  	[tilespmem:s25+$0x4150] =	vst v1  }
0x1f: {  	[tilespmem:s25+$0x4160] =	vst v1;
	s25 =	sshra.s32 s26, $0x2;
	s26 =	sadd.s32 $0x200, s26  }
0x20: {  	[tilespmem:s25+$0x4170] =	vst v1  }
0x21: {  	[tilespmem:s25+$0x4100] =	vst v1  }
0x22: {  	[tilespmem:s25+$0x4110] =	vst v1  }
0x23: {  	[tilespmem:s25+$0x4120] =	vst v1  }
0x24: {  	[tilespmem:s25+$0x4130] =	vst v1  }
0x25: {  	[tilespmem:s25+$0x4140] =	vst v1  }
0x26: {  	[tilespmem:s25+$0x4150] =	vst v1  }
0x27: {  	[tilespmem:s25+$0x4160] =	vst v1  }
0x28: {  	[spmem:s5] =	stream.linear.scatter [tilespmem:s15], [sflag:$0x3], $0x2000, $0x38;
	[tilespmem:$0xFD80] =	vst v63  }
0x29: {  	_ = 	snop  }
0x2a: {  	[spmem:s7] =	stream.linear.scatter [tilespmem:s15], [sflag:$0x3], $0x2000, $0x38;
	[tilespmem:$0xFD80] =	vst v63  }
0x2b: {  	_ = 	snop  }
0x2c: {  	[spmem:s8] =	stream.linear.scatter [tilespmem:s15], [sflag:$0x3], $0x2000, $0x38;
	[tilespmem:$0xFD80] =	vst v63  }
0x2d: {  	_ = 	snop  }
0x2e: {  	[spmem:s9] =	stream.linear.scatter [tilespmem:s15], [sflag:$0x3], $0x2000, $0x38;
	[tilespmem:$0xFD80] =	vst v63  }
0x2f: {  	_ = 	snop  }
0x30: {  	[spmem:s10] =	stream.linear.scatter [tilespmem:s15], [sflag:$0x3], $0x1C80, $0x38;
	[tilespmem:$0xFD80] =	vst v63  }
0x31: {  	_ =	swait.ge [sflag:s16], $0x80  }
0x32: {  	[sflag:s16] =	ssyncset.done $0x0  }
0x33: {  	[sflag:s16] =	ssyncadd.s32 $0xFFFFFF80  }
0x34: {  	v2 =	vld [tilespmem:$0x0]  }
0x35: {  	v3 =	vld [tilespmem:$0x10]  }
0x36: {  	v4 =	vld [tilespmem:$0x20]  }
0x37: {  	v5 =	vld [tilespmem:$0x30]  }
0x38: {  	v6 =	vld [tilespmem:$0x40]  }
0x39: {  	v7 =	vld [tilespmem:$0x50];
	v2 =	vsub.s32 v2, v0  }
0x3a: {  	v8 =	vld [tilespmem:$0x60];
	v3 =	vsub.s32 v3, v0;
	v2 =	vmin.u32 v2, $0x1388  }
0x3b: {  	v63 =	vld [tilespmem:$0x70];
	[tilespmem:$0x80] =	vst v2;
	v2 =	vmin.u32 v3, $0x1388;
	v3 =	vsub.s32 v4, v0  }
0x3c: {  	[tilespmem:$0x90] =	vst v2;
	v2 =	vmin.u32 v3, $0x1388;
	v3 =	vsub.s32 v5, v0  }
0x3d: {  	[tilespmem:$0xA0] =	vst v2;
	v2 =	vmin.u32 v3, $0x1388;
	v3 =	vsub.s32 v6, v0  }
0x3e: {  	[tilespmem:$0xB0] =	vst v2;
	v2 =	vmin.u32 v3, $0x1388;
	v3 =	vsub.s32 v7, v0  }
0x3f: {  	[tilespmem:$0xC0] =	vst v2;
	v2 =	vmin.u32 v3, $0x1388;
	v3 =	vsub.s32 v8, v0  }
0x40: {  	[tilespmem:$0xD0] =	vst v2;
	v2 =	vmin.u32 v3, $0x1388;
	v3 =	vsub.s32 v63, v0  }
0x41: {  	[tilespmem:$0xE0] =	vst v2;
	v2 =	vmin.u32 v3, $0x1388  }
0x42: {  	[tilespmem:$0xF0] =	vst v2  }
0x43: {  	_ =	swait.ge [sflag:s17], $0x2000  }
0x44: {  	[sflag:s17] =	ssyncset.done $0x0  }
0x45: {  	[sflag:s17] =	ssyncadd.s32 $0xFFFFE000  }
0x46: {  	_ =	swait.ge [sflag:s17], $0x2000  }
0x47: {  	[sflag:s17] =	ssyncset.done $0x0  }
0x48: {  	[sflag:s17] =	ssyncadd.s32 $0xFFFFE000  }
0x49: {  	_ =	swait.ge [sflag:s17], $0x2000  }
0x4a: {  	[sflag:s17] =	ssyncset.done $0x0  }
0x4b: {  	[sflag:s17] =	ssyncadd.s32 $0xFFFFE000  }
0x4c: {  	_ =	swait.ge [sflag:s17], $0x2000  }
0x4d: {  	[sflag:s17] =	ssyncset.done $0x0  }
0x4e: {  	[sflag:s17] =	ssyncadd.s32 $0xFFFFE000  }
0x4f: {  	_ =	swait.ge [sflag:s17], $0x1C80  }
0x50: {  	[sflag:s17] =	ssyncset.done $0x0  }
0x51: {  	[sflag:s17] =	ssyncadd.s32 $0xFFFFE380  }
0x52: {  	_ =	swait.ge [sflag:s18], $0x4000  }
0x53: {  	[sflag:s18] =	ssyncset.done $0x0  }
0x54: {  	[sflag:s18] =	ssyncadd.s32 $0xFFFFC000  }
0x55: {  	[bflag:$0x0] =	sbarrier.arrive $0xFFFF  }
0x56: {  	[spmem:s1] =	stream.indirect.scatter.add.f32 [tilespmem:s14], [sflag:$0x4], $0x80, s19, s19, $0xb8;
	[tilespmem:$0xFD80] =	vst v63  }
0x57: {  	_ =	swait.ge [sflag:s20], $0x4000  }
0x58: {  	[sflag:s20] =	ssyncset.done $0x0  }
0x59: {  	[sflag:s20] =	ssyncadd.s32 $0xFFFFC000  }
0x5a: {  	[bflag:$0x0] =	sbarrier.arrive $0xFFFF  }
0x5b: {  	[hbm:s11], [sflag:s21] =	dma.local [spmem:s22], $0x1380  }
0x5c: {  	s24 =	sadd.s32 $0x1, s24;
	_ =	swait.ge [sflag:s20], $0x1380  }
0x5d: {  	p1 =	sne.s32 s24, s13;
	[sflag:s20] =	ssyncset.done $0x0  }
.Ltmp1:
0x5e: {  	s25 =	simm.s32 @!p0 $0x4;
	[sflag:s20] =	ssyncadd.s32 $0xFFFFEC80;
	(pc) =	sbr.rel @p1 .LBB2_1-.Ltmp1, $4  }
0x5f: {  	[hbm:s12], [sflag:s21] =	dma.local @!p0 [spmem:s23], $0x80  }
0x60: {  	_ =	swait.ge @!p0 [sflag:s25], $0x80  }
0x61: {  	[sflag:s25] =	ssyncset.done @!p0 $0x0  }
0x62: {  	[sflag:s25] =	ssyncadd.s32 @!p0 $0xFFFFFF80  }
0x63: {  	_ =	sfence.sel $0x180000  }
0x64: {  	[bflag:$0x0] =	sbarrier.arrive $0xFFFF  }
0x65: {  	p0 =	sne.s32 s3, $0x0;
	_ =	strace $0x90000056  }
0x66: {  	s0 =	sadd.s32 @!p0 $0x100000, s0;
	[bflag:$0x2] =	sbarrier.arrive $0xFFFF  }
0x67: {  	[sflag:s0] =	ssyncadd.tile.s32 @!p0 $0x1;
	_ =	shalt  }
.Lfunc_end2:
_tile_overlayer_lowered:
.L_overlay_start_2:
0x68: {  	(tag) =	ssettag $0x2  }
0x69: {  	s0 =	rddreg [dreg:$0x0];
	s2 =	stileid.u32  }
0x6a: {  	s1 =	rddreg [dreg:$0x1];
	p0 =	sne.s32 s2, $0x0  }
0x6b: {  	s3 =	rddreg [dreg:$0x2];
	[bflag:$0x3] =	sbarrier.arrive $0xFFFF;
	s2 =	simm.s32 @!p0 $0x1C04  }
0x6c: {  	[timem:s3], [sflag:s2] =	dma.local @!p0 [hbm:s0], s1  }
0x6d: {  	s0 =	simm.s32 @!p0 $0x4  }
0x6e: {  	_ =	swait.ge @!p0 [sflag:s0], s1  }
0x6f: {  	s1 =	ssub.s32 @!p0 $0x0, s1;
	[sflag:s0] =	ssyncset.done @!p0 $0x0  }
0x70: {  	[sflag:s0] =	ssyncadd.s32 @!p0 s1  }
0x71: {  	[bflag:$0x3] =	sbarrier.arrive $0xFFFF  }
0x72: {  	_ =	shalt  }

</sc_bundles>
